<compile_context>
chip_gen: v7x
topology: tpu7x:2x2x1
jax: 0.10.2.dev20260603
libtpu: 0.0.44.dev20260713+nightly
codegen_flags: <defaults>
</compile_context>

<pallas_src>
import functools

import jax
import jax.numpy as jnp
from jax import lax
from jax.experimental import pallas as pl
from jax.experimental.pallas import tpu as pltpu
from jax.experimental.pallas import tpu_sc as plsc

RADIUS2 = 0.2 * 0.2
NS = 32
B, N, M, C = 8, 4096, 1024, 128
CO = 3 + C
NC, NSUB, L = 2, 16, 16
NW = NC * NSUB
QPW = (B * M) // NW
QT = 64
CH = 2
UNROLL = 4

_MESH = plsc.VectorSubcoreMesh(core_axis_name="c", subcore_axis_name="s")


def _featt_body(f_ref, fo_ref):
    fo_ref[...] = jnp.transpose(f_ref[0], (1, 0)).reshape(1, 1, C * N)


def _featt(features):
    return pl.pallas_call(
        _featt_body,
        grid=(B,),
        in_specs=[pl.BlockSpec((1, N, C), lambda b: (b, 0, 0))],
        out_specs=pl.BlockSpec((1, 1, C * N), lambda b: (b, 0, 0)),
        out_shape=jax.ShapeDtypeStruct((B, 1, C * N), jnp.float32),
    )(features)


def _untile_body(i_ref, o_ref):
    o_ref[...] = i_ref[...].reshape(4, NS, M)


def _untile(flat):
    return pl.pallas_call(
        _untile_body,
        grid=(B * CO // 4,),
        in_specs=[pl.BlockSpec((4 * NS * M,), lambda i: (i,))],
        out_specs=pl.BlockSpec((4, NS, M), lambda i: (i, 0, 0)),
        out_shape=jax.ShapeDtypeStruct((B * CO, NS, M), jnp.float32),
    )(flat)


@functools.partial(
    pl.kernel,
    out_type=jax.ShapeDtypeStruct((B * M * NS,), jnp.int32),
    mesh=_MESH,
    compiler_params=pltpu.CompilerParams(needs_layout_passes=False),
    scratch_types=[
        pltpu.VMEM((3 * N,), jnp.float32),
        pltpu.VMEM((3 * N,), jnp.float32),
        pltpu.VMEM((QPW * 3,), jnp.float32),
        pltpu.VMEM((128,), jnp.int32),
        pltpu.VMEM((QPW * NS,), jnp.int32),
    ],
)
def _ball_query(xyz_hbm, nxyz_hbm, idx_hbm, xyzraw, xyzv, nqv, hits, idxo):
    wid = lax.axis_index("s") * NC + lax.axis_index("c")
    g0 = wid * QPW
    b = g0 // M
    pltpu.sync_copy(xyz_hbm.at[pl.ds(b * N * 3, N * 3)], xyzraw)
    pltpu.sync_copy(nxyz_hbm.at[pl.ds(g0 * 3, QPW * 3)], nqv)

    iota = lax.iota(jnp.int32, L)
    one16 = jnp.full((L,), 1, jnp.int32)
    two16 = jnp.full((L,), 2, jnp.int32)

    def soa(i, carry):
        pts3 = (iota + i * L) * 3
        xyzv[pl.ds(i * L, L)] = plsc.load_gather(xyzraw, [pts3])
        xyzv[pl.ds(N + i * L, L)] = plsc.load_gather(xyzraw, [pts3 + one16])
        xyzv[pl.ds(2 * N + i * L, L)] = plsc.load_gather(xyzraw, [pts3 + two16])
        return carry

    lax.fori_loop(0, N // L, soa, 0)

    def qbody(q, carry):
        qsel = one16 * (3 * q)
        qx = plsc.load_gather(nqv, [qsel])
        qy = plsc.load_gather(nqv, [qsel + one16])
        qz = plsc.load_gather(nqv, [qsel + two16])
        hits[pl.ds(0, L)] = jnp.full((L,), N, jnp.int32)

        def cond(st):
            chunk, cnt = st
            return (cnt < NS) & (chunk < N // L)

        def body(st):
            chunk, cnt = st
            j = chunk * L
            msks = []
            pcs = []
            for u in range(UNROLL):
                vx = xyzv[pl.ds(j + u * L, L)]
                vy = xyzv[pl.ds(N + j + u * L, L)]
                vz = xyzv[pl.ds(2 * N + j + u * L, L)]
                dx = vx - qx
                dy = vy - qy
                dz = vz - qz
                d2 = dx * dx + dy * dy + dz * dz
                msks.append(d2 < RADIUS2)
                pcs.append(jnp.sum(msks[-1].astype(jnp.int32)))
            offs = [cnt]
            for u in range(UNROLL):
                offs.append(offs[-1] + pcs[u])
            for u in range(UNROLL):
                plsc.store_compressed(hits.at[pl.ds(offs[u], L)],
                                      iota + (j + u * L), mask=msks[u])
            return chunk + UNROLL, offs[-1]

        _, cnt = lax.while_loop(cond, body, (jnp.int32(0), jnp.int32(0)))
        fs = jnp.min(hits[pl.ds(0, L)])
        fs = jnp.where(fs == N, 0, fs)
        first = one16 * fs
        for h in range(2):
            lanepos = iota + h * L
            vals = hits[pl.ds(h * L, L)]
            idxo[pl.ds(q * NS + h * L, L)] = jnp.where(lanepos < cnt, vals, first)
        return carry

    lax.fori_loop(0, QPW, qbody, 0)
    pltpu.sync_copy(idxo, idx_hbm.at[pl.ds(g0 * NS, QPW * NS)])


@functools.partial(
    pl.kernel,
    out_type=jax.ShapeDtypeStruct((B * CO * M * NS,), jnp.float32),
    mesh=_MESH,
    compiler_params=pltpu.CompilerParams(needs_layout_passes=False),
    scratch_types=[
        pltpu.VMEM((M * NS,), jnp.int32),
        pltpu.VMEM((CH * N,), jnp.float32),
        pltpu.VMEM((NS * M,), jnp.float32),
        pltpu.VMEM((NS * M,), jnp.float32),
        pltpu.VMEM((CH * QT * 33,), jnp.float32),
        pltpu.VMEM((3 * N,), jnp.float32),
        pltpu.VMEM((M * 3,), jnp.float32),
    ],
)
def _group(featt_hbm, xyz_hbm, nxyz_hbm, idx_hbm, out_hbm,
           idxv, fch, sbufa, sbufb, tstg, xyzraw, nqv):
    wid = lax.axis_index("s") * NC + lax.axis_index("c")
    b = wid // 4
    qtr = wid % 4
    pltpu.sync_copy(idx_hbm.at[pl.ds(b * M * NS, M * NS)], idxv)

    iota = lax.iota(jnp.int32, L)
    chofs = [jnp.full((L,), ch * N, jnp.int32) for ch in range(CH)]
    one16 = jnp.full((L,), 1, jnp.int32)

    sidx = [(iota + h * L) * M for h in range(2)]

    tix = [(iota + qh * L) * 33 for qh in range(QT // L)]

    def sub_body(sub, carry):
        c0 = qtr * (C // 4) + sub * CH
        pltpu.sync_copy(featt_hbm.at[pl.ds((b * C + c0) * N, CH * N)], fch)

        def t_body(t, c2):
            @plsc.parallel_loop(0, QT, unroll=2)
            def fill(ql):
                q = t * QT + ql
                for h in range(2):
                    ih = idxv[pl.ds(q * NS + h * L, L)]
                    for ch in range(CH):
                        tstg[pl.ds((ch * QT + ql) * 33 + h * L, L)] = (
                            plsc.load_gather(fch, [ih + chofs[ch]]))

            @plsc.parallel_loop(0, NS, unroll=2)
            def tr(s):
                sv = one16 * s
                for ch in range(CH):
                    buf = sbufa if ch == 0 else sbufb
                    for qh in range(QT // L):
                        g = plsc.load_gather(
                            tstg, [tix[qh] + (sv + ch * (QT * 33))])
                        buf[pl.ds(s * M + t * QT + qh * L, L)] = g
            return c2

        lax.fori_loop(0, M // QT, t_body, 0)
        pltpu.sync_copy(sbufa,
                        out_hbm.at[pl.ds((b * CO + 3 + c0) * NS * M, NS * M)])
        pltpu.sync_copy(sbufb,
                        out_hbm.at[pl.ds((b * CO + 4 + c0) * NS * M, NS * M)])
        return carry

    lax.fori_loop(0, C // CH // 4, sub_body, 0)

    @pl.when(qtr == 0)
    def _xyz_duty():
        pltpu.sync_copy(xyz_hbm.at[pl.ds(b * N * 3, N * 3)], xyzraw)
        pltpu.sync_copy(nxyz_hbm.at[pl.ds(b * M * 3, M * 3)], nqv)

        for d in range(3):
            def t_body(t, c2, d=d):
                @plsc.parallel_loop(0, QT, unroll=2)
                def fill(ql, d=d):
                    q = t * QT + ql
                    qd = plsc.load_gather(nqv, [one16 * (3 * q + d)])
                    for h in range(2):
                        ih = idxv[pl.ds(q * NS + h * L, L)]
                        a = plsc.load_gather(
                            xyzraw, [ih * 3 + d * one16] if d else [ih * 3])
                        tstg[pl.ds(ql * 33 + h * L, L)] = a - qd

                @plsc.parallel_loop(0, NS, unroll=2)
                def tr(s):
                    sv = one16 * s
                    for qh in range(QT // L):
                        g = plsc.load_gather(tstg, [tix[qh] + sv])
                        sbufa[pl.ds(s * M + t * QT + qh * L, L)] = g
                return c2

            lax.fori_loop(0, M // QT, t_body, 0)
            pltpu.sync_copy(sbufa,
                            out_hbm.at[pl.ds((b * CO + d) * NS * M, NS * M)])


def kernel(xyz, new_xyz, features):
    featt = _featt(features).reshape(-1)
    idx = _ball_query(xyz.reshape(-1), new_xyz.reshape(-1))
    out = _group(featt, xyz.reshape(-1), new_xyz.reshape(-1), idx)
    out4 = _untile(out).reshape(B, CO, NS, M)
    return jnp.transpose(out4, (0, 1, 3, 2))

# --- scband reference (transcript-rebuilt; emitter-appended) ---
"""Pipeline reference for scband-query-and-group-52896817217695 (READ-ONLY COPY).

The authoritative reference and input builder live on the scoring server;
editing this copy changes nothing except your own understanding.
"""

import jax, jax.numpy as jnp
import numpy as np

RADIUS = 0.2
NSAMPLE = 32
USE_XYZ = True


def ball_query(new_xyz, xyz, radius, nsample):
    # new_xyz: [B, M, 3], xyz: [B, N, 3] -> idx: [B, M, nsample] int32
    N = xyz.shape[1]
    dist2 = jnp.sum((new_xyz[:, :, None, :] - xyz[:, None, :, :]) ** 2, axis=-1)  # [B, M, N]
    mask = dist2 < (radius * radius)
    idx_cand = jnp.where(mask, jnp.arange(N, dtype=jnp.int32)[None, None, :], jnp.int32(N))
    # smallest nsample indices within the radius (matches CUDA ball_query order)
    neg_vals, _ = jax.lax.top_k(-idx_cand, nsample)
    idx = -neg_vals  # ascending
    first = idx[..., :1]
    idx = jnp.where(idx == N, first, idx)  # pad empty slots with first found index
    idx = jnp.where(idx == N, 0, idx)      # no neighbor at all -> 0 (CUDA init behavior)
    return idx


def group_points(points, idx):
    # points: [B, N, C], idx: [B, M, ns] -> [B, M, ns, C]
    return jax.vmap(lambda p, i: p[i])(points, idx)


def setup_inputs(seed: int = 0):
    key = jax.random.key(seed)
    k1, k2, k3 = jax.random.split(key, 3)
    B, N, M, C = 8, 4096, 1024, 128
    xyz = jax.random.uniform(k1, (B, N, 3), dtype=jnp.float32)
    new_xyz = jax.random.uniform(k2, (B, M, 3), dtype=jnp.float32)
    features = jax.random.normal(k3, (B, N, C), dtype=jnp.float32)
    return {"xyz": xyz, "new_xyz": new_xyz, "features": features}


def reference(xyz, new_xyz, features):
    idx = ball_query(new_xyz, xyz, RADIUS, NSAMPLE)            # [B, M, ns]
    grouped_xyz = group_points(xyz, idx)                        # [B, M, ns, 3]
    grouped_xyz = grouped_xyz - new_xyz[:, :, None, :]
    grouped_features = group_points(features, idx)              # [B, M, ns, C]
    if USE_XYZ:
        new_features = jnp.concatenate([grouped_xyz, grouped_features], axis=-1)
    else:
        new_features = grouped_features
    return jnp.transpose(new_features, (0, 3, 1, 2))            # [B, 3+C, M, ns]

if __name__ == "__main__":
    import jax
    _d = setup_inputs()
    print(jax.jit(kernel)(*tuple(_d.values())))

</pallas_src>

<mosaic_0001>
#map = affine_map<(d0, d1) -> (0)>
module attributes {stable_mosaic.version = 14 : i64} {
  func.func @_group(%arg0: i32, %arg1: i32, %arg2: memref<4194304xf32, #tpu.memory_space<hbm>>, %arg3: memref<98304xf32, #tpu.memory_space<hbm>>, %arg4: memref<24576xf32, #tpu.memory_space<hbm>>, %arg5: memref<262144xi32, #tpu.memory_space<hbm>>, %arg6: memref<34340864xf32, #tpu.memory_space<hbm>>, %arg7: memref<32768xi32, #tpu.memory_space<vmem>>, %arg8: memref<8192xf32, #tpu.memory_space<vmem>>, %arg9: memref<32768xf32, #tpu.memory_space<vmem>>, %arg10: memref<32768xf32, #tpu.memory_space<vmem>>, %arg11: memref<4224xf32, #tpu.memory_space<vmem>>, %arg12: memref<12288xf32, #tpu.memory_space<vmem>>, %arg13: memref<3072xf32, #tpu.memory_space<vmem>>) attributes {dimension_semantics = [#tpu.dimension_semantics<core_parallel>, #tpu.dimension_semantics<subcore_parallel>], iteration_bounds = array<i64: 2, 16>, scalar_prefetch = 0 : i64, scratch_operands = 7 : i64, tpu.core_type = #tpu.core_type<sc_vector_subcore>, window_params = [{transform_indices = #map}, {transform_indices = #map}, {transform_indices = #map}, {transform_indices = #map}, {transform_indices = #map}]} {
    %mul3A = arith.constant 2 : i32
    %mul3A_0 = arith.muli %arg1, %mul3A : i32
    %add3A = arith.addi %mul3A_0, %arg0 : i32
    %jit3A = arith.constant 4 : i32
    %div3A = arith.divsi %add3A, %jit3A : i32
    %sign3A = arith.constant 0 : i32
    %sign3A_1 = arith.cmpi sgt, %add3A, %sign3A : i32
    %sign3A_2 = arith.extui %sign3A_1 : i1 to i32
    %sign3A_3 = arith.constant 0 : i32
    %sign3A_4 = arith.cmpi slt, %add3A, %sign3A_3 : i32
    %sign3A_5 = arith.extui %sign3A_4 : i1 to i32
    %sign3A_6 = arith.subi %sign3A_2, %sign3A_5 : i32
    %sign3A_7 = arith.constant 0 : i32
    %sign3A_8 = arith.cmpi sgt, %jit3A, %sign3A_7 : i32
    %sign3A_9 = arith.extui %sign3A_8 : i1 to i32
    %sign3A_10 = arith.constant 0 : i32
    %sign3A_11 = arith.cmpi slt, %jit3A, %sign3A_10 : i32
    %sign3A_12 = arith.extui %sign3A_11 : i1 to i32
    %sign3A_13 = arith.subi %sign3A_9, %sign3A_12 : i32
    %ne3A = arith.cmpi ne, %sign3A_6, %sign3A_13 : i32
    %rem3A = arith.remsi %add3A, %jit3A : i32
    %ne3A_14 = arith.constant 0 : i32
    %ne3A_15 = arith.cmpi ne, %rem3A, %ne3A_14 : i32
    %and3A = arith.andi %ne3A, %ne3A_15 : i1
    %sub3A = arith.constant 1 : i32
    %sub3A_16 = arith.subi %div3A, %sub3A : i32
    %select_n3A = arith.select %and3A, %sub3A_16, %div3A : i32
    %jit3A_17 = arith.constant 4 : i32
    %eq3A = arith.constant 0 : i32
    %eq3A_18 = arith.cmpi eq, %jit3A_17, %eq3A : i32
    %jit3A_19 = arith.constant 1 : i32
    %select_n3A_20 = arith.select %eq3A_18, %jit3A_19, %jit3A_17 : i32
    %rem3A_21 = arith.remsi %add3A, %select_n3A_20 : i32
    %ne3A_22 = arith.constant 0 : i32
    %ne3A_23 = arith.cmpi ne, %rem3A_21, %ne3A_22 : i32
    %lt3A = arith.constant 0 : i32
    %lt3A_24 = arith.cmpi slt, %rem3A_21, %lt3A : i32
    %lt3A_25 = arith.constant 0 : i32
    %lt3A_26 = arith.cmpi slt, %select_n3A_20, %lt3A_25 : i32
    %ne3A_27 = arith.xori %lt3A_24, %lt3A_26 : i1
    %and3A_28 = arith.andi %ne3A_27, %ne3A_23 : i1
    %add3A_29 = arith.addi %rem3A_21, %select_n3A_20 : i32
    %select_n3A_30 = arith.select %and3A_28, %add3A_29, %rem3A_21 : i32
    %mul3A_31 = arith.constant 1024 : i32
    %mul3A_32 = arith.muli %select_n3A, %mul3A_31 : i32
    %mul3A_33 = arith.constant 32 : i32
    %mul3A_34 = arith.muli %mul3A_32, %mul3A_33 : i32
    "tpu.region"() ({
      %run_scoped3A = tpu.sem_alloc : memref<!tpu.dma_semaphore, #tpu.memory_space<semaphore_mem>>
      %dma_start3A = tpu.memref_slice %arg5[%mul3A_34] : memref<262144xi32, #tpu.memory_space<hbm>> -> memref<32768xi32, #tpu.memory_space<hbm>>
      %dma_start3A_84 = tpu.memref_slice %arg5[%mul3A_34] : memref<262144xi32, #tpu.memory_space<hbm>> -> memref<32768xi32, #tpu.memory_space<hbm>>
      tpu.enqueue_dma source(%dma_start3A_84 : memref<32768xi32, #tpu.memory_space<hbm>>) target(%arg7 : memref<32768xi32, #tpu.memory_space<vmem>>) target_semaphore(%run_scoped3A : memref<!tpu.dma_semaphore, #tpu.memory_space<semaphore_mem>>)
      %dma_wait3A = tpu.memref_slice %arg5[%mul3A_34] : memref<262144xi32, #tpu.memory_space<hbm>> -> memref<32768xi32, #tpu.memory_space<hbm>>
      %dma_wait3A_85 = tpu.memref_slice %arg5[%mul3A_34] : memref<262144xi32, #tpu.memory_space<hbm>> -> memref<32768xi32, #tpu.memory_space<hbm>>
      tpu.wait_dma2 semaphore(%run_scoped3A : memref<!tpu.dma_semaphore, #tpu.memory_space<semaphore_mem>>) src(%dma_wait3A_85 : memref<32768xi32, #tpu.memory_space<hbm>>) dst(%arg7 : memref<32768xi32, #tpu.memory_space<vmem>>)
      tpu.yield
    }) : () -> ()
    %iota3A = tpu.iota {dimensions = array<i32: 0>} : vector<16xi32>
    %broadcast_in_dim3A = arith.constant 0 : i32
    %broadcast_in_dim3A_35 = vector.broadcast %broadcast_in_dim3A : i32 to vector<16xi32>
    %broadcast_in_dim3A_36 = arith.constant 4096 : i32
    %broadcast_in_dim3A_37 = vector.broadcast %broadcast_in_dim3A_36 : i32 to vector<16xi32>
    %broadcast_in_dim3A_38 = arith.constant 1 : i32
    %broadcast_in_dim3A_39 = vector.broadcast %broadcast_in_dim3A_38 : i32 to vector<16xi32>
    %add3A_40 = arith.constant 0 : i32
    %add3A_41 = vector.broadcast %add3A_40 : i32 to vector<16xi32>
    %add3A_42 = arith.addi %iota3A, %add3A_41 : vector<16xi32>
    %mul3A_43 = arith.constant 1024 : i32
    %mul3A_44 = vector.broadcast %mul3A_43 : i32 to vector<16xi32>
    %mul3A_45 = arith.muli %add3A_42, %mul3A_44 : vector<16xi32>
    %add3A_46 = arith.constant 16 : i32
    %add3A_47 = vector.broadcast %add3A_46 : i32 to vector<16xi32>
    %add3A_48 = arith.addi %iota3A, %add3A_47 : vector<16xi32>
    %mul3A_49 = arith.constant 1024 : i32
    %mul3A_50 = vector.broadcast %mul3A_49 : i32 to vector<16xi32>
    %mul3A_51 = arith.muli %add3A_48, %mul3A_50 : vector<16xi32>
    %add3A_52 = arith.constant 0 : i32
    %add3A_53 = vector.broadcast %add3A_52 : i32 to vector<16xi32>
    %add3A_54 = arith.addi %iota3A, %add3A_53 : vector<16xi32>
    %mul3A_55 = arith.constant 33 : i32
    %mul3A_56 = vector.broadcast %mul3A_55 : i32 to vector<16xi32>
    %mul3A_57 = arith.muli %add3A_54, %mul3A_56 : vector<16xi32>
    %add3A_58 = arith.constant 16 : i32
    %add3A_59 = vector.broadcast %add3A_58 : i32 to vector<16xi32>
    %add3A_60 = arith.addi %iota3A, %add3A_59 : vector<16xi32>
    %mul3A_61 = arith.constant 33 : i32
    %mul3A_62 = vector.broadcast %mul3A_61 : i32 to vector<16xi32>
    %mul3A_63 = arith.muli %add3A_60, %mul3A_62 : vector<16xi32>
    %add3A_64 = arith.constant 32 : i32
    %add3A_65 = vector.broadcast %add3A_64 : i32 to vector<16xi32>
    %add3A_66 = arith.addi %iota3A, %add3A_65 : vector<16xi32>
    %mul3A_67 = arith.constant 33 : i32
    %mul3A_68 = vector.broadcast %mul3A_67 : i32 to vector<16xi32>
    %mul3A_69 = arith.muli %add3A_66, %mul3A_68 : vector<16xi32>
    %add3A_70 = arith.constant 48 : i32
    %add3A_71 = vector.broadcast %add3A_70 : i32 to vector<16xi32>
    %add3A_72 = arith.addi %iota3A, %add3A_71 : vector<16xi32>
    %mul3A_73 = arith.constant 33 : i32
    %mul3A_74 = vector.broadcast %mul3A_73 : i32 to vector<16xi32>
    %mul3A_75 = arith.muli %add3A_72, %mul3A_74 : vector<16xi32>
    %scan3A = arith.constant 0 : i32
    %scan3A_76 = arith.constant 0 : i32
    %scan3A_77 = arith.constant 16 : i32
    %scan3A_78 = arith.addi %scan3A_76, %scan3A_77 : i32
    %scan3A_79 = arith.constant 1 : i32
    scf.for %scan3A_84 = %scan3A_76 to %scan3A_78 step %scan3A_79  : i32 {
      %mul3A_85 = arith.constant 32 : i32
      %mul3A_86 = arith.muli %select_n3A_30, %mul3A_85 : i32
      %mul3A_87 = arith.constant 2 : i32
      %mul3A_88 = arith.muli %scan3A_84, %mul3A_87 : i32
      %add3A_89 = arith.addi %mul3A_86, %mul3A_88 : i32
      %mul3A_90 = arith.constant 128 : i32
      %mul3A_91 = arith.muli %select_n3A, %mul3A_90 : i32
      %add3A_92 = arith.addi %mul3A_91, %add3A_89 : i32
      %mul3A_93 = arith.constant 4096 : i32
      %mul3A_94 = arith.muli %add3A_92, %mul3A_93 : i32
      "tpu.region"() ({
        %run_scoped3A = tpu.sem_alloc : memref<!tpu.dma_semaphore, #tpu.memory_space<semaphore_mem>>
        %dma_start3A = tpu.memref_slice %arg2[%mul3A_94] : memref<4194304xf32, #tpu.memory_space<hbm>> -> memref<8192xf32, #tpu.memory_space<hbm>>
        %dma_start3A_119 = tpu.memref_slice %arg2[%mul3A_94] : memref<4194304xf32, #tpu.memory_space<hbm>> -> memref<8192xf32, #tpu.memory_space<hbm>>
        tpu.enqueue_dma source(%dma_start3A_119 : memref<8192xf32, #tpu.memory_space<hbm>>) target(%arg8 : memref<8192xf32, #tpu.memory_space<vmem>>) target_semaphore(%run_scoped3A : memref<!tpu.dma_semaphore, #tpu.memory_space<semaphore_mem>>)
        %dma_wait3A = tpu.memref_slice %arg2[%mul3A_94] : memref<4194304xf32, #tpu.memory_space<hbm>> -> memref<8192xf32, #tpu.memory_space<hbm>>
        %dma_wait3A_120 = tpu.memref_slice %arg2[%mul3A_94] : memref<4194304xf32, #tpu.memory_space<hbm>> -> memref<8192xf32, #tpu.memory_space<hbm>>
        tpu.wait_dma2 semaphore(%run_scoped3A : memref<!tpu.dma_semaphore, #tpu.memory_space<semaphore_mem>>) src(%dma_wait3A_120 : memref<8192xf32, #tpu.memory_space<hbm>>) dst(%arg8 : memref<8192xf32, #tpu.memory_space<vmem>>)
        tpu.yield
      }) : () -> ()
      %scan3A_95 = arith.constant 0 : i32
      %scan3A_96 = arith.constant 0 : i32
      %scan3A_97 = arith.constant 16 : i32
      %scan3A_98 = arith.addi %scan3A_96, %scan3A_97 : i32
      %scan3A_99 = arith.constant 1 : i32
      scf.for %scan3A_119 = %scan3A_96 to %scan3A_98 step %scan3A_99  : i32 {
        %parallel_loop3A = arith.constant 0 : i32
        %parallel_loop3A_120 = arith.constant 64 : i32
        %parallel_loop3A_121 = arith.constant 1 : i32
        scf.for %parallel_loop3A_125 = %parallel_loop3A to %parallel_loop3A_120 step %parallel_loop3A_121  : i32 {
          %parallel_loop3A_126 = arith.constant 64 : i32
          %parallel_loop3A_127 = arith.muli %scan3A_119, %parallel_loop3A_126 : i32
          %parallel_loop3A_128 = arith.addi %parallel_loop3A_127, %parallel_loop3A_125 : i32
          %parallel_loop3A_129 = arith.constant 32 : i32
          %parallel_loop3A_130 = arith.muli %parallel_loop3A_128, %parallel_loop3A_129 : i32
          %parallel_loop3A_131 = arith.constant 0 : i32
          %parallel_loop3A_132 = arith.addi %parallel_loop3A_130, %parallel_loop3A_131 : i32
          %parallel_loop3A_133 = arith.index_cast %parallel_loop3A_132 : i32 to index
          %parallel_loop3A_134 = tpu.vector_load %arg7[%parallel_loop3A_133] {strides = array<i32>} : memref<32768xi32, #tpu.memory_space<vmem>>, vector<16xi32>,
          %parallel_loop3A_135 = arith.addi %parallel_loop3A_134, %broadcast_in_dim3A_35 : vector<16xi32>
          %parallel_loop3A_136 = tpu.vector_load_idx %arg8[%parallel_loop3A_135] : memref<8192xf32, #tpu.memory_space<vmem>>[vector<16xi32>], vector<16xf32>,
          %parallel_loop3A_137 = arith.constant 0 : i32
          %parallel_loop3A_138 = arith.addi %parallel_loop3A_137, %parallel_loop3A_125 : i32
          %parallel_loop3A_139 = arith.constant 33 : i32
          %parallel_loop3A_140 = arith.muli %parallel_loop3A_138, %parallel_loop3A_139 : i32
          %parallel_loop3A_141 = arith.constant 0 : i32
          %parallel_loop3A_142 = arith.addi %parallel_loop3A_140, %parallel_loop3A_141 : i32
          %parallel_loop3A_143 = arith.index_cast %parallel_loop3A_142 : i32 to index
          %parallel_loop3A_144 = tpu.vector_load %arg11[%parallel_loop3A_143] {strides = array<i32>} : memref<4224xf32, #tpu.memory_space<vmem>>, vector<16xf32>,
          tpu.vector_store %arg11[%parallel_loop3A_143], %parallel_loop3A_136 {strides = array<i32>} : memref<4224xf32, #tpu.memory_space<vmem>>, vector<16xf32>,
          %parallel_loop3A_145 = arith.addi %parallel_loop3A_134, %broadcast_in_dim3A_37 : vector<16xi32>
          %parallel_loop3A_146 = tpu.vector_load_idx %arg8[%parallel_loop3A_145] : memref<8192xf32, #tpu.memory_space<vmem>>[vector<16xi32>], vector<16xf32>,
          %parallel_loop3A_147 = arith.constant 64 : i32
          %parallel_loop3A_148 = arith.addi %parallel_loop3A_147, %parallel_loop3A_125 : i32
          %parallel_loop3A_149 = arith.constant 33 : i32
          %parallel_loop3A_150 = arith.muli %parallel_loop3A_148, %parallel_loop3A_149 : i32
          %parallel_loop3A_151 = arith.constant 0 : i32
          %parallel_loop3A_152 = arith.addi %parallel_loop3A_150, %parallel_loop3A_151 : i32
          %parallel_loop3A_153 = arith.index_cast %parallel_loop3A_152 : i32 to index
          %parallel_loop3A_154 = tpu.vector_load %arg11[%parallel_loop3A_153] {strides = array<i32>} : memref<4224xf32, #tpu.memory_space<vmem>>, vector<16xf32>,
          tpu.vector_store %arg11[%parallel_loop3A_153], %parallel_loop3A_146 {strides = array<i32>} : memref<4224xf32, #tpu.memory_space<vmem>>, vector<16xf32>,
          %parallel_loop3A_155 = arith.constant 32 : i32
          %parallel_loop3A_156 = arith.muli %parallel_loop3A_128, %parallel_loop3A_155 : i32
          %parallel_loop3A_157 = arith.constant 16 : i32
          %parallel_loop3A_158 = arith.addi %parallel_loop3A_156, %parallel_loop3A_157 : i32
          %parallel_loop3A_159 = arith.index_cast %parallel_loop3A_158 : i32 to index
          %parallel_loop3A_160 = tpu.vector_load %arg7[%parallel_loop3A_159] {strides = array<i32>} : memref<32768xi32, #tpu.memory_space<vmem>>, vector<16xi32>,
          %parallel_loop3A_161 = arith.addi %parallel_loop3A_160, %broadcast_in_dim3A_35 : vector<16xi32>
          %parallel_loop3A_162 = tpu.vector_load_idx %arg8[%parallel_loop3A_161] : memref<8192xf32, #tpu.memory_space<vmem>>[vector<16xi32>], vector<16xf32>,
          %parallel_loop3A_163 = arith.constant 0 : i32
          %parallel_loop3A_164 = arith.addi %parallel_loop3A_163, %parallel_loop3A_125 : i32
          %parallel_loop3A_165 = arith.constant 33 : i32
          %parallel_loop3A_166 = arith.muli %parallel_loop3A_164, %parallel_loop3A_165 : i32
          %parallel_loop3A_167 = arith.constant 16 : i32
          %parallel_loop3A_168 = arith.addi %parallel_loop3A_166, %parallel_loop3A_167 : i32
          %parallel_loop3A_169 = arith.index_cast %parallel_loop3A_168 : i32 to index
          %parallel_loop3A_170 = tpu.vector_load %arg11[%parallel_loop3A_169] {strides = array<i32>} : memref<4224xf32, #tpu.memory_space<vmem>>, vector<16xf32>,
          tpu.vector_store %arg11[%parallel_loop3A_169], %parallel_loop3A_162 {strides = array<i32>} : memref<4224xf32, #tpu.memory_space<vmem>>, vector<16xf32>,
          %parallel_loop3A_171 = arith.addi %parallel_loop3A_160, %broadcast_in_dim3A_37 : vector<16xi32>
          %parallel_loop3A_172 = tpu.vector_load_idx %arg8[%parallel_loop3A_171] : memref<8192xf32, #tpu.memory_space<vmem>>[vector<16xi32>], vector<16xf32>,
          %parallel_loop3A_173 = arith.constant 64 : i32
          %parallel_loop3A_174 = arith.addi %parallel_loop3A_173, %parallel_loop3A_125 : i32
          %parallel_loop3A_175 = arith.constant 33 : i32
          %parallel_loop3A_176 = arith.muli %parallel_loop3A_174, %parallel_loop3A_175 : i32
          %parallel_loop3A_177 = arith.constant 16 : i32
          %parallel_loop3A_178 = arith.addi %parallel_loop3A_176, %parallel_loop3A_177 : i32
          %parallel_loop3A_179 = arith.index_cast %parallel_loop3A_178 : i32 to index
          %parallel_loop3A_180 = tpu.vector_load %arg11[%parallel_loop3A_179] {strides = array<i32>} : memref<4224xf32, #tpu.memory_space<vmem>>, vector<16xf32>,
          tpu.vector_store %arg11[%parallel_loop3A_179], %parallel_loop3A_172 {strides = array<i32>} : memref<4224xf32, #tpu.memory_space<vmem>>, vector<16xf32>,
        } {sc.loop_unroll_factor = 2 : i64, sc.parallel_access}
        %parallel_loop3A_122 = arith.constant 0 : i32
        %parallel_loop3A_123 = arith.constant 32 : i32
        %parallel_loop3A_124 = arith.constant 1 : i32
        scf.for %parallel_loop3A_125 = %parallel_loop3A_122 to %parallel_loop3A_123 step %parallel_loop3A_124  : i32 {
          %parallel_loop3A_126 = vector.broadcast %parallel_loop3A_125 : i32 to vector<16xi32>
          %parallel_loop3A_127 = arith.muli %broadcast_in_dim3A_39, %parallel_loop3A_126 : vector<16xi32>
          %parallel_loop3A_128 = arith.constant 0 : i32
          %parallel_loop3A_129 = vector.broadcast %parallel_loop3A_128 : i32 to vector<16xi32>
          %parallel_loop3A_130 = arith.addi %parallel_loop3A_127, %parallel_loop3A_129 : vector<16xi32>
          %parallel_loop3A_131 = arith.addi %mul3A_57, %parallel_loop3A_130 : vector<16xi32>
          %parallel_loop3A_132 = tpu.vector_load_idx %arg11[%parallel_loop3A_131] : memref<4224xf32, #tpu.memory_space<vmem>>[vector<16xi32>], vector<16xf32>,
          %parallel_loop3A_133 = arith.constant 1024 : i32
          %parallel_loop3A_134 = arith.muli %parallel_loop3A_125, %parallel_loop3A_133 : i32
          %parallel_loop3A_135 = arith.constant 64 : i32
          %parallel_loop3A_136 = arith.muli %scan3A_119, %parallel_loop3A_135 : i32
          %parallel_loop3A_137 = arith.addi %parallel_loop3A_134, %parallel_loop3A_136 : i32
          %parallel_loop3A_138 = arith.constant 0 : i32
          %parallel_loop3A_139 = arith.addi %parallel_loop3A_137, %parallel_loop3A_138 : i32
          %parallel_loop3A_140 = arith.index_cast %parallel_loop3A_139 : i32 to index
          %parallel_loop3A_141 = tpu.vector_load %arg9[%parallel_loop3A_140] {strides = array<i32>} : memref<32768xf32, #tpu.memory_space<vmem>>, vector<16xf32>,
          tpu.vector_store %arg9[%parallel_loop3A_140], %parallel_loop3A_132 {strides = array<i32>} : memref<32768xf32, #tpu.memory_space<vmem>>, vector<16xf32>,
          %parallel_loop3A_142 = arith.constant 0 : i32
          %parallel_loop3A_143 = vector.broadcast %parallel_loop3A_142 : i32 to vector<16xi32>
          %parallel_loop3A_144 = arith.addi %parallel_loop3A_127, %parallel_loop3A_143 : vector<16xi32>
          %parallel_loop3A_145 = arith.addi %mul3A_63, %parallel_loop3A_144 : vector<16xi32>
          %parallel_loop3A_146 = tpu.vector_load_idx %arg11[%parallel_loop3A_145] : memref<4224xf32, #tpu.memory_space<vmem>>[vector<16xi32>], vector<16xf32>,
          %parallel_loop3A_147 = arith.constant 1024 : i32
          %parallel_loop3A_148 = arith.muli %parallel_loop3A_125, %parallel_loop3A_147 : i32
          %parallel_loop3A_149 = arith.constant 64 : i32
          %parallel_loop3A_150 = arith.muli %scan3A_119, %parallel_loop3A_149 : i32
          %parallel_loop3A_151 = arith.addi %parallel_loop3A_148, %parallel_loop3A_150 : i32
          %parallel_loop3A_152 = arith.constant 16 : i32
          %parallel_loop3A_153 = arith.addi %parallel_loop3A_151, %parallel_loop3A_152 : i32
          %parallel_loop3A_154 = arith.index_cast %parallel_loop3A_153 : i32 to index
          %parallel_loop3A_155 = tpu.vector_load %arg9[%parallel_loop3A_154] {strides = array<i32>} : memref<32768xf32, #tpu.memory_space<vmem>>, vector<16xf32>,
          tpu.vector_store %arg9[%parallel_loop3A_154], %parallel_loop3A_146 {strides = array<i32>} : memref<32768xf32, #tpu.memory_space<vmem>>, vector<16xf32>,
          %parallel_loop3A_156 = arith.constant 0 : i32
          %parallel_loop3A_157 = vector.broadcast %parallel_loop3A_156 : i32 to vector<16xi32>
          %parallel_loop3A_158 = arith.addi %parallel_loop3A_127, %parallel_loop3A_157 : vector<16xi32>
          %parallel_loop3A_159 = arith.addi %mul3A_69, %parallel_loop3A_158 : vector<16xi32>
          %parallel_loop3A_160 = tpu.vector_load_idx %arg11[%parallel_loop3A_159] : memref<4224xf32, #tpu.memory_space<vmem>>[vector<16xi32>], vector<16xf32>,
          %parallel_loop3A_161 = arith.constant 1024 : i32
          %parallel_loop3A_162 = arith.muli %parallel_loop3A_125, %parallel_loop3A_161 : i32
          %parallel_loop3A_163 = arith.constant 64 : i32
          %parallel_loop3A_164 = arith.muli %scan3A_119, %parallel_loop3A_163 : i32
          %parallel_loop3A_165 = arith.addi %parallel_loop3A_162, %parallel_loop3A_164 : i32
          %parallel_loop3A_166 = arith.constant 32 : i32
          %parallel_loop3A_167 = arith.addi %parallel_loop3A_165, %parallel_loop3A_166 : i32
          %parallel_loop3A_168 = arith.index_cast %parallel_loop3A_167 : i32 to index
          %parallel_loop3A_169 = tpu.vector_load %arg9[%parallel_loop3A_168] {strides = array<i32>} : memref<32768xf32, #tpu.memory_space<vmem>>, vector<16xf32>,
          tpu.vector_store %arg9[%parallel_loop3A_168], %parallel_loop3A_160 {strides = array<i32>} : memref<32768xf32, #tpu.memory_space<vmem>>, vector<16xf32>,
          %parallel_loop3A_170 = arith.constant 0 : i32
          %parallel_loop3A_171 = vector.broadcast %parallel_loop3A_170 : i32 to vector<16xi32>
          %parallel_loop3A_172 = arith.addi %parallel_loop3A_127, %parallel_loop3A_171 : vector<16xi32>
          %parallel_loop3A_173 = arith.addi %mul3A_75, %parallel_loop3A_172 : vector<16xi32>
          %parallel_loop3A_174 = tpu.vector_load_idx %arg11[%parallel_loop3A_173] : memref<4224xf32, #tpu.memory_space<vmem>>[vector<16xi32>], vector<16xf32>,
          %parallel_loop3A_175 = arith.constant 1024 : i32
          %parallel_loop3A_176 = arith.muli %parallel_loop3A_125, %parallel_loop3A_175 : i32
          %parallel_loop3A_177 = arith.constant 64 : i32
          %parallel_loop3A_178 = arith.muli %scan3A_119, %parallel_loop3A_177 : i32
          %parallel_loop3A_179 = arith.addi %parallel_loop3A_176, %parallel_loop3A_178 : i32
          %parallel_loop3A_180 = arith.constant 48 : i32
          %parallel_loop3A_181 = arith.addi %parallel_loop3A_179, %parallel_loop3A_180 : i32
          %parallel_loop3A_182 = arith.index_cast %parallel_loop3A_181 : i32 to index
          %parallel_loop3A_183 = tpu.vector_load %arg9[%parallel_loop3A_182] {strides = array<i32>} : memref<32768xf32, #tpu.memory_space<vmem>>, vector<16xf32>,
          tpu.vector_store %arg9[%parallel_loop3A_182], %parallel_loop3A_174 {strides = array<i32>} : memref<32768xf32, #tpu.memory_space<vmem>>, vector<16xf32>,
          %parallel_loop3A_184 = arith.constant 2112 : i32
          %parallel_loop3A_185 = vector.broadcast %parallel_loop3A_184 : i32 to vector<16xi32>
          %parallel_loop3A_186 = arith.addi %parallel_loop3A_127, %parallel_loop3A_185 : vector<16xi32>
          %parallel_loop3A_187 = arith.addi %mul3A_57, %parallel_loop3A_186 : vector<16xi32>
          %parallel_loop3A_188 = tpu.vector_load_idx %arg11[%parallel_loop3A_187] : memref<4224xf32, #tpu.memory_space<vmem>>[vector<16xi32>], vector<16xf32>,
          %parallel_loop3A_189 = arith.constant 1024 : i32
          %parallel_loop3A_190 = arith.muli %parallel_loop3A_125, %parallel_loop3A_189 : i32
          %parallel_loop3A_191 = arith.constant 64 : i32
          %parallel_loop3A_192 = arith.muli %scan3A_119, %parallel_loop3A_191 : i32
          %parallel_loop3A_193 = arith.addi %parallel_loop3A_190, %parallel_loop3A_192 : i32
          %parallel_loop3A_194 = arith.constant 0 : i32
          %parallel_loop3A_195 = arith.addi %parallel_loop3A_193, %parallel_loop3A_194 : i32
          %parallel_loop3A_196 = arith.index_cast %parallel_loop3A_195 : i32 to index
          %parallel_loop3A_197 = tpu.vector_load %arg10[%parallel_loop3A_196] {strides = array<i32>} : memref<32768xf32, #tpu.memory_space<vmem>>, vector<16xf32>,
          tpu.vector_store %arg10[%parallel_loop3A_196], %parallel_loop3A_188 {strides = array<i32>} : memref<32768xf32, #tpu.memory_space<vmem>>, vector<16xf32>,
          %parallel_loop3A_198 = arith.constant 2112 : i32
          %parallel_loop3A_199 = vector.broadcast %parallel_loop3A_198 : i32 to vector<16xi32>
          %parallel_loop3A_200 = arith.addi %parallel_loop3A_127, %parallel_loop3A_199 : vector<16xi32>
          %parallel_loop3A_201 = arith.addi %mul3A_63, %parallel_loop3A_200 : vector<16xi32>
          %parallel_loop3A_202 = tpu.vector_load_idx %arg11[%parallel_loop3A_201] : memref<4224xf32, #tpu.memory_space<vmem>>[vector<16xi32>], vector<16xf32>,
          %parallel_loop3A_203 = arith.constant 1024 : i32
          %parallel_loop3A_204 = arith.muli %parallel_loop3A_125, %parallel_loop3A_203 : i32
          %parallel_loop3A_205 = arith.constant 64 : i32
          %parallel_loop3A_206 = arith.muli %scan3A_119, %parallel_loop3A_205 : i32
          %parallel_loop3A_207 = arith.addi %parallel_loop3A_204, %parallel_loop3A_206 : i32
          %parallel_loop3A_208 = arith.constant 16 : i32
          %parallel_loop3A_209 = arith.addi %parallel_loop3A_207, %parallel_loop3A_208 : i32
          %parallel_loop3A_210 = arith.index_cast %parallel_loop3A_209 : i32 to index
          %parallel_loop3A_211 = tpu.vector_load %arg10[%parallel_loop3A_210] {strides = array<i32>} : memref<32768xf32, #tpu.memory_space<vmem>>, vector<16xf32>,
          tpu.vector_store %arg10[%parallel_loop3A_210], %parallel_loop3A_202 {strides = array<i32>} : memref<32768xf32, #tpu.memory_space<vmem>>, vector<16xf32>,
          %parallel_loop3A_212 = arith.constant 2112 : i32
          %parallel_loop3A_213 = vector.broadcast %parallel_loop3A_212 : i32 to vector<16xi32>
          %parallel_loop3A_214 = arith.addi %parallel_loop3A_127, %parallel_loop3A_213 : vector<16xi32>
          %parallel_loop3A_215 = arith.addi %mul3A_69, %parallel_loop3A_214 : vector<16xi32>
          %parallel_loop3A_216 = tpu.vector_load_idx %arg11[%parallel_loop3A_215] : memref<4224xf32, #tpu.memory_space<vmem>>[vector<16xi32>], vector<16xf32>,
          %parallel_loop3A_217 = arith.constant 1024 : i32
          %parallel_loop3A_218 = arith.muli %parallel_loop3A_125, %parallel_loop3A_217 : i32
          %parallel_loop3A_219 = arith.constant 64 : i32
          %parallel_loop3A_220 = arith.muli %scan3A_119, %parallel_loop3A_219 : i32
          %parallel_loop3A_221 = arith.addi %parallel_loop3A_218, %parallel_loop3A_220 : i32
          %parallel_loop3A_222 = arith.constant 32 : i32
          %parallel_loop3A_223 = arith.addi %parallel_loop3A_221, %parallel_loop3A_222 : i32
          %parallel_loop3A_224 = arith.index_cast %parallel_loop3A_223 : i32 to index
          %parallel_loop3A_225 = tpu.vector_load %arg10[%parallel_loop3A_224] {strides = array<i32>} : memref<32768xf32, #tpu.memory_space<vmem>>, vector<16xf32>,
          tpu.vector_store %arg10[%parallel_loop3A_224], %parallel_loop3A_216 {strides = array<i32>} : memref<32768xf32, #tpu.memory_space<vmem>>, vector<16xf32>,
          %parallel_loop3A_226 = arith.constant 2112 : i32
          %parallel_loop3A_227 = vector.broadcast %parallel_loop3A_226 : i32 to vector<16xi32>
          %parallel_loop3A_228 = arith.addi %parallel_loop3A_127, %parallel_loop3A_227 : vector<16xi32>
          %parallel_loop3A_229 = arith.addi %mul3A_75, %parallel_loop3A_228 : vector<16xi32>
          %parallel_loop3A_230 = tpu.vector_load_idx %arg11[%parallel_loop3A_229] : memref<4224xf32, #tpu.memory_space<vmem>>[vector<16xi32>], vector<16xf32>,
          %parallel_loop3A_231 = arith.constant 1024 : i32
          %parallel_loop3A_232 = arith.muli %parallel_loop3A_125, %parallel_loop3A_231 : i32
          %parallel_loop3A_233 = arith.constant 64 : i32
          %parallel_loop3A_234 = arith.muli %scan3A_119, %parallel_loop3A_233 : i32
          %parallel_loop3A_235 = arith.addi %parallel_loop3A_232, %parallel_loop3A_234 : i32
          %parallel_loop3A_236 = arith.constant 48 : i32
          %parallel_loop3A_237 = arith.addi %parallel_loop3A_235, %parallel_loop3A_236 : i32
          %parallel_loop3A_238 = arith.index_cast %parallel_loop3A_237 : i32 to index
          %parallel_loop3A_239 = tpu.vector_load %arg10[%parallel_loop3A_238] {strides = array<i32>} : memref<32768xf32, #tpu.memory_space<vmem>>, vector<16xf32>,
          tpu.vector_store %arg10[%parallel_loop3A_238], %parallel_loop3A_230 {strides = array<i32>} : memref<32768xf32, #tpu.memory_space<vmem>>, vector<16xf32>,
        } {sc.loop_unroll_factor = 2 : i64, sc.parallel_access}
      }
      %scan3A_100 = arith.constant 16 : i32
      %mul3A_101 = arith.constant 131 : i32
      %mul3A_102 = arith.muli %select_n3A, %mul3A_101 : i32
      %add3A_103 = arith.constant 3 : i32
      %add3A_104 = arith.addi %mul3A_102, %add3A_103 : i32
      %add3A_105 = arith.addi %add3A_104, %add3A_89 : i32
      %mul3A_106 = arith.constant 32 : i32
      %mul3A_107 = arith.muli %add3A_105, %mul3A_106 : i32
      %mul3A_108 = arith.constant 1024 : i32
      %mul3A_109 = arith.muli %mul3A_107, %mul3A_108 : i32
      "tpu.region"() ({
        %run_scoped3A = tpu.sem_alloc : memref<!tpu.dma_semaphore, #tpu.memory_space<semaphore_mem>>
        %dma_start3A = tpu.memref_slice %arg6[%mul3A_109] : memref<34340864xf32, #tpu.memory_space<hbm>> -> memref<32768xf32, #tpu.memory_space<hbm>>
        %dma_start3A_119 = tpu.memref_slice %arg6[%mul3A_109] : memref<34340864xf32, #tpu.memory_space<hbm>> -> memref<32768xf32, #tpu.memory_space<hbm>>
        tpu.enqueue_dma source(%arg9 : memref<32768xf32, #tpu.memory_space<vmem>>) target(%dma_start3A_119 : memref<32768xf32, #tpu.memory_space<hbm>>) target_semaphore(%run_scoped3A : memref<!tpu.dma_semaphore, #tpu.memory_space<semaphore_mem>>)
        %dma_wait3A = tpu.memref_slice %arg6[%mul3A_109] : memref<34340864xf32, #tpu.memory_space<hbm>> -> memref<32768xf32, #tpu.memory_space<hbm>>
        %dma_wait3A_120 = tpu.memref_slice %arg6[%mul3A_109] : memref<34340864xf32, #tpu.memory_space<hbm>> -> memref<32768xf32, #tpu.memory_space<hbm>>
        tpu.wait_dma2 semaphore(%run_scoped3A : memref<!tpu.dma_semaphore, #tpu.memory_space<semaphore_mem>>) src(%arg9 : memref<32768xf32, #tpu.memory_space<vmem>>) dst(%dma_wait3A_120 : memref<32768xf32, #tpu.memory_space<hbm>>)
        tpu.yield
      }) : () -> ()
      %mul3A_110 = arith.constant 131 : i32
      %mul3A_111 = arith.muli %select_n3A, %mul3A_110 : i32
      %add3A_112 = arith.constant 4 : i32
      %add3A_113 = arith.addi %mul3A_111, %add3A_112 : i32
      %add3A_114 = arith.addi %add3A_113, %add3A_89 : i32
      %mul3A_115 = arith.constant 32 : i32
      %mul3A_116 = arith.muli %add3A_114, %mul3A_115 : i32
      %mul3A_117 = arith.constant 1024 : i32
      %mul3A_118 = arith.muli %mul3A_116, %mul3A_117 : i32
      "tpu.region"() ({
        %run_scoped3A = tpu.sem_alloc : memref<!tpu.dma_semaphore, #tpu.memory_space<semaphore_mem>>
        %dma_start3A = tpu.memref_slice %arg6[%mul3A_118] : memref<34340864xf32, #tpu.memory_space<hbm>> -> memref<32768xf32, #tpu.memory_space<hbm>>
        %dma_start3A_119 = tpu.memref_slice %arg6[%mul3A_118] : memref<34340864xf32, #tpu.memory_space<hbm>> -> memref<32768xf32, #tpu.memory_space<hbm>>
        tpu.enqueue_dma source(%arg10 : memref<32768xf32, #tpu.memory_space<vmem>>) target(%dma_start3A_119 : memref<32768xf32, #tpu.memory_space<hbm>>) target_semaphore(%run_scoped3A : memref<!tpu.dma_semaphore, #tpu.memory_space<semaphore_mem>>)
        %dma_wait3A = tpu.memref_slice %arg6[%mul3A_118] : memref<34340864xf32, #tpu.memory_space<hbm>> -> memref<32768xf32, #tpu.memory_space<hbm>>
        %dma_wait3A_120 = tpu.memref_slice %arg6[%mul3A_118] : memref<34340864xf32, #tpu.memory_space<hbm>> -> memref<32768xf32, #tpu.memory_space<hbm>>
        tpu.wait_dma2 semaphore(%run_scoped3A : memref<!tpu.dma_semaphore, #tpu.memory_space<semaphore_mem>>) src(%arg10 : memref<32768xf32, #tpu.memory_space<vmem>>) dst(%dma_wait3A_120 : memref<32768xf32, #tpu.memory_space<hbm>>)
        tpu.yield
      }) : () -> ()
    }
    %scan3A_80 = arith.constant 16 : i32
    %eq3A_81 = arith.constant 0 : i32
    %eq3A_82 = arith.cmpi eq, %select_n3A_30, %eq3A_81 : i32
    %convert_element_type3A = arith.extui %eq3A_82 : i1 to i32
    %cond3A = arith.constant 0 : i32
    %cond3A_83 = arith.cmpi ne, %convert_element_type3A, %cond3A : i32
    scf.if %cond3A_83 {
      %mul3A_84 = arith.constant 4096 : i32
      %mul3A_85 = arith.muli %select_n3A, %mul3A_84 : i32
      %mul3A_86 = arith.constant 3 : i32
      %mul3A_87 = arith.muli %mul3A_85, %mul3A_86 : i32
      "tpu.region"() ({
        %run_scoped3A = tpu.sem_alloc : memref<!tpu.dma_semaphore, #tpu.memory_space<semaphore_mem>>
        %dma_start3A = tpu.memref_slice %arg3[%mul3A_87] : memref<98304xf32, #tpu.memory_space<hbm>> -> memref<12288xf32, #tpu.memory_space<hbm>>
        %dma_start3A_134 = tpu.memref_slice %arg3[%mul3A_87] : memref<98304xf32, #tpu.memory_space<hbm>> -> memref<12288xf32, #tpu.memory_space<hbm>>
        tpu.enqueue_dma source(%dma_start3A_134 : memref<12288xf32, #tpu.memory_space<hbm>>) target(%arg12 : memref<12288xf32, #tpu.memory_space<vmem>>) target_semaphore(%run_scoped3A : memref<!tpu.dma_semaphore, #tpu.memory_space<semaphore_mem>>)
        %dma_wait3A = tpu.memref_slice %arg3[%mul3A_87] : memref<98304xf32, #tpu.memory_space<hbm>> -> memref<12288xf32, #tpu.memory_space<hbm>>
        %dma_wait3A_135 = tpu.memref_slice %arg3[%mul3A_87] : memref<98304xf32, #tpu.memory_space<hbm>> -> memref<12288xf32, #tpu.memory_space<hbm>>
        tpu.wait_dma2 semaphore(%run_scoped3A : memref<!tpu.dma_semaphore, #tpu.memory_space<semaphore_mem>>) src(%dma_wait3A_135 : memref<12288xf32, #tpu.memory_space<hbm>>) dst(%arg12 : memref<12288xf32, #tpu.memory_space<vmem>>)
        tpu.yield
      }) : () -> ()
      %mul3A_88 = arith.constant 1024 : i32
      %mul3A_89 = arith.muli %select_n3A, %mul3A_88 : i32
      %mul3A_90 = arith.constant 3 : i32
      %mul3A_91 = arith.muli %mul3A_89, %mul3A_90 : i32
      "tpu.region"() ({
        %run_scoped3A = tpu.sem_alloc : memref<!tpu.dma_semaphore, #tpu.memory_space<semaphore_mem>>
        %dma_start3A = tpu.memref_slice %arg4[%mul3A_91] : memref<24576xf32, #tpu.memory_space<hbm>> -> memref<3072xf32, #tpu.memory_space<hbm>>
        %dma_start3A_134 = tpu.memref_slice %arg4[%mul3A_91] : memref<24576xf32, #tpu.memory_space<hbm>> -> memref<3072xf32, #tpu.memory_space<hbm>>
        tpu.enqueue_dma source(%dma_start3A_134 : memref<3072xf32, #tpu.memory_space<hbm>>) target(%arg13 : memref<3072xf32, #tpu.memory_space<vmem>>) target_semaphore(%run_scoped3A : memref<!tpu.dma_semaphore, #tpu.memory_space<semaphore_mem>>)
        %dma_wait3A = tpu.memref_slice %arg4[%mul3A_91] : memref<24576xf32, #tpu.memory_space<hbm>> -> memref<3072xf32, #tpu.memory_space<hbm>>
        %dma_wait3A_135 = tpu.memref_slice %arg4[%mul3A_91] : memref<24576xf32, #tpu.memory_space<hbm>> -> memref<3072xf32, #tpu.memory_space<hbm>>
        tpu.wait_dma2 semaphore(%run_scoped3A : memref<!tpu.dma_semaphore, #tpu.memory_space<semaphore_mem>>) src(%dma_wait3A_135 : memref<3072xf32, #tpu.memory_space<hbm>>) dst(%arg13 : memref<3072xf32, #tpu.memory_space<vmem>>)
        tpu.yield
      }) : () -> ()
      %scan3A_92 = arith.constant 0 : i32
      %scan3A_93 = arith.constant 0 : i32
      %scan3A_94 = arith.constant 16 : i32
      %scan3A_95 = arith.addi %scan3A_93, %scan3A_94 : i32
      %scan3A_96 = arith.constant 1 : i32
      scf.for %scan3A_134 = %scan3A_93 to %scan3A_95 step %scan3A_96  : i32 {
        %parallel_loop3A = arith.constant 0 : i32
        %parallel_loop3A_135 = arith.constant 64 : i32
        %parallel_loop3A_136 = arith.constant 1 : i32
        scf.for %parallel_loop3A_140 = %parallel_loop3A to %parallel_loop3A_135 step %parallel_loop3A_136  : i32 {
          %parallel_loop3A_141 = arith.constant 64 : i32
          %parallel_loop3A_142 = arith.muli %scan3A_134, %parallel_loop3A_141 : i32
          %parallel_loop3A_143 = arith.addi %parallel_loop3A_142, %parallel_loop3A_140 : i32
          %parallel_loop3A_144 = arith.constant 3 : i32
          %parallel_loop3A_145 = arith.muli %parallel_loop3A_144, %parallel_loop3A_143 : i32
          %parallel_loop3A_146 = arith.constant 0 : i32
          %parallel_loop3A_147 = arith.addi %parallel_loop3A_145, %parallel_loop3A_146 : i32
          %parallel_loop3A_148 = vector.broadcast %parallel_loop3A_147 : i32 to vector<16xi32>
          %parallel_loop3A_149 = arith.muli %broadcast_in_dim3A_39, %parallel_loop3A_148 : vector<16xi32>
          %parallel_loop3A_150 = tpu.vector_load_idx %arg13[%parallel_loop3A_149] : memref<3072xf32, #tpu.memory_space<vmem>>[vector<16xi32>], vector<16xf32>,
          %parallel_loop3A_151 = arith.constant 32 : i32
          %parallel_loop3A_152 = arith.muli %parallel_loop3A_143, %parallel_loop3A_151 : i32
          %parallel_loop3A_153 = arith.constant 0 : i32
          %parallel_loop3A_154 = arith.addi %parallel_loop3A_152, %parallel_loop3A_153 : i32
          %parallel_loop3A_155 = arith.index_cast %parallel_loop3A_154 : i32 to index
          %parallel_loop3A_156 = tpu.vector_load %arg7[%parallel_loop3A_155] {strides = array<i32>} : memref<32768xi32, #tpu.memory_space<vmem>>, vector<16xi32>,
          %parallel_loop3A_157 = arith.constant 3 : i32
          %parallel_loop3A_158 = vector.broadcast %parallel_loop3A_157 : i32 to vector<16xi32>
          %parallel_loop3A_159 = arith.muli %parallel_loop3A_156, %parallel_loop3A_158 : vector<16xi32>
          %parallel_loop3A_160 = tpu.vector_load_idx %arg12[%parallel_loop3A_159] : memref<12288xf32, #tpu.memory_space<vmem>>[vector<16xi32>], vector<16xf32>,
          %parallel_loop3A_161 = arith.subf %parallel_loop3A_160, %parallel_loop3A_150 : vector<16xf32>
          %parallel_loop3A_162 = arith.constant 33 : i32
          %parallel_loop3A_163 = arith.muli %parallel_loop3A_140, %parallel_loop3A_162 : i32
          %parallel_loop3A_164 = arith.constant 0 : i32
          %parallel_loop3A_165 = arith.addi %parallel_loop3A_163, %parallel_loop3A_164 : i32
          %parallel_loop3A_166 = arith.index_cast %parallel_loop3A_165 : i32 to index
          %parallel_loop3A_167 = tpu.vector_load %arg11[%parallel_loop3A_166] {strides = array<i32>} : memref<4224xf32, #tpu.memory_space<vmem>>, vector<16xf32>,
          tpu.vector_store %arg11[%parallel_loop3A_166], %parallel_loop3A_161 {strides = array<i32>} : memref<4224xf32, #tpu.memory_space<vmem>>, vector<16xf32>,
          %parallel_loop3A_168 = arith.constant 32 : i32
          %parallel_loop3A_169 = arith.muli %parallel_loop3A_143, %parallel_loop3A_168 : i32
          %parallel_loop3A_170 = arith.constant 16 : i32
          %parallel_loop3A_171 = arith.addi %parallel_loop3A_169, %parallel_loop3A_170 : i32
          %parallel_loop3A_172 = arith.index_cast %parallel_loop3A_171 : i32 to index
          %parallel_loop3A_173 = tpu.vector_load %arg7[%parallel_loop3A_172] {strides = array<i32>} : memref<32768xi32, #tpu.memory_space<vmem>>, vector<16xi32>,
          %parallel_loop3A_174 = arith.constant 3 : i32
          %parallel_loop3A_175 = vector.broadcast %parallel_loop3A_174 : i32 to vector<16xi32>
          %parallel_loop3A_176 = arith.muli %parallel_loop3A_173, %parallel_loop3A_175 : vector<16xi32>
          %parallel_loop3A_177 = tpu.vector_load_idx %arg12[%parallel_loop3A_176] : memref<12288xf32, #tpu.memory_space<vmem>>[vector<16xi32>], vector<16xf32>,
          %parallel_loop3A_178 = arith.subf %parallel_loop3A_177, %parallel_loop3A_150 : vector<16xf32>
          %parallel_loop3A_179 = arith.constant 33 : i32
          %parallel_loop3A_180 = arith.muli %parallel_loop3A_140, %parallel_loop3A_179 : i32
          %parallel_loop3A_181 = arith.constant 16 : i32
          %parallel_loop3A_182 = arith.addi %parallel_loop3A_180, %parallel_loop3A_181 : i32
          %parallel_loop3A_183 = arith.index_cast %parallel_loop3A_182 : i32 to index
          %parallel_loop3A_184 = tpu.vector_load %arg11[%parallel_loop3A_183] {strides = array<i32>} : memref<4224xf32, #tpu.memory_space<vmem>>, vector<16xf32>,
          tpu.vector_store %arg11[%parallel_loop3A_183], %parallel_loop3A_178 {strides = array<i32>} : memref<4224xf32, #tpu.memory_space<vmem>>, vector<16xf32>,
        } {sc.loop_unroll_factor = 2 : i64, sc.parallel_access}
        %parallel_loop3A_137 = arith.constant 0 : i32
        %parallel_loop3A_138 = arith.constant 32 : i32
        %parallel_loop3A_139 = arith.constant 1 : i32
        scf.for %parallel_loop3A_140 = %parallel_loop3A_137 to %parallel_loop3A_138 step %parallel_loop3A_139  : i32 {
          %parallel_loop3A_141 = vector.broadcast %parallel_loop3A_140 : i32 to vector<16xi32>
          %parallel_loop3A_142 = arith.muli %broadcast_in_dim3A_39, %parallel_loop3A_141 : vector<16xi32>
          %parallel_loop3A_143 = arith.addi %mul3A_57, %parallel_loop3A_142 : vector<16xi32>
          %parallel_loop3A_144 = tpu.vector_load_idx %arg11[%parallel_loop3A_143] : memref<4224xf32, #tpu.memory_space<vmem>>[vector<16xi32>], vector<16xf32>,
          %parallel_loop3A_145 = arith.constant 1024 : i32
          %parallel_loop3A_146 = arith.muli %parallel_loop3A_140, %parallel_loop3A_145 : i32
          %parallel_loop3A_147 = arith.constant 64 : i32
          %parallel_loop3A_148 = arith.muli %scan3A_134, %parallel_loop3A_147 : i32
          %parallel_loop3A_149 = arith.addi %parallel_loop3A_146, %parallel_loop3A_148 : i32
          %parallel_loop3A_150 = arith.constant 0 : i32
          %parallel_loop3A_151 = arith.addi %parallel_loop3A_149, %parallel_loop3A_150 : i32
          %parallel_loop3A_152 = arith.index_cast %parallel_loop3A_151 : i32 to index
          %parallel_loop3A_153 = tpu.vector_load %arg9[%parallel_loop3A_152] {strides = array<i32>} : memref<32768xf32, #tpu.memory_space<vmem>>, vector<16xf32>,
          tpu.vector_store %arg9[%parallel_loop3A_152], %parallel_loop3A_144 {strides = array<i32>} : memref<32768xf32, #tpu.memory_space<vmem>>, vector<16xf32>,
          %parallel_loop3A_154 = arith.addi %mul3A_63, %parallel_loop3A_142 : vector<16xi32>
          %parallel_loop3A_155 = tpu.vector_load_idx %arg11[%parallel_loop3A_154] : memref<4224xf32, #tpu.memory_space<vmem>>[vector<16xi32>], vector<16xf32>,
          %parallel_loop3A_156 = arith.constant 1024 : i32
          %parallel_loop3A_157 = arith.muli %parallel_loop3A_140, %parallel_loop3A_156 : i32
          %parallel_loop3A_158 = arith.constant 64 : i32
          %parallel_loop3A_159 = arith.muli %scan3A_134, %parallel_loop3A_158 : i32
          %parallel_loop3A_160 = arith.addi %parallel_loop3A_157, %parallel_loop3A_159 : i32
          %parallel_loop3A_161 = arith.constant 16 : i32
          %parallel_loop3A_162 = arith.addi %parallel_loop3A_160, %parallel_loop3A_161 : i32
          %parallel_loop3A_163 = arith.index_cast %parallel_loop3A_162 : i32 to index
          %parallel_loop3A_164 = tpu.vector_load %arg9[%parallel_loop3A_163] {strides = array<i32>} : memref<32768xf32, #tpu.memory_space<vmem>>, vector<16xf32>,
          tpu.vector_store %arg9[%parallel_loop3A_163], %parallel_loop3A_155 {strides = array<i32>} : memref<32768xf32, #tpu.memory_space<vmem>>, vector<16xf32>,
          %parallel_loop3A_165 = arith.addi %mul3A_69, %parallel_loop3A_142 : vector<16xi32>
          %parallel_loop3A_166 = tpu.vector_load_idx %arg11[%parallel_loop3A_165] : memref<4224xf32, #tpu.memory_space<vmem>>[vector<16xi32>], vector<16xf32>,
          %parallel_loop3A_167 = arith.constant 1024 : i32
          %parallel_loop3A_168 = arith.muli %parallel_loop3A_140, %parallel_loop3A_167 : i32
          %parallel_loop3A_169 = arith.constant 64 : i32
          %parallel_loop3A_170 = arith.muli %scan3A_134, %parallel_loop3A_169 : i32
          %parallel_loop3A_171 = arith.addi %parallel_loop3A_168, %parallel_loop3A_170 : i32
          %parallel_loop3A_172 = arith.constant 32 : i32
          %parallel_loop3A_173 = arith.addi %parallel_loop3A_171, %parallel_loop3A_172 : i32
          %parallel_loop3A_174 = arith.index_cast %parallel_loop3A_173 : i32 to index
          %parallel_loop3A_175 = tpu.vector_load %arg9[%parallel_loop3A_174] {strides = array<i32>} : memref<32768xf32, #tpu.memory_space<vmem>>, vector<16xf32>,
          tpu.vector_store %arg9[%parallel_loop3A_174], %parallel_loop3A_166 {strides = array<i32>} : memref<32768xf32, #tpu.memory_space<vmem>>, vector<16xf32>,
          %parallel_loop3A_176 = arith.addi %mul3A_75, %parallel_loop3A_142 : vector<16xi32>
          %parallel_loop3A_177 = tpu.vector_load_idx %arg11[%parallel_loop3A_176] : memref<4224xf32, #tpu.memory_space<vmem>>[vector<16xi32>], vector<16xf32>,
          %parallel_loop3A_178 = arith.constant 1024 : i32
          %parallel_loop3A_179 = arith.muli %parallel_loop3A_140, %parallel_loop3A_178 : i32
          %parallel_loop3A_180 = arith.constant 64 : i32
          %parallel_loop3A_181 = arith.muli %scan3A_134, %parallel_loop3A_180 : i32
          %parallel_loop3A_182 = arith.addi %parallel_loop3A_179, %parallel_loop3A_181 : i32
          %parallel_loop3A_183 = arith.constant 48 : i32
          %parallel_loop3A_184 = arith.addi %parallel_loop3A_182, %parallel_loop3A_183 : i32
          %parallel_loop3A_185 = arith.index_cast %parallel_loop3A_184 : i32 to index
          %parallel_loop3A_186 = tpu.vector_load %arg9[%parallel_loop3A_185] {strides = array<i32>} : memref<32768xf32, #tpu.memory_space<vmem>>, vector<16xf32>,
          tpu.vector_store %arg9[%parallel_loop3A_185], %parallel_loop3A_177 {strides = array<i32>} : memref<32768xf32, #tpu.memory_space<vmem>>, vector<16xf32>,
        } {sc.loop_unroll_factor = 2 : i64, sc.parallel_access}
      }
      %scan3A_97 = arith.constant 16 : i32
      %mul3A_98 = arith.constant 131 : i32
      %mul3A_99 = arith.muli %select_n3A, %mul3A_98 : i32
      %add3A_100 = arith.constant 0 : i32
      %add3A_101 = arith.addi %mul3A_99, %add3A_100 : i32
      %mul3A_102 = arith.constant 32 : i32
      %mul3A_103 = arith.muli %add3A_101, %mul3A_102 : i32
      %mul3A_104 = arith.constant 1024 : i32
      %mul3A_105 = arith.muli %mul3A_103, %mul3A_104 : i32
      "tpu.region"() ({
        %run_scoped3A = tpu.sem_alloc : memref<!tpu.dma_semaphore, #tpu.memory_space<semaphore_mem>>
        %dma_start3A = tpu.memref_slice %arg6[%mul3A_105] : memref<34340864xf32, #tpu.memory_space<hbm>> -> memref<32768xf32, #tpu.memory_space<hbm>>
        %dma_start3A_134 = tpu.memref_slice %arg6[%mul3A_105] : memref<34340864xf32, #tpu.memory_space<hbm>> -> memref<32768xf32, #tpu.memory_space<hbm>>
        tpu.enqueue_dma source(%arg9 : memref<32768xf32, #tpu.memory_space<vmem>>) target(%dma_start3A_134 : memref<32768xf32, #tpu.memory_space<hbm>>) target_semaphore(%run_scoped3A : memref<!tpu.dma_semaphore, #tpu.memory_space<semaphore_mem>>)
        %dma_wait3A = tpu.memref_slice %arg6[%mul3A_105] : memref<34340864xf32, #tpu.memory_space<hbm>> -> memref<32768xf32, #tpu.memory_space<hbm>>
        %dma_wait3A_135 = tpu.memref_slice %arg6[%mul3A_105] : memref<34340864xf32, #tpu.memory_space<hbm>> -> memref<32768xf32, #tpu.memory_space<hbm>>
        tpu.wait_dma2 semaphore(%run_scoped3A : memref<!tpu.dma_semaphore, #tpu.memory_space<semaphore_mem>>) src(%arg9 : memref<32768xf32, #tpu.memory_space<vmem>>) dst(%dma_wait3A_135 : memref<32768xf32, #tpu.memory_space<hbm>>)
        tpu.yield
      }) : () -> ()
      %scan3A_106 = arith.constant 0 : i32
      %scan3A_107 = arith.constant 0 : i32
      %scan3A_108 = arith.constant 16 : i32
      %scan3A_109 = arith.addi %scan3A_107, %scan3A_108 : i32
      %scan3A_110 = arith.constant 1 : i32
      scf.for %scan3A_134 = %scan3A_107 to %scan3A_109 step %scan3A_110  : i32 {
        %parallel_loop3A = arith.constant 0 : i32
        %parallel_loop3A_135 = arith.constant 64 : i32
        %parallel_loop3A_136 = arith.constant 1 : i32
        scf.for %parallel_loop3A_140 = %parallel_loop3A to %parallel_loop3A_135 step %parallel_loop3A_136  : i32 {
          %parallel_loop3A_141 = arith.constant 64 : i32
          %parallel_loop3A_142 = arith.muli %scan3A_134, %parallel_loop3A_141 : i32
          %parallel_loop3A_143 = arith.addi %parallel_loop3A_142, %parallel_loop3A_140 : i32
          %parallel_loop3A_144 = arith.constant 3 : i32
          %parallel_loop3A_145 = arith.muli %parallel_loop3A_144, %parallel_loop3A_143 : i32
          %parallel_loop3A_146 = arith.constant 1 : i32
          %parallel_loop3A_147 = arith.addi %parallel_loop3A_145, %parallel_loop3A_146 : i32
          %parallel_loop3A_148 = vector.broadcast %parallel_loop3A_147 : i32 to vector<16xi32>
          %parallel_loop3A_149 = arith.muli %broadcast_in_dim3A_39, %parallel_loop3A_148 : vector<16xi32>
          %parallel_loop3A_150 = tpu.vector_load_idx %arg13[%parallel_loop3A_149] : memref<3072xf32, #tpu.memory_space<vmem>>[vector<16xi32>], vector<16xf32>,
          %parallel_loop3A_151 = arith.constant 32 : i32
          %parallel_loop3A_152 = arith.muli %parallel_loop3A_143, %parallel_loop3A_151 : i32
          %parallel_loop3A_153 = arith.constant 0 : i32
          %parallel_loop3A_154 = arith.addi %parallel_loop3A_152, %parallel_loop3A_153 : i32
          %parallel_loop3A_155 = arith.index_cast %parallel_loop3A_154 : i32 to index
          %parallel_loop3A_156 = tpu.vector_load %arg7[%parallel_loop3A_155] {strides = array<i32>} : memref<32768xi32, #tpu.memory_space<vmem>>, vector<16xi32>,
          %parallel_loop3A_157 = arith.constant 3 : i32
          %parallel_loop3A_158 = vector.broadcast %parallel_loop3A_157 : i32 to vector<16xi32>
          %parallel_loop3A_159 = arith.muli %parallel_loop3A_156, %parallel_loop3A_158 : vector<16xi32>
          %parallel_loop3A_160 = arith.constant 1 : i32
          %parallel_loop3A_161 = vector.broadcast %parallel_loop3A_160 : i32 to vector<16xi32>
          %parallel_loop3A_162 = arith.muli %parallel_loop3A_161, %broadcast_in_dim3A_39 : vector<16xi32>
          %parallel_loop3A_163 = arith.addi %parallel_loop3A_159, %parallel_loop3A_162 : vector<16xi32>
          %parallel_loop3A_164 = tpu.vector_load_idx %arg12[%parallel_loop3A_163] : memref<12288xf32, #tpu.memory_space<vmem>>[vector<16xi32>], vector<16xf32>,
          %parallel_loop3A_165 = arith.subf %parallel_loop3A_164, %parallel_loop3A_150 : vector<16xf32>
          %parallel_loop3A_166 = arith.constant 33 : i32
          %parallel_loop3A_167 = arith.muli %parallel_loop3A_140, %parallel_loop3A_166 : i32
          %parallel_loop3A_168 = arith.constant 0 : i32
          %parallel_loop3A_169 = arith.addi %parallel_loop3A_167, %parallel_loop3A_168 : i32
          %parallel_loop3A_170 = arith.index_cast %parallel_loop3A_169 : i32 to index
          %parallel_loop3A_171 = tpu.vector_load %arg11[%parallel_loop3A_170] {strides = array<i32>} : memref<4224xf32, #tpu.memory_space<vmem>>, vector<16xf32>,
          tpu.vector_store %arg11[%parallel_loop3A_170], %parallel_loop3A_165 {strides = array<i32>} : memref<4224xf32, #tpu.memory_space<vmem>>, vector<16xf32>,
          %parallel_loop3A_172 = arith.constant 32 : i32
          %parallel_loop3A_173 = arith.muli %parallel_loop3A_143, %parallel_loop3A_172 : i32
          %parallel_loop3A_174 = arith.constant 16 : i32
          %parallel_loop3A_175 = arith.addi %parallel_loop3A_173, %parallel_loop3A_174 : i32
          %parallel_loop3A_176 = arith.index_cast %parallel_loop3A_175 : i32 to index
          %parallel_loop3A_177 = tpu.vector_load %arg7[%parallel_loop3A_176] {strides = array<i32>} : memref<32768xi32, #tpu.memory_space<vmem>>, vector<16xi32>,
          %parallel_loop3A_178 = arith.constant 3 : i32
          %parallel_loop3A_179 = vector.broadcast %parallel_loop3A_178 : i32 to vector<16xi32>
          %parallel_loop3A_180 = arith.muli %parallel_loop3A_177, %parallel_loop3A_179 : vector<16xi32>
          %parallel_loop3A_181 = arith.constant 1 : i32
          %parallel_loop3A_182 = vector.broadcast %parallel_loop3A_181 : i32 to vector<16xi32>
          %parallel_loop3A_183 = arith.muli %parallel_loop3A_182, %broadcast_in_dim3A_39 : vector<16xi32>
          %parallel_loop3A_184 = arith.addi %parallel_loop3A_180, %parallel_loop3A_183 : vector<16xi32>
          %parallel_loop3A_185 = tpu.vector_load_idx %arg12[%parallel_loop3A_184] : memref<12288xf32, #tpu.memory_space<vmem>>[vector<16xi32>], vector<16xf32>,
          %parallel_loop3A_186 = arith.subf %parallel_loop3A_185, %parallel_loop3A_150 : vector<16xf32>
          %parallel_loop3A_187 = arith.constant 33 : i32
          %parallel_loop3A_188 = arith.muli %parallel_loop3A_140, %parallel_loop3A_187 : i32
          %parallel_loop3A_189 = arith.constant 16 : i32
          %parallel_loop3A_190 = arith.addi %parallel_loop3A_188, %parallel_loop3A_189 : i32
          %parallel_loop3A_191 = arith.index_cast %parallel_loop3A_190 : i32 to index
          %parallel_loop3A_192 = tpu.vector_load %arg11[%parallel_loop3A_191] {strides = array<i32>} : memref<4224xf32, #tpu.memory_space<vmem>>, vector<16xf32>,
          tpu.vector_store %arg11[%parallel_loop3A_191], %parallel_loop3A_186 {strides = array<i32>} : memref<4224xf32, #tpu.memory_space<vmem>>, vector<16xf32>,
        } {sc.loop_unroll_factor = 2 : i64, sc.parallel_access}
        %parallel_loop3A_137 = arith.constant 0 : i32
        %parallel_loop3A_138 = arith.constant 32 : i32
        %parallel_loop3A_139 = arith.constant 1 : i32
        scf.for %parallel_loop3A_140 = %parallel_loop3A_137 to %parallel_loop3A_138 step %parallel_loop3A_139  : i32 {
          %parallel_loop3A_141 = vector.broadcast %parallel_loop3A_140 : i32 to vector<16xi32>
          %parallel_loop3A_142 = arith.muli %broadcast_in_dim3A_39, %parallel_loop3A_141 : vector<16xi32>
          %parallel_loop3A_143 = arith.addi %mul3A_57, %parallel_loop3A_142 : vector<16xi32>
          %parallel_loop3A_144 = tpu.vector_load_idx %arg11[%parallel_loop3A_143] : memref<4224xf32, #tpu.memory_space<vmem>>[vector<16xi32>], vector<16xf32>,
          %parallel_loop3A_145 = arith.constant 1024 : i32
          %parallel_loop3A_146 = arith.muli %parallel_loop3A_140, %parallel_loop3A_145 : i32
          %parallel_loop3A_147 = arith.constant 64 : i32
          %parallel_loop3A_148 = arith.muli %scan3A_134, %parallel_loop3A_147 : i32
          %parallel_loop3A_149 = arith.addi %parallel_loop3A_146, %parallel_loop3A_148 : i32
          %parallel_loop3A_150 = arith.constant 0 : i32
          %parallel_loop3A_151 = arith.addi %parallel_loop3A_149, %parallel_loop3A_150 : i32
          %parallel_loop3A_152 = arith.index_cast %parallel_loop3A_151 : i32 to index
          %parallel_loop3A_153 = tpu.vector_load %arg9[%parallel_loop3A_152] {strides = array<i32>} : memref<32768xf32, #tpu.memory_space<vmem>>, vector<16xf32>,
          tpu.vector_store %arg9[%parallel_loop3A_152], %parallel_loop3A_144 {strides = array<i32>} : memref<32768xf32, #tpu.memory_space<vmem>>, vector<16xf32>,
          %parallel_loop3A_154 = arith.addi %mul3A_63, %parallel_loop3A_142 : vector<16xi32>
          %parallel_loop3A_155 = tpu.vector_load_idx %arg11[%parallel_loop3A_154] : memref<4224xf32, #tpu.memory_space<vmem>>[vector<16xi32>], vector<16xf32>,
          %parallel_loop3A_156 = arith.constant 1024 : i32
          %parallel_loop3A_157 = arith.muli %parallel_loop3A_140, %parallel_loop3A_156 : i32
          %parallel_loop3A_158 = arith.constant 64 : i32
          %parallel_loop3A_159 = arith.muli %scan3A_134, %parallel_loop3A_158 : i32
          %parallel_loop3A_160 = arith.addi %parallel_loop3A_157, %parallel_loop3A_159 : i32
          %parallel_loop3A_161 = arith.constant 16 : i32
          %parallel_loop3A_162 = arith.addi %parallel_loop3A_160, %parallel_loop3A_161 : i32
          %parallel_loop3A_163 = arith.index_cast %parallel_loop3A_162 : i32 to index
          %parallel_loop3A_164 = tpu.vector_load %arg9[%parallel_loop3A_163] {strides = array<i32>} : memref<32768xf32, #tpu.memory_space<vmem>>, vector<16xf32>,
          tpu.vector_store %arg9[%parallel_loop3A_163], %parallel_loop3A_155 {strides = array<i32>} : memref<32768xf32, #tpu.memory_space<vmem>>, vector<16xf32>,
          %parallel_loop3A_165 = arith.addi %mul3A_69, %parallel_loop3A_142 : vector<16xi32>
          %parallel_loop3A_166 = tpu.vector_load_idx %arg11[%parallel_loop3A_165] : memref<4224xf32, #tpu.memory_space<vmem>>[vector<16xi32>], vector<16xf32>,
          %parallel_loop3A_167 = arith.constant 1024 : i32
          %parallel_loop3A_168 = arith.muli %parallel_loop3A_140, %parallel_loop3A_167 : i32
          %parallel_loop3A_169 = arith.constant 64 : i32
          %parallel_loop3A_170 = arith.muli %scan3A_134, %parallel_loop3A_169 : i32
          %parallel_loop3A_171 = arith.addi %parallel_loop3A_168, %parallel_loop3A_170 : i32
          %parallel_loop3A_172 = arith.constant 32 : i32
          %parallel_loop3A_173 = arith.addi %parallel_loop3A_171, %parallel_loop3A_172 : i32
          %parallel_loop3A_174 = arith.index_cast %parallel_loop3A_173 : i32 to index
          %parallel_loop3A_175 = tpu.vector_load %arg9[%parallel_loop3A_174] {strides = array<i32>} : memref<32768xf32, #tpu.memory_space<vmem>>, vector<16xf32>,
          tpu.vector_store %arg9[%parallel_loop3A_174], %parallel_loop3A_166 {strides = array<i32>} : memref<32768xf32, #tpu.memory_space<vmem>>, vector<16xf32>,
          %parallel_loop3A_176 = arith.addi %mul3A_75, %parallel_loop3A_142 : vector<16xi32>
          %parallel_loop3A_177 = tpu.vector_load_idx %arg11[%parallel_loop3A_176] : memref<4224xf32, #tpu.memory_space<vmem>>[vector<16xi32>], vector<16xf32>,
          %parallel_loop3A_178 = arith.constant 1024 : i32
          %parallel_loop3A_179 = arith.muli %parallel_loop3A_140, %parallel_loop3A_178 : i32
          %parallel_loop3A_180 = arith.constant 64 : i32
          %parallel_loop3A_181 = arith.muli %scan3A_134, %parallel_loop3A_180 : i32
          %parallel_loop3A_182 = arith.addi %parallel_loop3A_179, %parallel_loop3A_181 : i32
          %parallel_loop3A_183 = arith.constant 48 : i32
          %parallel_loop3A_184 = arith.addi %parallel_loop3A_182, %parallel_loop3A_183 : i32
          %parallel_loop3A_185 = arith.index_cast %parallel_loop3A_184 : i32 to index
          %parallel_loop3A_186 = tpu.vector_load %arg9[%parallel_loop3A_185] {strides = array<i32>} : memref<32768xf32, #tpu.memory_space<vmem>>, vector<16xf32>,
          tpu.vector_store %arg9[%parallel_loop3A_185], %parallel_loop3A_177 {strides = array<i32>} : memref<32768xf32, #tpu.memory_space<vmem>>, vector<16xf32>,
        } {sc.loop_unroll_factor = 2 : i64, sc.parallel_access}
      }
      %scan3A_111 = arith.constant 16 : i32
      %mul3A_112 = arith.constant 131 : i32
      %mul3A_113 = arith.muli %select_n3A, %mul3A_112 : i32
      %add3A_114 = arith.constant 1 : i32
      %add3A_115 = arith.addi %mul3A_113, %add3A_114 : i32
      %mul3A_116 = arith.constant 32 : i32
      %mul3A_117 = arith.muli %add3A_115, %mul3A_116 : i32
      %mul3A_118 = arith.constant 1024 : i32
      %mul3A_119 = arith.muli %mul3A_117, %mul3A_118 : i32
      "tpu.region"() ({
        %run_scoped3A = tpu.sem_alloc : memref<!tpu.dma_semaphore, #tpu.memory_space<semaphore_mem>>
        %dma_start3A = tpu.memref_slice %arg6[%mul3A_119] : memref<34340864xf32, #tpu.memory_space<hbm>> -> memref<32768xf32, #tpu.memory_space<hbm>>
        %dma_start3A_134 = tpu.memref_slice %arg6[%mul3A_119] : memref<34340864xf32, #tpu.memory_space<hbm>> -> memref<32768xf32, #tpu.memory_space<hbm>>
        tpu.enqueue_dma source(%arg9 : memref<32768xf32, #tpu.memory_space<vmem>>) target(%dma_start3A_134 : memref<32768xf32, #tpu.memory_space<hbm>>) target_semaphore(%run_scoped3A : memref<!tpu.dma_semaphore, #tpu.memory_space<semaphore_mem>>)
        %dma_wait3A = tpu.memref_slice %arg6[%mul3A_119] : memref<34340864xf32, #tpu.memory_space<hbm>> -> memref<32768xf32, #tpu.memory_space<hbm>>
        %dma_wait3A_135 = tpu.memref_slice %arg6[%mul3A_119] : memref<34340864xf32, #tpu.memory_space<hbm>> -> memref<32768xf32, #tpu.memory_space<hbm>>
        tpu.wait_dma2 semaphore(%run_scoped3A : memref<!tpu.dma_semaphore, #tpu.memory_space<semaphore_mem>>) src(%arg9 : memref<32768xf32, #tpu.memory_space<vmem>>) dst(%dma_wait3A_135 : memref<32768xf32, #tpu.memory_space<hbm>>)
        tpu.yield
      }) : () -> ()
      %scan3A_120 = arith.constant 0 : i32
      %scan3A_121 = arith.constant 0 : i32
      %scan3A_122 = arith.constant 16 : i32
      %scan3A_123 = arith.addi %scan3A_121, %scan3A_122 : i32
      %scan3A_124 = arith.constant 1 : i32
      scf.for %scan3A_134 = %scan3A_121 to %scan3A_123 step %scan3A_124  : i32 {
        %parallel_loop3A = arith.constant 0 : i32
        %parallel_loop3A_135 = arith.constant 64 : i32
        %parallel_loop3A_136 = arith.constant 1 : i32
        scf.for %parallel_loop3A_140 = %parallel_loop3A to %parallel_loop3A_135 step %parallel_loop3A_136  : i32 {
          %parallel_loop3A_141 = arith.constant 64 : i32
          %parallel_loop3A_142 = arith.muli %scan3A_134, %parallel_loop3A_141 : i32
          %parallel_loop3A_143 = arith.addi %parallel_loop3A_142, %parallel_loop3A_140 : i32
          %parallel_loop3A_144 = arith.constant 3 : i32
          %parallel_loop3A_145 = arith.muli %parallel_loop3A_144, %parallel_loop3A_143 : i32
          %parallel_loop3A_146 = arith.constant 2 : i32
          %parallel_loop3A_147 = arith.addi %parallel_loop3A_145, %parallel_loop3A_146 : i32
          %parallel_loop3A_148 = vector.broadcast %parallel_loop3A_147 : i32 to vector<16xi32>
          %parallel_loop3A_149 = arith.muli %broadcast_in_dim3A_39, %parallel_loop3A_148 : vector<16xi32>
          %parallel_loop3A_150 = tpu.vector_load_idx %arg13[%parallel_loop3A_149] : memref<3072xf32, #tpu.memory_space<vmem>>[vector<16xi32>], vector<16xf32>,
          %parallel_loop3A_151 = arith.constant 32 : i32
          %parallel_loop3A_152 = arith.muli %parallel_loop3A_143, %parallel_loop3A_151 : i32
          %parallel_loop3A_153 = arith.constant 0 : i32
          %parallel_loop3A_154 = arith.addi %parallel_loop3A_152, %parallel_loop3A_153 : i32
          %parallel_loop3A_155 = arith.index_cast %parallel_loop3A_154 : i32 to index
          %parallel_loop3A_156 = tpu.vector_load %arg7[%parallel_loop3A_155] {strides = array<i32>} : memref<32768xi32, #tpu.memory_space<vmem>>, vector<16xi32>,
          %parallel_loop3A_157 = arith.constant 3 : i32
          %parallel_loop3A_158 = vector.broadcast %parallel_loop3A_157 : i32 to vector<16xi32>
          %parallel_loop3A_159 = arith.muli %parallel_loop3A_156, %parallel_loop3A_158 : vector<16xi32>
          %parallel_loop3A_160 = arith.constant 2 : i32
          %parallel_loop3A_161 = vector.broadcast %parallel_loop3A_160 : i32 to vector<16xi32>
          %parallel_loop3A_162 = arith.muli %parallel_loop3A_161, %broadcast_in_dim3A_39 : vector<16xi32>
          %parallel_loop3A_163 = arith.addi %parallel_loop3A_159, %parallel_loop3A_162 : vector<16xi32>
          %parallel_loop3A_164 = tpu.vector_load_idx %arg12[%parallel_loop3A_163] : memref<12288xf32, #tpu.memory_space<vmem>>[vector<16xi32>], vector<16xf32>,
          %parallel_loop3A_165 = arith.subf %parallel_loop3A_164, %parallel_loop3A_150 : vector<16xf32>
          %parallel_loop3A_166 = arith.constant 33 : i32
          %parallel_loop3A_167 = arith.muli %parallel_loop3A_140, %parallel_loop3A_166 : i32
          %parallel_loop3A_168 = arith.constant 0 : i32
          %parallel_loop3A_169 = arith.addi %parallel_loop3A_167, %parallel_loop3A_168 : i32
          %parallel_loop3A_170 = arith.index_cast %parallel_loop3A_169 : i32 to index
          %parallel_loop3A_171 = tpu.vector_load %arg11[%parallel_loop3A_170] {strides = array<i32>} : memref<4224xf32, #tpu.memory_space<vmem>>, vector<16xf32>,
          tpu.vector_store %arg11[%parallel_loop3A_170], %parallel_loop3A_165 {strides = array<i32>} : memref<4224xf32, #tpu.memory_space<vmem>>, vector<16xf32>,
          %parallel_loop3A_172 = arith.constant 32 : i32
          %parallel_loop3A_173 = arith.muli %parallel_loop3A_143, %parallel_loop3A_172 : i32
          %parallel_loop3A_174 = arith.constant 16 : i32
          %parallel_loop3A_175 = arith.addi %parallel_loop3A_173, %parallel_loop3A_174 : i32
          %parallel_loop3A_176 = arith.index_cast %parallel_loop3A_175 : i32 to index
          %parallel_loop3A_177 = tpu.vector_load %arg7[%parallel_loop3A_176] {strides = array<i32>} : memref<32768xi32, #tpu.memory_space<vmem>>, vector<16xi32>,
          %parallel_loop3A_178 = arith.constant 3 : i32
          %parallel_loop3A_179 = vector.broadcast %parallel_loop3A_178 : i32 to vector<16xi32>
          %parallel_loop3A_180 = arith.muli %parallel_loop3A_177, %parallel_loop3A_179 : vector<16xi32>
          %parallel_loop3A_181 = arith.constant 2 : i32
          %parallel_loop3A_182 = vector.broadcast %parallel_loop3A_181 : i32 to vector<16xi32>
          %parallel_loop3A_183 = arith.muli %parallel_loop3A_182, %broadcast_in_dim3A_39 : vector<16xi32>
          %parallel_loop3A_184 = arith.addi %parallel_loop3A_180, %parallel_loop3A_183 : vector<16xi32>
          %parallel_loop3A_185 = tpu.vector_load_idx %arg12[%parallel_loop3A_184] : memref<12288xf32, #tpu.memory_space<vmem>>[vector<16xi32>], vector<16xf32>,
          %parallel_loop3A_186 = arith.subf %parallel_loop3A_185, %parallel_loop3A_150 : vector<16xf32>
          %parallel_loop3A_187 = arith.constant 33 : i32
          %parallel_loop3A_188 = arith.muli %parallel_loop3A_140, %parallel_loop3A_187 : i32
          %parallel_loop3A_189 = arith.constant 16 : i32
          %parallel_loop3A_190 = arith.addi %parallel_loop3A_188, %parallel_loop3A_189 : i32
          %parallel_loop3A_191 = arith.index_cast %parallel_loop3A_190 : i32 to index
          %parallel_loop3A_192 = tpu.vector_load %arg11[%parallel_loop3A_191] {strides = array<i32>} : memref<4224xf32, #tpu.memory_space<vmem>>, vector<16xf32>,
          tpu.vector_store %arg11[%parallel_loop3A_191], %parallel_loop3A_186 {strides = array<i32>} : memref<4224xf32, #tpu.memory_space<vmem>>, vector<16xf32>,
        } {sc.loop_unroll_factor = 2 : i64, sc.parallel_access}
        %parallel_loop3A_137 = arith.constant 0 : i32
        %parallel_loop3A_138 = arith.constant 32 : i32
        %parallel_loop3A_139 = arith.constant 1 : i32
        scf.for %parallel_loop3A_140 = %parallel_loop3A_137 to %parallel_loop3A_138 step %parallel_loop3A_139  : i32 {
          %parallel_loop3A_141 = vector.broadcast %parallel_loop3A_140 : i32 to vector<16xi32>
          %parallel_loop3A_142 = arith.muli %broadcast_in_dim3A_39, %parallel_loop3A_141 : vector<16xi32>
          %parallel_loop3A_143 = arith.addi %mul3A_57, %parallel_loop3A_142 : vector<16xi32>
          %parallel_loop3A_144 = tpu.vector_load_idx %arg11[%parallel_loop3A_143] : memref<4224xf32, #tpu.memory_space<vmem>>[vector<16xi32>], vector<16xf32>,
          %parallel_loop3A_145 = arith.constant 1024 : i32
          %parallel_loop3A_146 = arith.muli %parallel_loop3A_140, %parallel_loop3A_145 : i32
          %parallel_loop3A_147 = arith.constant 64 : i32
          %parallel_loop3A_148 = arith.muli %scan3A_134, %parallel_loop3A_147 : i32
          %parallel_loop3A_149 = arith.addi %parallel_loop3A_146, %parallel_loop3A_148 : i32
          %parallel_loop3A_150 = arith.constant 0 : i32
          %parallel_loop3A_151 = arith.addi %parallel_loop3A_149, %parallel_loop3A_150 : i32
          %parallel_loop3A_152 = arith.index_cast %parallel_loop3A_151 : i32 to index
          %parallel_loop3A_153 = tpu.vector_load %arg9[%parallel_loop3A_152] {strides = array<i32>} : memref<32768xf32, #tpu.memory_space<vmem>>, vector<16xf32>,
          tpu.vector_store %arg9[%parallel_loop3A_152], %parallel_loop3A_144 {strides = array<i32>} : memref<32768xf32, #tpu.memory_space<vmem>>, vector<16xf32>,
          %parallel_loop3A_154 = arith.addi %mul3A_63, %parallel_loop3A_142 : vector<16xi32>
          %parallel_loop3A_155 = tpu.vector_load_idx %arg11[%parallel_loop3A_154] : memref<4224xf32, #tpu.memory_space<vmem>>[vector<16xi32>], vector<16xf32>,
          %parallel_loop3A_156 = arith.constant 1024 : i32
          %parallel_loop3A_157 = arith.muli %parallel_loop3A_140, %parallel_loop3A_156 : i32
          %parallel_loop3A_158 = arith.constant 64 : i32
          %parallel_loop3A_159 = arith.muli %scan3A_134, %parallel_loop3A_158 : i32
          %parallel_loop3A_160 = arith.addi %parallel_loop3A_157, %parallel_loop3A_159 : i32
          %parallel_loop3A_161 = arith.constant 16 : i32
          %parallel_loop3A_162 = arith.addi %parallel_loop3A_160, %parallel_loop3A_161 : i32
          %parallel_loop3A_163 = arith.index_cast %parallel_loop3A_162 : i32 to index
          %parallel_loop3A_164 = tpu.vector_load %arg9[%parallel_loop3A_163] {strides = array<i32>} : memref<32768xf32, #tpu.memory_space<vmem>>, vector<16xf32>,
          tpu.vector_store %arg9[%parallel_loop3A_163], %parallel_loop3A_155 {strides = array<i32>} : memref<32768xf32, #tpu.memory_space<vmem>>, vector<16xf32>,
          %parallel_loop3A_165 = arith.addi %mul3A_69, %parallel_loop3A_142 : vector<16xi32>
          %parallel_loop3A_166 = tpu.vector_load_idx %arg11[%parallel_loop3A_165] : memref<4224xf32, #tpu.memory_space<vmem>>[vector<16xi32>], vector<16xf32>,
          %parallel_loop3A_167 = arith.constant 1024 : i32
          %parallel_loop3A_168 = arith.muli %parallel_loop3A_140, %parallel_loop3A_167 : i32
          %parallel_loop3A_169 = arith.constant 64 : i32
          %parallel_loop3A_170 = arith.muli %scan3A_134, %parallel_loop3A_169 : i32
          %parallel_loop3A_171 = arith.addi %parallel_loop3A_168, %parallel_loop3A_170 : i32
          %parallel_loop3A_172 = arith.constant 32 : i32
          %parallel_loop3A_173 = arith.addi %parallel_loop3A_171, %parallel_loop3A_172 : i32
          %parallel_loop3A_174 = arith.index_cast %parallel_loop3A_173 : i32 to index
          %parallel_loop3A_175 = tpu.vector_load %arg9[%parallel_loop3A_174] {strides = array<i32>} : memref<32768xf32, #tpu.memory_space<vmem>>, vector<16xf32>,
          tpu.vector_store %arg9[%parallel_loop3A_174], %parallel_loop3A_166 {strides = array<i32>} : memref<32768xf32, #tpu.memory_space<vmem>>, vector<16xf32>,
          %parallel_loop3A_176 = arith.addi %mul3A_75, %parallel_loop3A_142 : vector<16xi32>
          %parallel_loop3A_177 = tpu.vector_load_idx %arg11[%parallel_loop3A_176] : memref<4224xf32, #tpu.memory_space<vmem>>[vector<16xi32>], vector<16xf32>,
          %parallel_loop3A_178 = arith.constant 1024 : i32
          %parallel_loop3A_179 = arith.muli %parallel_loop3A_140, %parallel_loop3A_178 : i32
          %parallel_loop3A_180 = arith.constant 64 : i32
          %parallel_loop3A_181 = arith.muli %scan3A_134, %parallel_loop3A_180 : i32
          %parallel_loop3A_182 = arith.addi %parallel_loop3A_179, %parallel_loop3A_181 : i32
          %parallel_loop3A_183 = arith.constant 48 : i32
          %parallel_loop3A_184 = arith.addi %parallel_loop3A_182, %parallel_loop3A_183 : i32
          %parallel_loop3A_185 = arith.index_cast %parallel_loop3A_184 : i32 to index
          %parallel_loop3A_186 = tpu.vector_load %arg9[%parallel_loop3A_185] {strides = array<i32>} : memref<32768xf32, #tpu.memory_space<vmem>>, vector<16xf32>,
          tpu.vector_store %arg9[%parallel_loop3A_185], %parallel_loop3A_177 {strides = array<i32>} : memref<32768xf32, #tpu.memory_space<vmem>>, vector<16xf32>,
        } {sc.loop_unroll_factor = 2 : i64, sc.parallel_access}
      }
      %scan3A_125 = arith.constant 16 : i32
      %mul3A_126 = arith.constant 131 : i32
      %mul3A_127 = arith.muli %select_n3A, %mul3A_126 : i32
      %add3A_128 = arith.constant 2 : i32
      %add3A_129 = arith.addi %mul3A_127, %add3A_128 : i32
      %mul3A_130 = arith.constant 32 : i32
      %mul3A_131 = arith.muli %add3A_129, %mul3A_130 : i32
      %mul3A_132 = arith.constant 1024 : i32
      %mul3A_133 = arith.muli %mul3A_131, %mul3A_132 : i32
      "tpu.region"() ({
        %run_scoped3A = tpu.sem_alloc : memref<!tpu.dma_semaphore, #tpu.memory_space<semaphore_mem>>
        %dma_start3A = tpu.memref_slice %arg6[%mul3A_133] : memref<34340864xf32, #tpu.memory_space<hbm>> -> memref<32768xf32, #tpu.memory_space<hbm>>
        %dma_start3A_134 = tpu.memref_slice %arg6[%mul3A_133] : memref<34340864xf32, #tpu.memory_space<hbm>> -> memref<32768xf32, #tpu.memory_space<hbm>>
        tpu.enqueue_dma source(%arg9 : memref<32768xf32, #tpu.memory_space<vmem>>) target(%dma_start3A_134 : memref<32768xf32, #tpu.memory_space<hbm>>) target_semaphore(%run_scoped3A : memref<!tpu.dma_semaphore, #tpu.memory_space<semaphore_mem>>)
        %dma_wait3A = tpu.memref_slice %arg6[%mul3A_133] : memref<34340864xf32, #tpu.memory_space<hbm>> -> memref<32768xf32, #tpu.memory_space<hbm>>
        %dma_wait3A_135 = tpu.memref_slice %arg6[%mul3A_133] : memref<34340864xf32, #tpu.memory_space<hbm>> -> memref<32768xf32, #tpu.memory_space<hbm>>
        tpu.wait_dma2 semaphore(%run_scoped3A : memref<!tpu.dma_semaphore, #tpu.memory_space<semaphore_mem>>) src(%arg9 : memref<32768xf32, #tpu.memory_space<vmem>>) dst(%dma_wait3A_135 : memref<32768xf32, #tpu.memory_space<hbm>>)
        tpu.yield
      }) : () -> ()
    } else {
    }
    return
  }
}

#map = affine_map<(d0, d1) -> (0)>
module attributes {stable_mosaic.version = 14 : i64} {
  func.func @_ball_query(%arg0: i32, %arg1: i32, %arg2: memref<98304xf32, #tpu.memory_space<hbm>>, %arg3: memref<24576xf32, #tpu.memory_space<hbm>>, %arg4: memref<262144xi32, #tpu.memory_space<hbm>>, %arg5: memref<12288xf32, #tpu.memory_space<vmem>>, %arg6: memref<12288xf32, #tpu.memory_space<vmem>>, %arg7: memref<768xf32, #tpu.memory_space<vmem>>, %arg8: memref<128xi32, #tpu.memory_space<vmem>>, %arg9: memref<8192xi32, #tpu.memory_space<vmem>>) attributes {dimension_semantics = [#tpu.dimension_semantics<core_parallel>, #tpu.dimension_semantics<subcore_parallel>], iteration_bounds = array<i64: 2, 16>, scalar_prefetch = 0 : i64, scratch_operands = 5 : i64, tpu.core_type = #tpu.core_type<sc_vector_subcore>, window_params = [{transform_indices = #map}, {transform_indices = #map}, {transform_indices = #map}]} {
    %mul3A = arith.constant 2 : i32
    %mul3A_0 = arith.muli %arg1, %mul3A : i32
    %add3A = arith.addi %mul3A_0, %arg0 : i32
    %mul3A_1 = arith.constant 256 : i32
    %mul3A_2 = arith.muli %add3A, %mul3A_1 : i32
    %jit3A = arith.constant 1024 : i32
    %div3A = arith.divsi %mul3A_2, %jit3A : i32
    %sign3A = arith.constant 0 : i32
    %sign3A_3 = arith.cmpi sgt, %mul3A_2, %sign3A : i32
    %sign3A_4 = arith.extui %sign3A_3 : i1 to i32
    %sign3A_5 = arith.constant 0 : i32
    %sign3A_6 = arith.cmpi slt, %mul3A_2, %sign3A_5 : i32
    %sign3A_7 = arith.extui %sign3A_6 : i1 to i32
    %sign3A_8 = arith.subi %sign3A_4, %sign3A_7 : i32
    %sign3A_9 = arith.constant 0 : i32
    %sign3A_10 = arith.cmpi sgt, %jit3A, %sign3A_9 : i32
    %sign3A_11 = arith.extui %sign3A_10 : i1 to i32
    %sign3A_12 = arith.constant 0 : i32
    %sign3A_13 = arith.cmpi slt, %jit3A, %sign3A_12 : i32
    %sign3A_14 = arith.extui %sign3A_13 : i1 to i32
    %sign3A_15 = arith.subi %sign3A_11, %sign3A_14 : i32
    %ne3A = arith.cmpi ne, %sign3A_8, %sign3A_15 : i32
    %rem3A = arith.remsi %mul3A_2, %jit3A : i32
    %ne3A_16 = arith.constant 0 : i32
    %ne3A_17 = arith.cmpi ne, %rem3A, %ne3A_16 : i32
    %and3A = arith.andi %ne3A, %ne3A_17 : i1
    %sub3A = arith.constant 1 : i32
    %sub3A_18 = arith.subi %div3A, %sub3A : i32
    %select_n3A = arith.select %and3A, %sub3A_18, %div3A : i32
    %mul3A_19 = arith.constant 4096 : i32
    %mul3A_20 = arith.muli %select_n3A, %mul3A_19 : i32
    %mul3A_21 = arith.constant 3 : i32
    %mul3A_22 = arith.muli %mul3A_20, %mul3A_21 : i32
    "tpu.region"() ({
      %run_scoped3A = tpu.sem_alloc : memref<!tpu.dma_semaphore, #tpu.memory_space<semaphore_mem>>
      %dma_start3A = tpu.memref_slice %arg2[%mul3A_22] : memref<98304xf32, #tpu.memory_space<hbm>> -> memref<12288xf32, #tpu.memory_space<hbm>>
      %dma_start3A_41 = tpu.memref_slice %arg2[%mul3A_22] : memref<98304xf32, #tpu.memory_space<hbm>> -> memref<12288xf32, #tpu.memory_space<hbm>>
      tpu.enqueue_dma source(%dma_start3A_41 : memref<12288xf32, #tpu.memory_space<hbm>>) target(%arg5 : memref<12288xf32, #tpu.memory_space<vmem>>) target_semaphore(%run_scoped3A : memref<!tpu.dma_semaphore, #tpu.memory_space<semaphore_mem>>)
      %dma_wait3A = tpu.memref_slice %arg2[%mul3A_22] : memref<98304xf32, #tpu.memory_space<hbm>> -> memref<12288xf32, #tpu.memory_space<hbm>>
      %dma_wait3A_42 = tpu.memref_slice %arg2[%mul3A_22] : memref<98304xf32, #tpu.memory_space<hbm>> -> memref<12288xf32, #tpu.memory_space<hbm>>
      tpu.wait_dma2 semaphore(%run_scoped3A : memref<!tpu.dma_semaphore, #tpu.memory_space<semaphore_mem>>) src(%dma_wait3A_42 : memref<12288xf32, #tpu.memory_space<hbm>>) dst(%arg5 : memref<12288xf32, #tpu.memory_space<vmem>>)
      tpu.yield
    }) : () -> ()
    %mul3A_23 = arith.constant 3 : i32
    %mul3A_24 = arith.muli %mul3A_2, %mul3A_23 : i32
    "tpu.region"() ({
      %run_scoped3A = tpu.sem_alloc : memref<!tpu.dma_semaphore, #tpu.memory_space<semaphore_mem>>
      %dma_start3A = tpu.memref_slice %arg3[%mul3A_24] : memref<24576xf32, #tpu.memory_space<hbm>> -> memref<768xf32, #tpu.memory_space<hbm>>
      %dma_start3A_41 = tpu.memref_slice %arg3[%mul3A_24] : memref<24576xf32, #tpu.memory_space<hbm>> -> memref<768xf32, #tpu.memory_space<hbm>>
      tpu.enqueue_dma source(%dma_start3A_41 : memref<768xf32, #tpu.memory_space<hbm>>) target(%arg7 : memref<768xf32, #tpu.memory_space<vmem>>) target_semaphore(%run_scoped3A : memref<!tpu.dma_semaphore, #tpu.memory_space<semaphore_mem>>)
      %dma_wait3A = tpu.memref_slice %arg3[%mul3A_24] : memref<24576xf32, #tpu.memory_space<hbm>> -> memref<768xf32, #tpu.memory_space<hbm>>
      %dma_wait3A_42 = tpu.memref_slice %arg3[%mul3A_24] : memref<24576xf32, #tpu.memory_space<hbm>> -> memref<768xf32, #tpu.memory_space<hbm>>
      tpu.wait_dma2 semaphore(%run_scoped3A : memref<!tpu.dma_semaphore, #tpu.memory_space<semaphore_mem>>) src(%dma_wait3A_42 : memref<768xf32, #tpu.memory_space<hbm>>) dst(%arg7 : memref<768xf32, #tpu.memory_space<vmem>>)
      tpu.yield
    }) : () -> ()
    %iota3A = tpu.iota {dimensions = array<i32: 0>} : vector<16xi32>
    %broadcast_in_dim3A = arith.constant 1 : i32
    %broadcast_in_dim3A_25 = vector.broadcast %broadcast_in_dim3A : i32 to vector<16xi32>
    %broadcast_in_dim3A_26 = arith.constant 2 : i32
    %broadcast_in_dim3A_27 = vector.broadcast %broadcast_in_dim3A_26 : i32 to vector<16xi32>
    %scan3A = arith.constant 0 : i32
    %scan3A_28 = arith.constant 0 : i32
    %scan3A_29 = arith.constant 256 : i32
    %scan3A_30 = arith.addi %scan3A_28, %scan3A_29 : i32
    %scan3A_31 = arith.constant 1 : i32
    scf.for %scan3A_41 = %scan3A_28 to %scan3A_30 step %scan3A_31  : i32 {
      %mul3A_42 = arith.constant 16 : i32
      %mul3A_43 = arith.muli %scan3A_41, %mul3A_42 : i32
      %add3A_44 = vector.broadcast %mul3A_43 : i32 to vector<16xi32>
      %add3A_45 = arith.addi %iota3A, %add3A_44 : vector<16xi32>
      %mul3A_46 = arith.constant 3 : i32
      %mul3A_47 = vector.broadcast %mul3A_46 : i32 to vector<16xi32>
      %mul3A_48 = arith.muli %add3A_45, %mul3A_47 : vector<16xi32>
      %gather3A = tpu.vector_load_idx %arg5[%mul3A_48] : memref<12288xf32, #tpu.memory_space<vmem>>[vector<16xi32>], vector<16xf32>,
      %mul3A_49 = arith.constant 16 : i32
      %mul3A_50 = arith.muli %scan3A_41, %mul3A_49 : i32
      %swap3A = arith.index_cast %mul3A_50 : i32 to index
      %swap3A_51 = tpu.vector_load %arg6[%swap3A] {strides = array<i32>} : memref<12288xf32, #tpu.memory_space<vmem>>, vector<16xf32>,
      tpu.vector_store %arg6[%swap3A], %gather3A {strides = array<i32>} : memref<12288xf32, #tpu.memory_space<vmem>>, vector<16xf32>,
      %add3A_52 = arith.addi %mul3A_48, %broadcast_in_dim3A_25 : vector<16xi32>
      %gather3A_53 = tpu.vector_load_idx %arg5[%add3A_52] : memref<12288xf32, #tpu.memory_space<vmem>>[vector<16xi32>], vector<16xf32>,
      %mul3A_54 = arith.constant 16 : i32
      %mul3A_55 = arith.muli %scan3A_41, %mul3A_54 : i32
      %add3A_56 = arith.constant 4096 : i32
      %add3A_57 = arith.addi %add3A_56, %mul3A_55 : i32
      %swap3A_58 = arith.index_cast %add3A_57 : i32 to index
      %swap3A_59 = tpu.vector_load %arg6[%swap3A_58] {strides = array<i32>} : memref<12288xf32, #tpu.memory_space<vmem>>, vector<16xf32>,
      tpu.vector_store %arg6[%swap3A_58], %gather3A_53 {strides = array<i32>} : memref<12288xf32, #tpu.memory_space<vmem>>, vector<16xf32>,
      %add3A_60 = arith.addi %mul3A_48, %broadcast_in_dim3A_27 : vector<16xi32>
      %gather3A_61 = tpu.vector_load_idx %arg5[%add3A_60] : memref<12288xf32, #tpu.memory_space<vmem>>[vector<16xi32>], vector<16xf32>,
      %mul3A_62 = arith.constant 16 : i32
      %mul3A_63 = arith.muli %scan3A_41, %mul3A_62 : i32
      %add3A_64 = arith.constant 8192 : i32
      %add3A_65 = arith.addi %add3A_64, %mul3A_63 : i32
      %swap3A_66 = arith.index_cast %add3A_65 : i32 to index
      %swap3A_67 = tpu.vector_load %arg6[%swap3A_66] {strides = array<i32>} : memref<12288xf32, #tpu.memory_space<vmem>>, vector<16xf32>,
      tpu.vector_store %arg6[%swap3A_66], %gather3A_61 {strides = array<i32>} : memref<12288xf32, #tpu.memory_space<vmem>>, vector<16xf32>,
    }
    %scan3A_32 = arith.constant 256 : i32
    %scan3A_33 = arith.constant 0 : i32
    %scan3A_34 = arith.constant 0 : i32
    %scan3A_35 = arith.constant 256 : i32
    %scan3A_36 = arith.addi %scan3A_34, %scan3A_35 : i32
    %scan3A_37 = arith.constant 1 : i32
    scf.for %scan3A_41 = %scan3A_34 to %scan3A_36 step %scan3A_37  : i32 {
      %mul3A_42 = arith.constant 3 : i32
      %mul3A_43 = arith.muli %mul3A_42, %scan3A_41 : i32
      %mul3A_44 = vector.broadcast %mul3A_43 : i32 to vector<16xi32>
      %mul3A_45 = arith.muli %broadcast_in_dim3A_25, %mul3A_44 : vector<16xi32>
      %gather3A = tpu.vector_load_idx %arg7[%mul3A_45] : memref<768xf32, #tpu.memory_space<vmem>>[vector<16xi32>], vector<16xf32>,
      %add3A_46 = arith.addi %mul3A_45, %broadcast_in_dim3A_25 : vector<16xi32>
      %gather3A_47 = tpu.vector_load_idx %arg7[%add3A_46] : memref<768xf32, #tpu.memory_space<vmem>>[vector<16xi32>], vector<16xf32>,
      %add3A_48 = arith.addi %mul3A_45, %broadcast_in_dim3A_27 : vector<16xi32>
      %gather3A_49 = tpu.vector_load_idx %arg7[%add3A_48] : memref<768xf32, #tpu.memory_space<vmem>>[vector<16xi32>], vector<16xf32>,
      %broadcast_in_dim3A_50 = arith.constant 4096 : i32
      %broadcast_in_dim3A_51 = vector.broadcast %broadcast_in_dim3A_50 : i32 to vector<16xi32>
      %swap3A = arith.constant 0 : index
      %swap3A_52 = tpu.vector_load %arg8[%swap3A] {strides = array<i32>} : memref<128xi32, #tpu.memory_space<vmem>>, vector<16xi32>,
      tpu.vector_store %arg8[%swap3A], %broadcast_in_dim3A_51 {strides = array<i32>} : memref<128xi32, #tpu.memory_space<vmem>>, vector<16xi32>,
      %while3A = arith.constant 0 : i32
      %while3A_53 = arith.constant 0 : i32
      %while3A_54:2 = scf.while (%while3A_95 = %while3A, %while3A_96 = %while3A_53) : (i32, i32) -> (i32, i32) {
        %lt3A_97 = arith.constant 32 : i32
        %lt3A_98 = arith.cmpi slt, %while3A_96, %lt3A_97 : i32
        %lt3A_99 = arith.constant 256 : i32
        %lt3A_100 = arith.cmpi slt, %while3A_95, %lt3A_99 : i32
        %and3A_101 = arith.andi %lt3A_98, %lt3A_100 : i1
        scf.condition(%and3A_101) %while3A_95, %while3A_96 : i32, i32
      } do {
      ^bb0(%while3A_95: i32, %while3A_96: i32):
        %mul3A_97 = arith.constant 16 : i32
        %mul3A_98 = arith.muli %while3A_95, %mul3A_97 : i32
        %add3A_99 = arith.constant 0 : i32
        %add3A_100 = arith.addi %mul3A_98, %add3A_99 : i32
        %get3A_101 = arith.index_cast %add3A_100 : i32 to index
        %get3A_102 = tpu.vector_load %arg6[%get3A_101] {strides = array<i32>} : memref<12288xf32, #tpu.memory_space<vmem>>, vector<16xf32>,
        %add3A_103 = arith.constant 4096 : i32
        %add3A_104 = arith.addi %add3A_103, %mul3A_98 : i32
        %add3A_105 = arith.constant 0 : i32
        %add3A_106 = arith.addi %add3A_104, %add3A_105 : i32
        %get3A_107 = arith.index_cast %add3A_106 : i32 to index
        %get3A_108 = tpu.vector_load %arg6[%get3A_107] {strides = array<i32>} : memref<12288xf32, #tpu.memory_space<vmem>>, vector<16xf32>,
        %add3A_109 = arith.constant 8192 : i32
        %add3A_110 = arith.addi %add3A_109, %mul3A_98 : i32
        %add3A_111 = arith.constant 0 : i32
        %add3A_112 = arith.addi %add3A_110, %add3A_111 : i32
        %get3A_113 = arith.index_cast %add3A_112 : i32 to index
        %get3A_114 = tpu.vector_load %arg6[%get3A_113] {strides = array<i32>} : memref<12288xf32, #tpu.memory_space<vmem>>, vector<16xf32>,
        %sub3A_115 = arith.subf %get3A_102, %gather3A : vector<16xf32>
        %sub3A_116 = arith.subf %get3A_108, %gather3A_47 : vector<16xf32>
        %sub3A_117 = arith.subf %get3A_114, %gather3A_49 : vector<16xf32>
        %mul3A_118 = arith.mulf %sub3A_115, %sub3A_115 : vector<16xf32>
        %mul3A_119 = arith.mulf %sub3A_116, %sub3A_116 : vector<16xf32>
        %add3A_120 = arith.addf %mul3A_118, %mul3A_119 : vector<16xf32>
        %mul3A_121 = arith.mulf %sub3A_117, %sub3A_117 : vector<16xf32>
        %add3A_122 = arith.addf %add3A_120, %mul3A_121 : vector<16xf32>
        %lt3A_123 = arith.constant 4.000000e-02 : f32
        %lt3A_124 = vector.broadcast %lt3A_123 : f32 to vector<16xf32>
        %lt3A_125 = arith.cmpf olt, %add3A_122, %lt3A_124 : vector<16xf32>
        %convert_element_type3A = arith.extui %lt3A_125 : vector<16xi1> to vector<16xi32>
        %reduce_sum3A = arith.constant true
        %reduce_sum3A_126 = vector.broadcast %reduce_sum3A : i1 to vector<16xi1>
        %reduce_sum3A_127 = tpu.scan <sum>, %convert_element_type3A masked %reduce_sum3A_126 : vector<16xi32>, vector<16xi1> -> vector<16xi32>
        %reduce_sum3A_128 = vector.extract %reduce_sum3A_127[15] : i32 from vector<16xi32>
        %add3A_129 = arith.constant 16 : i32
        %add3A_130 = arith.addi %mul3A_98, %add3A_129 : i32
        %get3A_131 = arith.index_cast %add3A_130 : i32 to index
        %get3A_132 = tpu.vector_load %arg6[%get3A_131] {strides = array<i32>} : memref<12288xf32, #tpu.memory_space<vmem>>, vector<16xf32>,
        %add3A_133 = arith.constant 4096 : i32
        %add3A_134 = arith.addi %add3A_133, %mul3A_98 : i32
        %add3A_135 = arith.constant 16 : i32
        %add3A_136 = arith.addi %add3A_134, %add3A_135 : i32
        %get3A_137 = arith.index_cast %add3A_136 : i32 to index
        %get3A_138 = tpu.vector_load %arg6[%get3A_137] {strides = array<i32>} : memref<12288xf32, #tpu.memory_space<vmem>>, vector<16xf32>,
        %add3A_139 = arith.constant 8192 : i32
        %add3A_140 = arith.addi %add3A_139, %mul3A_98 : i32
        %add3A_141 = arith.constant 16 : i32
        %add3A_142 = arith.addi %add3A_140, %add3A_141 : i32
        %get3A_143 = arith.index_cast %add3A_142 : i32 to index
        %get3A_144 = tpu.vector_load %arg6[%get3A_143] {strides = array<i32>} : memref<12288xf32, #tpu.memory_space<vmem>>, vector<16xf32>,
        %sub3A_145 = arith.subf %get3A_132, %gather3A : vector<16xf32>
        %sub3A_146 = arith.subf %get3A_138, %gather3A_47 : vector<16xf32>
        %sub3A_147 = arith.subf %get3A_144, %gather3A_49 : vector<16xf32>
        %mul3A_148 = arith.mulf %sub3A_145, %sub3A_145 : vector<16xf32>
        %mul3A_149 = arith.mulf %sub3A_146, %sub3A_146 : vector<16xf32>
        %add3A_150 = arith.addf %mul3A_148, %mul3A_149 : vector<16xf32>
        %mul3A_151 = arith.mulf %sub3A_147, %sub3A_147 : vector<16xf32>
        %add3A_152 = arith.addf %add3A_150, %mul3A_151 : vector<16xf32>
        %lt3A_153 = arith.constant 4.000000e-02 : f32
        %lt3A_154 = vector.broadcast %lt3A_153 : f32 to vector<16xf32>
        %lt3A_155 = arith.cmpf olt, %add3A_152, %lt3A_154 : vector<16xf32>
        %convert_element_type3A_156 = arith.extui %lt3A_155 : vector<16xi1> to vector<16xi32>
        %reduce_sum3A_157 = arith.constant true
        %reduce_sum3A_158 = vector.broadcast %reduce_sum3A_157 : i1 to vector<16xi1>
        %reduce_sum3A_159 = tpu.scan <sum>, %convert_element_type3A_156 masked %reduce_sum3A_158 : vector<16xi32>, vector<16xi1> -> vector<16xi32>
        %reduce_sum3A_160 = vector.extract %reduce_sum3A_159[15] : i32 from vector<16xi32>
        %add3A_161 = arith.constant 32 : i32
        %add3A_162 = arith.addi %mul3A_98, %add3A_161 : i32
        %get3A_163 = arith.index_cast %add3A_162 : i32 to index
        %get3A_164 = tpu.vector_load %arg6[%get3A_163] {strides = array<i32>} : memref<12288xf32, #tpu.memory_space<vmem>>, vector<16xf32>,
        %add3A_165 = arith.constant 4096 : i32
        %add3A_166 = arith.addi %add3A_165, %mul3A_98 : i32
        %add3A_167 = arith.constant 32 : i32
        %add3A_168 = arith.addi %add3A_166, %add3A_167 : i32
        %get3A_169 = arith.index_cast %add3A_168 : i32 to index
        %get3A_170 = tpu.vector_load %arg6[%get3A_169] {strides = array<i32>} : memref<12288xf32, #tpu.memory_space<vmem>>, vector<16xf32>,
        %add3A_171 = arith.constant 8192 : i32
        %add3A_172 = arith.addi %add3A_171, %mul3A_98 : i32
        %add3A_173 = arith.constant 32 : i32
        %add3A_174 = arith.addi %add3A_172, %add3A_173 : i32
        %get3A_175 = arith.index_cast %add3A_174 : i32 to index
        %get3A_176 = tpu.vector_load %arg6[%get3A_175] {strides = array<i32>} : memref<12288xf32, #tpu.memory_space<vmem>>, vector<16xf32>,
        %sub3A_177 = arith.subf %get3A_164, %gather3A : vector<16xf32>
        %sub3A_178 = arith.subf %get3A_170, %gather3A_47 : vector<16xf32>
        %sub3A_179 = arith.subf %get3A_176, %gather3A_49 : vector<16xf32>
        %mul3A_180 = arith.mulf %sub3A_177, %sub3A_177 : vector<16xf32>
        %mul3A_181 = arith.mulf %sub3A_178, %sub3A_178 : vector<16xf32>
        %add3A_182 = arith.addf %mul3A_180, %mul3A_181 : vector<16xf32>
        %mul3A_183 = arith.mulf %sub3A_179, %sub3A_179 : vector<16xf32>
        %add3A_184 = arith.addf %add3A_182, %mul3A_183 : vector<16xf32>
        %lt3A_185 = arith.constant 4.000000e-02 : f32
        %lt3A_186 = vector.broadcast %lt3A_185 : f32 to vector<16xf32>
        %lt3A_187 = arith.cmpf olt, %add3A_184, %lt3A_186 : vector<16xf32>
        %convert_element_type3A_188 = arith.extui %lt3A_187 : vector<16xi1> to vector<16xi32>
        %reduce_sum3A_189 = arith.constant true
        %reduce_sum3A_190 = vector.broadcast %reduce_sum3A_189 : i1 to vector<16xi1>
        %reduce_sum3A_191 = tpu.scan <sum>, %convert_element_type3A_188 masked %reduce_sum3A_190 : vector<16xi32>, vector<16xi1> -> vector<16xi32>
        %reduce_sum3A_192 = vector.extract %reduce_sum3A_191[15] : i32 from vector<16xi32>
        %add3A_193 = arith.constant 48 : i32
        %add3A_194 = arith.addi %mul3A_98, %add3A_193 : i32
        %get3A_195 = arith.index_cast %add3A_194 : i32 to index
        %get3A_196 = tpu.vector_load %arg6[%get3A_195] {strides = array<i32>} : memref<12288xf32, #tpu.memory_space<vmem>>, vector<16xf32>,
        %add3A_197 = arith.constant 4096 : i32
        %add3A_198 = arith.addi %add3A_197, %mul3A_98 : i32
        %add3A_199 = arith.constant 48 : i32
        %add3A_200 = arith.addi %add3A_198, %add3A_199 : i32
        %get3A_201 = arith.index_cast %add3A_200 : i32 to index
        %get3A_202 = tpu.vector_load %arg6[%get3A_201] {strides = array<i32>} : memref<12288xf32, #tpu.memory_space<vmem>>, vector<16xf32>,
        %add3A_203 = arith.constant 8192 : i32
        %add3A_204 = arith.addi %add3A_203, %mul3A_98 : i32
        %add3A_205 = arith.constant 48 : i32
        %add3A_206 = arith.addi %add3A_204, %add3A_205 : i32
        %get3A_207 = arith.index_cast %add3A_206 : i32 to index
        %get3A_208 = tpu.vector_load %arg6[%get3A_207] {strides = array<i32>} : memref<12288xf32, #tpu.memory_space<vmem>>, vector<16xf32>,
        %sub3A_209 = arith.subf %get3A_196, %gather3A : vector<16xf32>
        %sub3A_210 = arith.subf %get3A_202, %gather3A_47 : vector<16xf32>
        %sub3A_211 = arith.subf %get3A_208, %gather3A_49 : vector<16xf32>
        %mul3A_212 = arith.mulf %sub3A_209, %sub3A_209 : vector<16xf32>
        %mul3A_213 = arith.mulf %sub3A_210, %sub3A_210 : vector<16xf32>
        %add3A_214 = arith.addf %mul3A_212, %mul3A_213 : vector<16xf32>
        %mul3A_215 = arith.mulf %sub3A_211, %sub3A_211 : vector<16xf32>
        %add3A_216 = arith.addf %add3A_214, %mul3A_215 : vector<16xf32>
        %lt3A_217 = arith.constant 4.000000e-02 : f32
        %lt3A_218 = vector.broadcast %lt3A_217 : f32 to vector<16xf32>
        %lt3A_219 = arith.cmpf olt, %add3A_216, %lt3A_218 : vector<16xf32>
        %convert_element_type3A_220 = arith.extui %lt3A_219 : vector<16xi1> to vector<16xi32>
        %reduce_sum3A_221 = arith.constant true
        %reduce_sum3A_222 = vector.broadcast %reduce_sum3A_221 : i1 to vector<16xi1>
        %reduce_sum3A_223 = tpu.scan <sum>, %convert_element_type3A_220 masked %reduce_sum3A_222 : vector<16xi32>, vector<16xi1> -> vector<16xi32>
        %reduce_sum3A_224 = vector.extract %reduce_sum3A_223[15] : i32 from vector<16xi32>
        %add3A_225 = arith.addi %while3A_96, %reduce_sum3A_128 : i32
        %add3A_226 = arith.addi %add3A_225, %reduce_sum3A_160 : i32
        %add3A_227 = arith.addi %add3A_226, %reduce_sum3A_192 : i32
        %add3A_228 = arith.addi %add3A_227, %reduce_sum3A_224 : i32
        %add3A_229 = arith.constant 0 : i32
        %add3A_230 = arith.addi %mul3A_98, %add3A_229 : i32
        %add3A_231 = vector.broadcast %add3A_230 : i32 to vector<16xi32>
        %add3A_232 = arith.addi %iota3A, %add3A_231 : vector<16xi32>
        %swap3A_233 = arith.index_cast %while3A_96 : i32 to index
        %swap3A_234 = tpu.vector_load %arg8[%swap3A_233] masked %lt3A_125 {strides = array<i32>} : memref<128xi32, #tpu.memory_space<vmem>>, vector<16xi32>, vector<16xi1>
        tpu.vector_store %arg8[%swap3A_233], %add3A_232 masked %lt3A_125 {strides = array<i32>} : memref<128xi32, #tpu.memory_space<vmem>>, vector<16xi32>, vector<16xi1>
        %add3A_235 = arith.constant 16 : i32
        %add3A_236 = arith.addi %mul3A_98, %add3A_235 : i32
        %add3A_237 = vector.broadcast %add3A_236 : i32 to vector<16xi32>
        %add3A_238 = arith.addi %iota3A, %add3A_237 : vector<16xi32>
        %swap3A_239 = arith.index_cast %add3A_225 : i32 to index
        %swap3A_240 = tpu.vector_load %arg8[%swap3A_239] masked %lt3A_155 {strides = array<i32>} : memref<128xi32, #tpu.memory_space<vmem>>, vector<16xi32>, vector<16xi1>
        tpu.vector_store %arg8[%swap3A_239], %add3A_238 masked %lt3A_155 {strides = array<i32>} : memref<128xi32, #tpu.memory_space<vmem>>, vector<16xi32>, vector<16xi1>
        %add3A_241 = arith.constant 32 : i32
        %add3A_242 = arith.addi %mul3A_98, %add3A_241 : i32
        %add3A_243 = vector.broadcast %add3A_242 : i32 to vector<16xi32>
        %add3A_244 = arith.addi %iota3A, %add3A_243 : vector<16xi32>
        %swap3A_245 = arith.index_cast %add3A_226 : i32 to index
        %swap3A_246 = tpu.vector_load %arg8[%swap3A_245] masked %lt3A_187 {strides = array<i32>} : memref<128xi32, #tpu.memory_space<vmem>>, vector<16xi32>, vector<16xi1>
        tpu.vector_store %arg8[%swap3A_245], %add3A_244 masked %lt3A_187 {strides = array<i32>} : memref<128xi32, #tpu.memory_space<vmem>>, vector<16xi32>, vector<16xi1>
        %add3A_247 = arith.constant 48 : i32
        %add3A_248 = arith.addi %mul3A_98, %add3A_247 : i32
        %add3A_249 = vector.broadcast %add3A_248 : i32 to vector<16xi32>
        %add3A_250 = arith.addi %iota3A, %add3A_249 : vector<16xi32>
        %swap3A_251 = arith.index_cast %add3A_227 : i32 to index
        %swap3A_252 = tpu.vector_load %arg8[%swap3A_251] masked %lt3A_219 {strides = array<i32>} : memref<128xi32, #tpu.memory_space<vmem>>, vector<16xi32>, vector<16xi1>
        tpu.vector_store %arg8[%swap3A_251], %add3A_250 masked %lt3A_219 {strides = array<i32>} : memref<128xi32, #tpu.memory_space<vmem>>, vector<16xi32>, vector<16xi1>
        %add3A_253 = arith.constant 4 : i32
        %add3A_254 = arith.addi %while3A_95, %add3A_253 : i32
        scf.yield %add3A_254, %add3A_228 : i32, i32
      }
      %get3A = arith.constant 0 : index
      %get3A_55 = tpu.vector_load %arg8[%get3A] {strides = array<i32>} : memref<128xi32, #tpu.memory_space<vmem>>, vector<16xi32>,
      %reduce_min3A = arith.constant true
      %reduce_min3A_56 = vector.broadcast %reduce_min3A : i1 to vector<16xi1>
      %reduce_min3A_57 = arith.constant -2147483648 : i32
      %reduce_min3A_58 = vector.broadcast %reduce_min3A_57 : i32 to vector<16xi32>
      %reduce_min3A_59 = arith.xori %get3A_55, %reduce_min3A_58 : vector<16xi32>
      %reduce_min3A_60 = tpu.scan <min>, %reduce_min3A_59 masked %reduce_min3A_56 : vector<16xi32>, vector<16xi1> -> vector<16xi32>
      %reduce_min3A_61 = arith.xori %reduce_min3A_60, %reduce_min3A_58 : vector<16xi32>
      %reduce_min3A_62 = vector.extract %reduce_min3A_61[15] : i32 from vector<16xi32>
      %eq3A = arith.constant 4096 : i32
      %eq3A_63 = arith.cmpi eq, %reduce_min3A_62, %eq3A : i32
      %jit3A_64 = arith.constant 0 : i32
      %select_n3A_65 = arith.select %eq3A_63, %jit3A_64, %reduce_min3A_62 : i32
      %mul3A_66 = vector.broadcast %select_n3A_65 : i32 to vector<16xi32>
      %mul3A_67 = arith.muli %broadcast_in_dim3A_25, %mul3A_66 : vector<16xi32>
      %add3A_68 = arith.constant 0 : i32
      %add3A_69 = vector.broadcast %add3A_68 : i32 to vector<16xi32>
      %add3A_70 = arith.addi %iota3A, %add3A_69 : vector<16xi32>
      %get3A_71 = arith.constant 0 : index
      %get3A_72 = tpu.vector_load %arg8[%get3A_71] {strides = array<i32>} : memref<128xi32, #tpu.memory_space<vmem>>, vector<16xi32>,
      %lt3A = vector.broadcast %while3A_54#1 : i32 to vector<16xi32>
      %lt3A_73 = arith.cmpi slt, %add3A_70, %lt3A : vector<16xi32>
      %select_n3A_74 = arith.select %lt3A_73, %get3A_72, %mul3A_67 : vector<16xi1>, vector<16xi32>
      %mul3A_75 = arith.constant 32 : i32
      %mul3A_76 = arith.muli %scan3A_41, %mul3A_75 : i32
      %add3A_77 = arith.constant 0 : i32
      %add3A_78 = arith.addi %mul3A_76, %add3A_77 : i32
      %swap3A_79 = arith.index_cast %add3A_78 : i32 to index
      %swap3A_80 = tpu.vector_load %arg9[%swap3A_79] {strides = array<i32>} : memref<8192xi32, #tpu.memory_space<vmem>>, vector<16xi32>,
      tpu.vector_store %arg9[%swap3A_79], %select_n3A_74 {strides = array<i32>} : memref<8192xi32, #tpu.memory_space<vmem>>, vector<16xi32>,
      %add3A_81 = arith.constant 16 : i32
      %add3A_82 = vector.broadcast %add3A_81 : i32 to vector<16xi32>
      %add3A_83 = arith.addi %iota3A, %add3A_82 : vector<16xi32>
      %get3A_84 = arith.constant 16 : index
      %get3A_85 = tpu.vector_load %arg8[%get3A_84] {strides = array<i32>} : memref<128xi32, #tpu.memory_space<vmem>>, vector<16xi32>,
      %lt3A_86 = vector.broadcast %while3A_54#1 : i32 to vector<16xi32>
      %lt3A_87 = arith.cmpi slt, %add3A_83, %lt3A_86 : vector<16xi32>
      %select_n3A_88 = arith.select %lt3A_87, %get3A_85, %mul3A_67 : vector<16xi1>, vector<16xi32>
      %mul3A_89 = arith.constant 32 : i32
      %mul3A_90 = arith.muli %scan3A_41, %mul3A_89 : i32
      %add3A_91 = arith.constant 16 : i32
      %add3A_92 = arith.addi %mul3A_90, %add3A_91 : i32
      %swap3A_93 = arith.index_cast %add3A_92 : i32 to index
      %swap3A_94 = tpu.vector_load %arg9[%swap3A_93] {strides = array<i32>} : memref<8192xi32, #tpu.memory_space<vmem>>, vector<16xi32>,
      tpu.vector_store %arg9[%swap3A_93], %select_n3A_88 {strides = array<i32>} : memref<8192xi32, #tpu.memory_space<vmem>>, vector<16xi32>,
    }
    %scan3A_38 = arith.constant 256 : i32
    %mul3A_39 = arith.constant 32 : i32
    %mul3A_40 = arith.muli %mul3A_2, %mul3A_39 : i32
    "tpu.region"() ({
      %run_scoped3A = tpu.sem_alloc : memref<!tpu.dma_semaphore, #tpu.memory_space<semaphore_mem>>
      %dma_start3A = tpu.memref_slice %arg4[%mul3A_40] : memref<262144xi32, #tpu.memory_space<hbm>> -> memref<8192xi32, #tpu.memory_space<hbm>>
      %dma_start3A_41 = tpu.memref_slice %arg4[%mul3A_40] : memref<262144xi32, #tpu.memory_space<hbm>> -> memref<8192xi32, #tpu.memory_space<hbm>>
      tpu.enqueue_dma source(%arg9 : memref<8192xi32, #tpu.memory_space<vmem>>) target(%dma_start3A_41 : memref<8192xi32, #tpu.memory_space<hbm>>) target_semaphore(%run_scoped3A : memref<!tpu.dma_semaphore, #tpu.memory_space<semaphore_mem>>)
      %dma_wait3A = tpu.memref_slice %arg4[%mul3A_40] : memref<262144xi32, #tpu.memory_space<hbm>> -> memref<8192xi32, #tpu.memory_space<hbm>>
      %dma_wait3A_42 = tpu.memref_slice %arg4[%mul3A_40] : memref<262144xi32, #tpu.memory_space<hbm>> -> memref<8192xi32, #tpu.memory_space<hbm>>
      tpu.wait_dma2 semaphore(%run_scoped3A : memref<!tpu.dma_semaphore, #tpu.memory_space<semaphore_mem>>) src(%arg9 : memref<8192xi32, #tpu.memory_space<vmem>>) dst(%dma_wait3A_42 : memref<8192xi32, #tpu.memory_space<hbm>>)
      tpu.yield
    }) : () -> ()
    return
  }
}

module attributes {stable_mosaic.version = 14 : i64} {
  func.func @_featt_body(%arg0: i32, %arg1: memref<1x4096x128xf32, #tpu.memory_space<vmem>>, %arg2: memref<1x1x524288xf32, #tpu.memory_space<vmem>>) attributes {dimension_semantics = [#tpu.dimension_semantics<arbitrary>], iteration_bounds = array<i64: 8>, scalar_prefetch = 0 : i64, scratch_operands = 0 : i64, tpu.core_type = #tpu.core_type<tc>, window_params = [{transform_indices = @transform_0, window_bounds = array<i64: 1, 4096, 128>}, {transform_indices = @transform_1, window_bounds = array<i64: 1, 1, 524288>}]} {
    %get3A = arith.constant 0 : index
    %get3A_0 = arith.constant 0 : index
    %get3A_1 = arith.constant 0 : index
    %get3A_2 = vector.load %arg1[%get3A, %get3A_0, %get3A_1] : memref<1x4096x128xf32, #tpu.memory_space<vmem>>, vector<1x4096x128xf32>
    %get3A_3 = vector.shape_cast %get3A_2 : vector<1x4096x128xf32> to vector<4096x128xf32>
    %transpose3A = tpu.transpose %get3A_3, [1, 0] : vector<4096x128xf32> -> vector<128x4096xf32>
    %reshape3A = vector.shape_cast %transpose3A : vector<128x4096xf32> to vector<1x1x524288xf32>
    %swap3A = arith.constant 0 : index
    %swap3A_4 = arith.constant 0 : index
    %swap3A_5 = arith.constant 0 : index
    %swap3A_6 = vector.load %arg2[%swap3A, %swap3A_4, %swap3A_5] : memref<1x1x524288xf32, #tpu.memory_space<vmem>>, vector<1x1x524288xf32>
    tpu.vector_store %arg2[%swap3A, %swap3A_4, %swap3A_5], %reshape3A {strides = array<i32>} : memref<1x1x524288xf32, #tpu.memory_space<vmem>>, vector<1x1x524288xf32>,
    return
  }
  func.func @transform_0(%arg0: i32) -> (i32, i32, i32) {
    %c0_i32 = arith.constant 0 : i32
    %c0_i32_0 = arith.constant 0 : i32
    %c0_i32_1 = arith.constant 0 : i32
    return %arg0, %c0_i32, %c0_i32_0 : i32, i32, i32
  }
  func.func @transform_1(%arg0: i32) -> (i32, i32, i32) {
    %c0_i32 = arith.constant 0 : i32
    %c0_i32_0 = arith.constant 0 : i32
    %c0_i32_1 = arith.constant 0 : i32
    return %arg0, %c0_i32, %c0_i32_0 : i32, i32, i32
  }
}

module attributes {stable_mosaic.version = 14 : i64} {
  func.func @_untile_body(%arg0: i32, %arg1: memref<131072xf32, #tpu.memory_space<vmem>>, %arg2: memref<4x32x1024xf32, #tpu.memory_space<vmem>>) attributes {dimension_semantics = [#tpu.dimension_semantics<arbitrary>], iteration_bounds = array<i64: 262>, scalar_prefetch = 0 : i64, scratch_operands = 0 : i64, tpu.core_type = #tpu.core_type<tc>, window_params = [{transform_indices = @transform_0, window_bounds = array<i64: 131072>}, {transform_indices = @transform_1, window_bounds = array<i64: 4, 32, 1024>}]} {
    %get3A = arith.constant 0 : index
    %get3A_0 = vector.load %arg1[%get3A] : memref<131072xf32, #tpu.memory_space<vmem>>, vector<131072xf32>
    %reshape3A = vector.shape_cast %get3A_0 : vector<131072xf32> to vector<4x32x1024xf32>
    %swap3A = arith.constant 0 : index
    %swap3A_1 = arith.constant 0 : index
    %swap3A_2 = arith.constant 0 : index
    %swap3A_3 = vector.load %arg2[%swap3A, %swap3A_1, %swap3A_2] : memref<4x32x1024xf32, #tpu.memory_space<vmem>>, vector<4x32x1024xf32>
    tpu.vector_store %arg2[%swap3A, %swap3A_1, %swap3A_2], %reshape3A {strides = array<i32>} : memref<4x32x1024xf32, #tpu.memory_space<vmem>>, vector<4x32x1024xf32>,
    return
  }
  func.func @transform_0(%arg0: i32) -> i32 {
    %c0_i32 = arith.constant 0 : i32
    return %arg0 : i32
  }
  func.func @transform_1(%arg0: i32) -> (i32, i32, i32) {
    %c0_i32 = arith.constant 0 : i32
    %c0_i32_0 = arith.constant 0 : i32
    %c0_i32_1 = arith.constant 0 : i32
    return %arg0, %c0_i32, %c0_i32_0 : i32, i32, i32
  }
}

</mosaic_0001>

<sc_bundles>
// kernel: kernel.6.cloned.1.call-start
scs
__scs_entry_jumppad:
0x0: {  	(pc) =	sbr.rel $0x88, $3  }
0x1: {  	(tag) =	ssettag $0x0;
	lr =	simm.s32 $0x1  }
0x2: {  	[smem:$0x3F9E] =	sst lr;
	_ =	strace $0xD0000000  }
0x3: {  	_ = 	snop  }
0x4: {  	_ = 	snop  }
0x5: {  	_ = 	snop  }
0x6: {  	_ = 	snop  }
0x7: {  	_ = 	snop  }
__scs_overlays_trampoline_lowered:
0x8: {  	[smem:$0x3FAD] =	sst s0  }
0x9: {  	[smem:$0x3FAE] =	sst s1  }
0xa: {  	[smem:$0x3FAF] =	sst s2  }
0xb: {  	[smem:$0x3FB0] =	sst s3  }
0xc: {  	[smem:$0x3FB1] =	sst s4  }
0xd: {  	[smem:$0x3FB2] =	sst s5  }
0xe: {  	[smem:$0x3FB3] =	sst s6  }
0xf: {  	[smem:$0x3FB4] =	sst s7  }
0x10: {  	[smem:$0x3FB5] =	sst s8  }
0x11: {  	[smem:$0x3FB6] =	sst s9;
	s0 =	simm.s32 @!p0 $0x0  }
0x12: {  	s1 =	sld [smem:$0x3F9C];
	s0 =	simm.s32 @p0 $0x1  }
0x13: {  	[smem:$0x3FB7] =	sst s0;
	s0 =	simm.s32 @!p1 $0x0  }
0x14: {  	s2 =	sld [smem:$0x3F9B];
	s0 =	simm.s32 @p1 $0x1  }
0x15: {  	[smem:$0x3FB8] =	sst s0;
	s0 =	simm.s32 @!p2 $0x0  }
0x16: {  	s3 =	sld [smem:$0x3FDB];
	s0 =	simm.s32 @p2 $0x1  }
0x17: {  	s4 =	simm.s32 $0x1BF5;
	[smem:$0x3FBA] =	sst s0  }
0x18: {  	s0 =	sld [smem:$0x3F9D];
	_ =	swait.ge [sflag:s4], $0x0  }
0x19: {  	s7 =	sld [smem:$0x3F9E]  }
0x1a: {  	s8 =	sadd.s32 $0xFFFFE003, lr  }
0x1b: {  	s9 =	sadd.s32 $0xFFFFFEF7, lr;
	s5 =	simm.s32 $0xFFFFFFFF;
	p2 =	slt.u32 s8, $0xFFFFF086  }
0x1c: {  	p1 =	slt.u32 s9, $0xF7A;
	s5 =	simm.s32 @!p2 $0x0  }
0x1d: {  	s5 =	simm.s32 @p1 $0x1;
	p0 =	seq.s32 s7, s2  }
0x1e: {  	s7 =	smul.u32 @!p0 $0xF7A, s2;
	p2 =	seq.s32 @!p0 s5, $0x0  }
0x1f: {  	s9 =	smul.u32 $0xF7A, s1;
	s8 =	simm.s32 @!p0 $0x1BF5;
	p2 =	por !p2, p0  }
0x20: {  	[sflag:s8] =	ssyncset.s32 @!p0 $0xFFFFF086;
	s6 =	sadd.s32 @!p0 s3, s7;
	s7 =	simm.s32 @!p0 $0x108  }
0x21: {  	s3 =	sadd.s32 s3, s9;
	s6 =	sadd.s32 @!p0 $0x88, s6;
	s7 =	simm.s32 @p2 $0x1082  }
0x22: {  	[simem:s7], [sflag:s8] =	dma.local @!p0 [hbm:s6], $0xF7A  }
0x23: {  	s9 =	sor.u32 $0xD0000000, s2;
	s6 =	simm.s32 $0x108;
	_ =	swait.ge @!p0 [sflag:s8], $0x0  }
0x24: {  	s3 =	sadd.s32 $0x88, s3;
	s6 =	simm.s32 @!p1 $0x1082;
	[sflag:s4] =	ssyncset.s32 $0xFFFFF086  }
0x25: {  	[simem:s6], [sflag:s4] =	dma.local [hbm:s3], $0xF7A  }
0x26: {  	[smem:$0x3F9E] =	sst s1;
	(tag) =	ssettag s2;
	_ =	strace s9  }
0x27: {  	s1 =	sld [smem:$0x3FAE]  }
0x28: {  	s2 =	sld [smem:$0x3FAF]  }
0x29: {  	s4 =	sld [smem:$0x3FB1]  }
0x2a: {  	p0 =	seq.s32 s5, $0x0;
	s5 =	sld [smem:$0x3FB2]  }
0x2b: {  	s6 =	sld [smem:$0x3FB3]  }
0x2c: {  	s7 =	sld [smem:$0x3FB4]  }
0x2d: {  	s3 =	simm.s32 $0x108;
	s8 =	sld [smem:$0x3FB5]  }
0x2e: {  	s3 =	simm.s32 @!p0 $0x1082;
	s9 =	sld [smem:$0x3FB6]  }
0x2f: {  	lr =	sadd.s32 s0, s3;
	s0 =	sld [smem:$0x3FAD]  }
0x30: {  	s3 =	sld [smem:$0x3FB0]  }
0x31: {  	[smem:$0x3FB9] =	sst s10  }
0x32: {  	s10 =	sld [smem:$0x3FB7];
	_ =	sdelay $0x3  }
0x33: {  	p0 =	seq.s32 s10, $0x1;
	s10 =	sld [smem:$0x3FB9];
	_ =	sdelay $0x3  }
0x34: {  	[smem:$0x3FB9] =	sst s10  }
0x35: {  	s10 =	sld [smem:$0x3FB8];
	_ =	sdelay $0x3  }
0x36: {  	p1 =	seq.s32 s10, $0x1;
	s10 =	sld [smem:$0x3FB9];
	_ =	sdelay $0x3  }
0x37: {  	[smem:$0x3FB9] =	sst s10  }
0x38: {  	s10 =	sld [smem:$0x3FBA]  }
0x39: {  	_ = 	snop;
	(pc) =	sbr.ind lr, $3  }
0x3a: {  	_ = 	snop  }
0x3b: {  	_ = 	snop  }
0x3c: {  	p2 =	seq.s32 s10, $0x1;
	s10 =	sld [smem:$0x3FB9]  }
0x3d: {  	_ =	shalt  }
0x3e: {  	_ =	shalt  }
0x3f: {  	_ =	shalt  }
0x40: {  	_ =	shalt  }
0x41: {  	_ =	shalt  }
0x42: {  	_ =	shalt  }
0x43: {  	_ =	shalt  }
0x44: {  	_ =	shalt  }
0x45: {  	_ =	shalt  }
0x46: {  	_ =	shalt  }
0x47: {  	_ =	shalt  }
0x48: {  	_ =	shalt  }
0x49: {  	_ =	shalt  }
0x4a: {  	_ =	shalt  }
0x4b: {  	_ =	shalt  }
0x4c: {  	_ =	shalt  }
0x4d: {  	_ =	shalt  }
0x4e: {  	_ =	shalt  }
0x4f: {  	_ =	shalt  }
0x50: {  	_ =	shalt  }
0x51: {  	_ =	shalt  }
0x52: {  	_ =	shalt  }
0x53: {  	_ =	shalt  }
0x54: {  	_ =	shalt  }
0x55: {  	_ =	shalt  }
0x56: {  	_ =	shalt  }
0x57: {  	_ =	shalt  }
0x58: {  	_ =	shalt  }
0x59: {  	_ =	shalt  }
0x5a: {  	_ =	shalt  }
0x5b: {  	_ =	shalt  }
0x5c: {  	_ =	shalt  }
0x5d: {  	_ =	shalt  }
0x5e: {  	_ =	shalt  }
0x5f: {  	_ =	shalt  }
0x60: {  	_ =	shalt  }
0x61: {  	_ =	shalt  }
0x62: {  	_ =	shalt  }
0x63: {  	_ =	shalt  }
0x64: {  	_ =	shalt  }
0x65: {  	_ =	shalt  }
0x66: {  	_ =	shalt  }
0x67: {  	_ =	shalt  }
0x68: {  	_ =	shalt  }
0x69: {  	_ =	shalt  }
0x6a: {  	_ =	shalt  }
0x6b: {  	_ =	shalt  }
0x6c: {  	_ =	shalt  }
0x6d: {  	_ =	shalt  }
0x6e: {  	_ =	shalt  }
0x6f: {  	_ =	shalt  }
0x70: {  	_ =	shalt  }
0x71: {  	_ =	shalt  }
0x72: {  	_ =	shalt  }
0x73: {  	_ =	shalt  }
0x74: {  	_ =	shalt  }
0x75: {  	_ =	shalt  }
0x76: {  	_ =	shalt  }
0x77: {  	_ =	shalt  }
0x78: {  	_ =	shalt  }
0x79: {  	_ =	shalt  }
0x7a: {  	_ =	shalt  }
0x7b: {  	_ =	shalt  }
0x7c: {  	_ =	shalt  }
0x7d: {  	_ =	shalt  }
0x7e: {  	_ =	shalt  }
0x7f: {  	_ =	shalt  }
0x80: {  	_ =	shalt  }
0x81: {  	_ =	shalt  }
0x82: {  	_ =	shalt  }
0x83: {  	_ =	shalt  }
0x84: {  	_ =	shalt  }
0x85: {  	_ =	shalt  }
0x86: {  	_ =	shalt  }
0x87: {  	_ =	shalt  }
.Lfunc_end0:
.L_simem_size_0:
called_computation_lowered:
.L_overlay_start_0:
0x88: {  	s2 =	sld [smem:$0x3FD9]  }
0x89: {  	s3 =	sld [smem:$0x3FFE];
	_ =	sdelay $0x1  }
0x8a: {  	s1 =	srdreg.scid  }
0x8b: {  	s0 =	sand.u32 $0x1, s1  }
0x8c: {  	s16 =	sshll.u32 s0, $0xA;
	s2 =	sadd.s32 s3, s2  }
0x8d: {  	s2 =	sadd.s32 s2, s16  }
0x8e: {  	[smem:$0x3FC5] =	sst s2  }
0x8f: {  	_ = 	snop  }
0x90: {  	(tm) =	ssettm $0x1  }
0x91: {  	s17 =	sld [smem:$0x3FFB];
	_ =	sdelay $0x3  }
0x92: {  	_ =	strace s17  }
0x93: {  	s2 =	sld [smem:$0x3FFC];
	_ =	sdelay $0x3  }
0x94: {  	_ =	strace s2  }
0x95: {  	s2 =	sld [smem:$0x3FFD];
	_ =	sdelay $0x3  }
0x96: {  	_ =	strace s2  }
0x97: {  	_ =	strace $0x8FFFFFFF  }
0x98: {  	s18 =	sld [smem:$0x3FDB];
	_ =	sdelay $0x1  }
0x99: {  	s19 =	simm.s32 $_scs_section_size  }
0x9a: {  	s4 =	simm.s32 $_size__tile_overlayer_lowered;
	s5 =	simm.s32 $_tile_overlayer_lowered  }
0x9b: {  	s22 =	simm.s32 $0x1BFF;
	s21 =	sshll.u32 s5, $0x1;
	s2 =	sadd.s32 s19, s18  }
0x9c: {  	s6 =	simm.s32 $0x0;
	s20 =	sshll.u32 s4, $0x1;
	s4 =	sadd.s32 s21, s2  }
0x9d: {  	[timem:s6], [sflag:s22] =	dma.local [hbm:s4], s20  }
0x9e: {  	_ =	swait.ge [sflag:s22], s20  }
0x9f: {  	s3 =	ssub.s32 $0x0, s20;
	[sflag:s22] =	ssyncset.done $0x0  }
0xa0: {  	[sflag:s22] =	ssyncadd.s32 s3;
	_ =	sdelay $0x1  }
0xa1: {  	s23 =	simm.s32 $0x1B8B  }
0xa2: {  	_ =	swait.ge [sflag:s23], $0x1  }
0xa3: {  	[sflag:s23] =	ssyncset.done $0x0  }
0xa4: {  	s25 =	simm.s32 $0x1B8E;
	s24 =	sld [smem:$0x3FFE];
	[sflag:s23] =	ssyncadd.s32 $0xFFFFFFFF  }
0xa5: {  	s26 =	simm.s32 $execute0_lowered;
	[smem:$0x3FD2] =	sst s25  }
0xa6: {  	s4 =	sshll.u32 s26, $0x1;
	_ =	strace $0x80000046;
	[dreg:$0x1] =	wrdreg $0xFFFFFFFF  }
0xa7: {  	s28 =	simm.s32 $_size_execute0_lowered;
	s2 =	sadd.s32 s2, s4;
	[dreg:$0x0] =	wrdreg $0x0  }
0xa8: {  	s4 =	sshll.u32 s28, $0x1;
	[dreg:$0x2] =	wrdreg s2  }
0xa9: {  	[dreg:$0x3] =	wrdreg s4  }
0xaa: {  	[dreg:$0x4] =	wrdreg $0xC0  }
0xab: {  	_ =	task [dreg:s6], $0x5FFFF  }
0xac: {  	[dreg:$0x1] =	wrdreg $0xFFFFFFFF  }
0xad: {  	[dreg:$0x0] =	wrdreg $0x60  }
0xae: {  	[dreg:$0x2] =	wrdreg s24  }
0xaf: {  	[dreg:$0x3] =	wrdreg $0x9  }
0xb0: {  	_ =	task.clear_ibuf [dreg:s6], $0x4FFFF;
	_ =	strace $0x90000046  }
0xb1: {  	s29 =	simm.s32 $0x9;
	_ =	strace $0x80000048  }
0xb2: {  	_ =	swait.ge [sflag:s29], $0x1  }
0xb3: {  	[sflag:s29] =	ssyncadd.s32 $0xFFFFFFFF  }
0xb4: {  	_ =	strace $0x90000048  }
0xb5: {  	_ =	sfence  }
0xb6: {  	s30 =	sld [smem:$0x0];
	_ =	sdelay $0x2  }
0xb7: {  	s31 =	sshll.u32 s1, $0xD;
	s1 =	sshrl.u32 s1, $0x2  }
0xb8: {  	s3 =	sand.u32 $0x4000, s31;
	s1 =	sadd.s32 s1, s30  }
0xb9: {  	s0 =	sor.u32 s3, s0;
	s1 =	sshll.u32 s1, $0x11  }
0xba: {  	s0 =	sor.u32 s1, s0  }
0xbb: {  	s0 =	sadd.s32 $0x8F2B, s0  }
0xbc: {  	[sflag:s0] =	ssyncadd.remote.s32 $0x1  }
0xbd: {  	_ =	sfence.sel $0xFFFF  }
0xbe: {  	[dreg:$0x0] =	wrdreg $0xFFFFFFFF;
	(pc) =	sbr.abs _section_cstart, $3  }
0xbf: {  	[dreg:$0x1] =	wrdreg $0xFFFFFFFF  }
0xc0: {  	_ =	task.clear_ibuf [dreg:s6], $0x2FFFF;
	_ =	strace $0x9FFFFFFF  }
0xc1: {  	(tm) =	ssettm $0x7FFFFFFF  }
tec
execute0_lowered:
.L_overlay_start_1:
0x0: {  	(tag) =	ssettag $0x1  }
0x1: {  	s3 =	rddreg [dreg:$0x0]  }
0x2: {  	s0 =	rddreg [dreg:$0x1];
	s2 =	simm.s32 $0x0;
	s1 =	stileid.u32  }
0x3: {  	s4 =	srdreg.scid;
	s9 =	simm.s32 $0x6380;
	s10 =	simm.s32 $0x0  }
0x4: {  	s5 =	sshrl.u32 s1, $0x1;
	s4 =	sand.u32 $0x1, s4;
	s6 =	sshll.u32 s1, $0x1  }
0x5: {  	[smem:$0x7FF] =	sst s2;
	s5 =	smul.u32 $0x600, s5;
	s6 =	sor.u32 s4, s6  }
0x6: {  	_ =	strace $0x80000047;
	s4 =	ssub.s32 $0x2, s4;
	s7 =	smul.u32 $0x60, s6  }
0x7: {  	v0 =	vlaneseq.u32;
	s6 =	sshll.u32 s6, $0xA;
	s31 =	sshrl.u32 s4, $0x1;
	s5 =	sadd.s32 s5, s3  }
0x8: {  	v1 =	vmul.u32 $0x3, v0;
	s6 =	sadd.s32 s6, s3;
	s8 =	ssub.s32 s4, s31;
	s7 =	sadd.s32 s7, s3  }
0x9: {  	v4 =	vimm.s32 $0x1000;
	v5 =	vimm.s32 $0x0;
	s3 =	sadd.s32 $0x1600, s5;
	s5 =	sadd.s32 $0x4600, s6;
	s6 =	smax.u32 s8, $0x1  }
0xa: {  	v6 =	vor.u32 $0x10, v0;
	v2 =	vadd.s32 $0x1, v1;
	v3 =	vadd.s32 $0x2, v1;
	s8 =	simm.s32 $0x6000;
	s4 =	sadd.s32 $0xA00, s7;
	s7 =	simm.s32 $0x1  }
.LBB2_1:
0xb: {  	v7 =	vmov s2  }
0xc: {  	v7 =	vmul.u32 $0x3, v7  }
0xd: {  	[tilespmem:s2], [sflag:$0x1] =	stream.linear.gather [hbm4b:s3+s2], $0x3000, $0x38;
	[tilespmem:$0x8380] =	vst v63  }
0xe: {  	_ =	swait.ge [sflag:s7], $0x3000;
	v7 =	vbroadcast v7, $0x0  }
0xf: {  	[sflag:s7] =	ssyncset.done $0x0  }
0x10: {  	[sflag:s7] =	ssyncadd.s32 $0xFFFFD000;
	v8 =	vadd.s32 v1, v7  }
0x11: {  	[tilespmem:s8], [sflag:$0x1] =	stream.linear.gather [hbm4b:s4+s2], $0x300, $0x38;
	[tilespmem:$0x8380] =	vst v63  }
0x12: {  	_ =	swait.ge [sflag:s7], $0x300  }
0x13: {  	[sflag:s7] =	ssyncset.done $0x0  }
0x14: {  	[sflag:s7] =	ssyncadd.s32 $0xFFFFFD00  }
0x15: {  	v8 =	vld.idx.msk [tilespmem:v8+s2+$0x0], $0xffff  }
0x16: {  	v9 =	vadd.s32 v2, v7;
	_ =	sdelay $0x2  }
0x17: {  	s13 =	simm.s32 $0x3000  }
0x18: {  	[tilespmem:s13+$0x0] =	vst v8  }
0x19: {  	v8 =	vld.idx.msk [tilespmem:v9+s2+$0x0], $0xffff  }
0x1a: {  	v7 =	vadd.s32 v3, v7  }
0x1b: {  	s12 =	simm.s32 $0x10  }
0x1c: {  	s15 =	simm.s32 $0x20;
	s14 =	simm.s32 $0x0;
	s11 =	simm.s32 $0x0;
	v9 =	vmov s12  }
.LBB2_2:
0x1d: {  	p0 =	sne.s32 s15, $0xFF0;
	v9 =	vmul.u32 $0x3, v9;
	s16 =	sand.u32 $0xFF0, s14;
	s14 =	smov.u32 s12  }
0x1e: {  	s12 =	smov.u32 s15;
	[tilespmem:s16+$0x4000] =	vst v8  }
0x1f: {  	v9 =	vbroadcast v9, $0x0;
	v7 =	vld.idx.msk [tilespmem:v7+s11+$0x0], $0xffff;
	_ =	sdelay $0x1  }
0x20: {  	v8 =	vadd.s32 v1, v9;
	_ =	sdelay $0x3  }
0x21: {  	s11 =	simm.s32 $0x0;
	[tilespmem:s16+$0x5000] =	vst v7  }
0x22: {  	v7 =	vld.idx.msk [tilespmem:v8+s11+$0x0], $0xffff;
	_ =	sdelay $0x1  }
0x23: {  	v8 =	vadd.s32 v2, v9;
	_ =	sdelay $0x2  }
0x24: {  	s13 =	sadd.s32 $0x10, s13  }
0x25: {  	[tilespmem:s13+$0x0] =	vst v7  }
.Ltmp0:
0x26: {  	v8 =	vld.idx.msk [tilespmem:v8+s11+$0x0], $0xffff;
	(pc) =	sbr.rel @p0 .LBB2_2-.Ltmp0, $3  }
0x27: {  	_ = 	snop  }
0x28: {  	v7 =	vadd.s32 v3, v9;
	_ =	sdelay $0x1  }
0x29: {  	s15 =	sadd.s32 $0x10, s15;
	v9 =	vmov s12  }
0x2a: {  	_ = 	snop  }
0x2b: {  	v9 =	vmul.u32 $0x3, v9  }
0x2c: {  	s14 =	sand.u32 $0xFF0, s14  }
0x2d: {  	[tilespmem:s14+$0x4000] =	vst v8;
	v8 =	vbroadcast v9, $0x0  }
0x2e: {  	v7 =	vld.idx.msk [tilespmem:v7+s11+$0x0], $0xffff  }
0x2f: {  	v9 =	vadd.s32 v1, v8;
	_ =	sdelay $0x3  }
0x30: {  	[tilespmem:s14+$0x5000] =	vst v7  }
0x31: {  	v7 =	vld.idx.msk [tilespmem:v9+s11+$0x0], $0xffff  }
0x32: {  	v63 =	vadd.s32 v2, v8;
	_ =	sdelay $0x2  }
0x33: {  	s13 =	sadd.s32 $0x10, s13  }
0x34: {  	[tilespmem:s13+$0x0] =	vst v7  }
0x35: {  	v7 =	vld.idx.msk [tilespmem:v63+s11+$0x0], $0xffff  }
0x36: {  	v8 =	vadd.s32 v3, v8;
	_ =	sdelay $0x2  }
0x37: {  	s12 =	sand.u32 $0xFF0, s12  }
0x38: {  	[tilespmem:s12+$0x4000] =	vst v7  }
0x39: {  	v7 =	vld.idx.msk [tilespmem:v8+s11+$0x0], $0xffff;
	_ =	sdelay $0x4  }
0x3a: {  	[tilespmem:s12+$0x5000] =	vst v7  }
.LBB2_4:
0x3b: {  	s12 =	smul.u32 $0x3, s11;
	_ =	sdelay $0x1  }
0x3c: {  	v7 =	vmov s12  }
0x3d: {  	v8 =	vadd.s32 $0x1, v7  }
0x3e: {  	v9 =	vadd.s32 $0x2, v7;
	_ =	sdelay $0x2  }
0x3f: {  	v7 =	vld.idx.msk [tilespmem:v7+s8+$0x0], $0xffff  }
0x40: {  	s13 =	simm.s32 $0x30;
	v8 =	vld.idx.msk [tilespmem:v8+s8+$0x0], $0xffff  }
0x41: {  	s14 =	simm.s32 $0x0;
	s15 =	simm.s32 $0x0;
	s12 =	simm.s32 $0x4020;
	v9 =	vld.idx.msk [tilespmem:v9+s8+$0x0], $0xffff;
	[tilespmem:$0x6300] =	vst v4  }
.LBB2_5:
0x42: {  	v10 =	vld [tilespmem:s12+$0xFFFFEFE0]  }
0x43: {  	s16 =	sadd.s32 $0xFFFFFFD0, s13;
	v12 =	vld [tilespmem:s12+$0xFFFFEFF0]  }
0x44: {  	v13 =	vld [tilespmem:s12+$0xFFFFFFF0];
	s17 =	sand.u32 $0xFC0, s16  }
0x45: {  	v11 =	vld [tilespmem:s17+$0x4000]  }
0x46: {  	v15 =	vld [tilespmem:s12+$0xFF0]  }
0x47: {  	v16 =	vld [tilespmem:s12+$0xFFFFF000]  }
0x48: {  	v17 =	vld [tilespmem:s12+$0x0]  }
0x49: {  	v18 =	vld [tilespmem:s12+$0xFFFFF010]  }
0x4a: {  	v19 =	vld [tilespmem:s12+$0x10];
	v10 =	vsub.f32 v10, v7;
	v11 =	vsub.f32 v11, v8  }
0x4b: {  	v14 =	vld [tilespmem:s17+$0x5000];
	v12 =	vsub.f32 v12, v7  }
0x4c: {  	v13 =	vsub.f32 v13, v8;
	v10 =	vmul.f32 v10, v10;
	v11 =	vmul.f32 v11, v11  }
0x4d: {  	v20 =	vld [tilespmem:s12+$0x1000];
	v53 =	vsub.f32 v15, v9;
	v54 =	vsub.f32 v16, v7  }
0x4e: {  	v55 =	vsub.f32 v17, v8;
	v10 =	vadd.f32 v11, v10;
	v11 =	vld [tilespmem:s12+$0x1010]  }
0x4f: {  	v56 =	vsub.f32 v18, v7;
	v57 =	vsub.f32 v19, v8;
	v12 =	vmul.f32 v12, v12  }
0x50: {  	v13 =	vmul.f32 v13, v13;
	v14 =	vsub.f32 v14, v9;
	v15 =	vmul.f32 v54, v54  }
0x51: {  	v16 =	vmul.f32 v55, v55;
	v17 =	vmul.f32 v56, v56  }
0x52: {  	v58 =	vsub.f32 v20, v9;
	v18 =	vmul.f32 v57, v57;
	v14 =	vmul.f32 v14, v14  }
0x53: {  	v12 =	vadd.f32 v13, v12;
	v13 =	vmul.f32 v53, v53;
	v11 =	vsub.f32 v11, v9  }
0x54: {  	v60 =	vmul.f32 v58, v58;
	v59 =	vadd.f32 v16, v15;
	v10 =	vadd.f32 v14, v10  }
0x55: {  	v61 =	vadd.f32 v18, v17;
	v12 =	vadd.f32 v13, v12;
	v11 =	vmul.f32 v11, v11  }
0x56: {  	vm1 =	vlt.f32 v10, $3.999999910e-02;
	v10 =	vadd.f32 v60, v59  }
0x57: {  	vm0 =	vlt.f32 v12, $3.999999910e-02;
	v62 =	vsel vm1, $0x1, v5;
	v11 =	vadd.f32 v11, v61  }
0x58: {  	v63 =	vsel vm0, $0x1, v5;
	(xrf0) =	vadd.scan.msk.s32 $0xffff, v62;
	vm3 =	vlt.f32 v10, $3.999999910e-02  }
0x59: {  	(xrf0) =	vadd.scan.msk.s32 $0xffff, v63;
	v10 =	vsel vm3, $0x1, v5;
	vm2 =	vlt.f32 v11, $3.999999910e-02  }
0x5a: {  	(xrf0) =	vadd.scan.msk.s32 $0xffff, v10;
	v10 =	vsel vm2, $0x1, v5  }
0x5b: {  	(xrf0) =	vadd.scan.msk.s32 $0xffff, v10;
	_ =	sdelay $0x2  }
0x5c: {  	v10, _, _ =	vpop (xrf0)  }
0x5d: {  	v11, _, _ =	vpop (xrf0);
	(v2sf) =	vpush v10, $0xF  }
0x5e: {  	v10, _, _ =	vpop (xrf0);
	(v2sf) =	vpush v11, $0xF  }
0x5f: {  	(v2sf) =	vpush v10, $0xF;
	v10, _, _ =	vpop (xrf0)  }
0x60: {  	(v2sf) =	vpush v10, $0xF;
	_ =	sdelay $0xb  }
0x61: {  	s18 =	smov.u32 s14;
	s28 =	spop (v2sf)  }
0x62: {  	s29 =	spop (v2sf);
	s17 =	sadd.s32 s18, s28  }
0x63: {  	s19 =	spop (v2sf);
	s20 =	sadd.s32 s17, s29  }
0x64: {  	s19 =	sadd.s32 s20, s19;
	s30 =	spop (v2sf)  }
0x65: {  	p0 =	sgt.u32 s15, $0xFB;
	s14 =	sadd.s32 s19, s30  }
0x66: {  	p1 =	slt.s32 @!p0 s14, $0x20  }
0x67: {  	p0 =	por p0, !p1  }
.Ltmp1:
0x68: {  	s21 =	sadd.s32 $0xFFFFFFE0, s13;
	v10 =	vor.u32 s16, v0;
	(pc) =	sbr.rel @!p0 .LBB2_5-.Ltmp1, $4  }
0x69: {  	s31 =	sadd.s32 $0xFFFFFFF0, s13;
	[tilespmem:s18+$0x6300] =	vst.msk vm1, v10;
	v10 =	vor.u32 s21, v0  }
0x6a: {  	[tilespmem:s17+$0x6300] =	vst.msk vm0, v10;
	v10 =	vor.u32 s31, v0  }
0x6b: {  	[tilespmem:s20+$0x6300] =	vst.msk vm3, v10;
	v10 =	vor.u32 s13, v0  }
0x6c: {  	s15 =	sadd.s32 $0x4, s15;
	s12 =	sadd.s32 $0x40, s12;
	s13 =	sadd.s32 $0x40, s13;
	[tilespmem:s19+$0x6300] =	vst.msk vm2, v10  }
0x6d: {  	v7 =	vld [tilespmem:$0x6300];
	_ =	sdelay $0x4  }
0x6e: {  	v8 =	vxor.u32 $0x80000000, v7  }
0x6f: {  	(xrf0) =	vmin.scan.msk.u32 $0xffff, v8;
	_ =	sdelay $0x5  }
0x70: {  	v8, _, _ =	vpop (xrf0)  }
0x71: {  	(v2sf) =	vpush v8, $0xF;
	_ =	sdelay $0xe  }
0x72: {  	s12 =	spop (v2sf)  }
0x73: {  	v8 =	vmov s14;
	s13 =	sxor.u32 $0x80000000, s12;
	p0 =	seq.s32 s12, $0x80001000  }
0x74: {  	s31 =	sshll.u32 s11, $0x5;
	vm0 =	vgt.s32 v8, v0;
	s13 =	simm.s32 @p0 $0x0  }
0x75: {  	s12 =	sand.u32 $0x3FFFFFE0, s31;
	v7 =	vnsel vm0, s13, v7  }
0x76: {  	[tilespmem:s12+$0x6380] =	vst v7  }
0x77: {  	s11 =	sadd.s32 $0x1, s11;
	v7 =	vld [tilespmem:$0x6310]  }
0x78: {  	p0 =	sne.s32 s11, $0x100  }
.Ltmp2:
0x79: {  	_ = 	snop;
	(pc) =	sbr.rel @p0 .LBB2_4-.Ltmp2, $4  }
0x7a: {  	_ = 	snop  }
0x7b: {  	vm15 =	vgt.s32 v8, v6  }
0x7c: {  	v7 =	vnsel vm15, s13, v7  }
0x7d: {  	[tilespmem:s12+$0x6390] =	vst v7  }
0x7e: {  	s10 =	sadd.s32 $0x1, s10  }
0x7f: {  	p0 =	sne.s32 s10, s6  }
.Ltmp3:
0x80: {  	_ = 	snop;
	(pc) =	sbr.rel @p0 .LBB2_1-.Ltmp3, $4  }
0x81: {  	[hbm4b:s5+s2] =	stream.linear.scatter [tilespmem:s9], [sflag:$0x1], $0x2000, $0x38;
	[tilespmem:$0x8380] =	vst v63  }
0x82: {  	_ =	swait.ge [sflag:s7], $0x2000  }
0x83: {  	[sflag:s7] =	ssyncset.done $0x0  }
0x84: {  	[sflag:s7] =	ssyncadd.s32 $0xFFFFE000  }
0x85: {  	_ =	sfence.sel $0x180000  }
0x86: {  	[bflag:$0x0] =	sbarrier.arrive $0xFFFF  }
0x87: {  	p0 =	sne.s32 s1, $0x0;
	_ =	strace $0x90000047  }
0x88: {  	s0 =	sadd.s32 @!p0 $0x100000, s0;
	[bflag:$0x2] =	sbarrier.arrive $0xFFFF  }
0x89: {  	[sflag:s0] =	ssyncadd.tile.s32 @!p0 $0x1;
	_ =	shalt  }
.Lfunc_end2:
_tile_overlayer_lowered:
.L_overlay_start_2:
0x8a: {  	(tag) =	ssettag $0x2  }
0x8b: {  	s0 =	rddreg [dreg:$0x0];
	s2 =	stileid.u32  }
0x8c: {  	s1 =	rddreg [dreg:$0x1];
	p0 =	sne.s32 s2, $0x0  }
0x8d: {  	s3 =	rddreg [dreg:$0x2];
	[bflag:$0x3] =	sbarrier.arrive $0xFFFF;
	s2 =	simm.s32 @!p0 $0x1C01  }
0x8e: {  	[timem:s3], [sflag:s2] =	dma.local @!p0 [hbm:s0], s1  }
0x8f: {  	s0 =	simm.s32 @!p0 $0x1  }
0x90: {  	_ =	swait.ge @!p0 [sflag:s0], s1  }
0x91: {  	s1 =	ssub.s32 @!p0 $0x0, s1;
	[sflag:s0] =	ssyncset.done @!p0 $0x0  }
0x92: {  	[sflag:s0] =	ssyncadd.s32 @!p0 s1  }
0x93: {  	[bflag:$0x3] =	sbarrier.arrive $0xFFFF  }
0x94: {  	_ =	shalt  }

// kernel: kernel.9.cloned.1.call-start
scs
__scs_entry_jumppad:
0x0: {  	(pc) =	sbr.rel $0x88, $3  }
0x1: {  	(tag) =	ssettag $0x0;
	lr =	simm.s32 $0x1  }
0x2: {  	[smem:$0x3F9E] =	sst lr;
	_ =	strace $0xD0000000  }
0x3: {  	_ = 	snop  }
0x4: {  	_ = 	snop  }
0x5: {  	_ = 	snop  }
0x6: {  	_ = 	snop  }
0x7: {  	_ = 	snop  }
__scs_overlays_trampoline_lowered:
0x8: {  	[smem:$0x3FAD] =	sst s0  }
0x9: {  	[smem:$0x3FAE] =	sst s1  }
0xa: {  	[smem:$0x3FAF] =	sst s2  }
0xb: {  	[smem:$0x3FB0] =	sst s3  }
0xc: {  	[smem:$0x3FB1] =	sst s4  }
0xd: {  	[smem:$0x3FB2] =	sst s5  }
0xe: {  	[smem:$0x3FB3] =	sst s6  }
0xf: {  	[smem:$0x3FB4] =	sst s7  }
0x10: {  	[smem:$0x3FB5] =	sst s8  }
0x11: {  	[smem:$0x3FB6] =	sst s9;
	s0 =	simm.s32 @!p0 $0x0  }
0x12: {  	s1 =	sld [smem:$0x3F9C];
	s0 =	simm.s32 @p0 $0x1  }
0x13: {  	[smem:$0x3FB7] =	sst s0;
	s0 =	simm.s32 @!p1 $0x0  }
0x14: {  	s2 =	sld [smem:$0x3F9B];
	s0 =	simm.s32 @p1 $0x1  }
0x15: {  	[smem:$0x3FB8] =	sst s0;
	s0 =	simm.s32 @!p2 $0x0  }
0x16: {  	s3 =	sld [smem:$0x3FDB];
	s0 =	simm.s32 @p2 $0x1  }
0x17: {  	s4 =	simm.s32 $0x1BF5;
	[smem:$0x3FBA] =	sst s0  }
0x18: {  	s0 =	sld [smem:$0x3F9D];
	_ =	swait.ge [sflag:s4], $0x0  }
0x19: {  	s7 =	sld [smem:$0x3F9E]  }
0x1a: {  	s8 =	sadd.s32 $0xFFFFE003, lr  }
0x1b: {  	s9 =	sadd.s32 $0xFFFFFEF7, lr;
	s5 =	simm.s32 $0xFFFFFFFF;
	p2 =	slt.u32 s8, $0xFFFFF086  }
0x1c: {  	p1 =	slt.u32 s9, $0xF7A;
	s5 =	simm.s32 @!p2 $0x0  }
0x1d: {  	s5 =	simm.s32 @p1 $0x1;
	p0 =	seq.s32 s7, s2  }
0x1e: {  	s7 =	smul.u32 @!p0 $0xF7A, s2;
	p2 =	seq.s32 @!p0 s5, $0x0  }
0x1f: {  	s9 =	smul.u32 $0xF7A, s1;
	s8 =	simm.s32 @!p0 $0x1BF5;
	p2 =	por !p2, p0  }
0x20: {  	[sflag:s8] =	ssyncset.s32 @!p0 $0xFFFFF086;
	s6 =	sadd.s32 @!p0 s3, s7;
	s7 =	simm.s32 @!p0 $0x108  }
0x21: {  	s3 =	sadd.s32 s3, s9;
	s6 =	sadd.s32 @!p0 $0x88, s6;
	s7 =	simm.s32 @p2 $0x1082  }
0x22: {  	[simem:s7], [sflag:s8] =	dma.local @!p0 [hbm:s6], $0xF7A  }
0x23: {  	s9 =	sor.u32 $0xD0000000, s2;
	s6 =	simm.s32 $0x108;
	_ =	swait.ge @!p0 [sflag:s8], $0x0  }
0x24: {  	s3 =	sadd.s32 $0x88, s3;
	s6 =	simm.s32 @!p1 $0x1082;
	[sflag:s4] =	ssyncset.s32 $0xFFFFF086  }
0x25: {  	[simem:s6], [sflag:s4] =	dma.local [hbm:s3], $0xF7A  }
0x26: {  	[smem:$0x3F9E] =	sst s1;
	(tag) =	ssettag s2;
	_ =	strace s9  }
0x27: {  	s1 =	sld [smem:$0x3FAE]  }
0x28: {  	s2 =	sld [smem:$0x3FAF]  }
0x29: {  	s4 =	sld [smem:$0x3FB1]  }
0x2a: {  	p0 =	seq.s32 s5, $0x0;
	s5 =	sld [smem:$0x3FB2]  }
0x2b: {  	s6 =	sld [smem:$0x3FB3]  }
0x2c: {  	s7 =	sld [smem:$0x3FB4]  }
0x2d: {  	s3 =	simm.s32 $0x108;
	s8 =	sld [smem:$0x3FB5]  }
0x2e: {  	s3 =	simm.s32 @!p0 $0x1082;
	s9 =	sld [smem:$0x3FB6]  }
0x2f: {  	lr =	sadd.s32 s0, s3;
	s0 =	sld [smem:$0x3FAD]  }
0x30: {  	s3 =	sld [smem:$0x3FB0]  }
0x31: {  	[smem:$0x3FB9] =	sst s10  }
0x32: {  	s10 =	sld [smem:$0x3FB7];
	_ =	sdelay $0x3  }
0x33: {  	p0 =	seq.s32 s10, $0x1;
	s10 =	sld [smem:$0x3FB9];
	_ =	sdelay $0x3  }
0x34: {  	[smem:$0x3FB9] =	sst s10  }
0x35: {  	s10 =	sld [smem:$0x3FB8];
	_ =	sdelay $0x3  }
0x36: {  	p1 =	seq.s32 s10, $0x1;
	s10 =	sld [smem:$0x3FB9];
	_ =	sdelay $0x3  }
0x37: {  	[smem:$0x3FB9] =	sst s10  }
0x38: {  	s10 =	sld [smem:$0x3FBA]  }
0x39: {  	_ = 	snop;
	(pc) =	sbr.ind lr, $3  }
0x3a: {  	_ = 	snop  }
0x3b: {  	_ = 	snop  }
0x3c: {  	p2 =	seq.s32 s10, $0x1;
	s10 =	sld [smem:$0x3FB9]  }
0x3d: {  	_ =	shalt  }
0x3e: {  	_ =	shalt  }
0x3f: {  	_ =	shalt  }
0x40: {  	_ =	shalt  }
0x41: {  	_ =	shalt  }
0x42: {  	_ =	shalt  }
0x43: {  	_ =	shalt  }
0x44: {  	_ =	shalt  }
0x45: {  	_ =	shalt  }
0x46: {  	_ =	shalt  }
0x47: {  	_ =	shalt  }
0x48: {  	_ =	shalt  }
0x49: {  	_ =	shalt  }
0x4a: {  	_ =	shalt  }
0x4b: {  	_ =	shalt  }
0x4c: {  	_ =	shalt  }
0x4d: {  	_ =	shalt  }
0x4e: {  	_ =	shalt  }
0x4f: {  	_ =	shalt  }
0x50: {  	_ =	shalt  }
0x51: {  	_ =	shalt  }
0x52: {  	_ =	shalt  }
0x53: {  	_ =	shalt  }
0x54: {  	_ =	shalt  }
0x55: {  	_ =	shalt  }
0x56: {  	_ =	shalt  }
0x57: {  	_ =	shalt  }
0x58: {  	_ =	shalt  }
0x59: {  	_ =	shalt  }
0x5a: {  	_ =	shalt  }
0x5b: {  	_ =	shalt  }
0x5c: {  	_ =	shalt  }
0x5d: {  	_ =	shalt  }
0x5e: {  	_ =	shalt  }
0x5f: {  	_ =	shalt  }
0x60: {  	_ =	shalt  }
0x61: {  	_ =	shalt  }
0x62: {  	_ =	shalt  }
0x63: {  	_ =	shalt  }
0x64: {  	_ =	shalt  }
0x65: {  	_ =	shalt  }
0x66: {  	_ =	shalt  }
0x67: {  	_ =	shalt  }
0x68: {  	_ =	shalt  }
0x69: {  	_ =	shalt  }
0x6a: {  	_ =	shalt  }
0x6b: {  	_ =	shalt  }
0x6c: {  	_ =	shalt  }
0x6d: {  	_ =	shalt  }
0x6e: {  	_ =	shalt  }
0x6f: {  	_ =	shalt  }
0x70: {  	_ =	shalt  }
0x71: {  	_ =	shalt  }
0x72: {  	_ =	shalt  }
0x73: {  	_ =	shalt  }
0x74: {  	_ =	shalt  }
0x75: {  	_ =	shalt  }
0x76: {  	_ =	shalt  }
0x77: {  	_ =	shalt  }
0x78: {  	_ =	shalt  }
0x79: {  	_ =	shalt  }
0x7a: {  	_ =	shalt  }
0x7b: {  	_ =	shalt  }
0x7c: {  	_ =	shalt  }
0x7d: {  	_ =	shalt  }
0x7e: {  	_ =	shalt  }
0x7f: {  	_ =	shalt  }
0x80: {  	_ =	shalt  }
0x81: {  	_ =	shalt  }
0x82: {  	_ =	shalt  }
0x83: {  	_ =	shalt  }
0x84: {  	_ =	shalt  }
0x85: {  	_ =	shalt  }
0x86: {  	_ =	shalt  }
0x87: {  	_ =	shalt  }
.Lfunc_end0:
.L_simem_size_0:
called_computation.1_lowered:
.L_overlay_start_0:
0x88: {  	s2 =	sld [smem:$0x3FD9]  }
0x89: {  	s3 =	sld [smem:$0x3FFE];
	_ =	sdelay $0x1  }
0x8a: {  	s1 =	srdreg.scid  }
0x8b: {  	s0 =	sand.u32 $0x1, s1  }
0x8c: {  	s17 =	sshll.u32 s0, $0xA;
	s2 =	sadd.s32 s3, s2  }
0x8d: {  	s2 =	sadd.s32 s2, s17  }
0x8e: {  	[smem:$0x3FC5] =	sst s2  }
0x8f: {  	_ = 	snop  }
0x90: {  	s2 =	sld [smem:$0x3FD0];
	(tm) =	ssettm $0x1  }
0x91: {  	s18 =	sld [smem:$0x3FFB];
	_ =	sdelay $0x3  }
0x92: {  	_ =	strace s18  }
0x93: {  	s3 =	sld [smem:$0x3FFC];
	_ =	sdelay $0x3  }
0x94: {  	_ =	strace s3  }
0x95: {  	s3 =	sld [smem:$0x3FFD];
	_ =	sdelay $0x3  }
0x96: {  	_ =	strace s3  }
0x97: {  	_ =	strace $0x8FFFFFFF  }
0x98: {  	s19 =	sld [smem:$0x3FDB];
	_ =	sdelay $0x1  }
0x99: {  	s4 =	simm.s32 $_scs_section_size  }
0x9a: {  	s5 =	simm.s32 $_size__tile_overlayer_lowered;
	s6 =	simm.s32 $_tile_overlayer_lowered  }
0x9b: {  	s22 =	simm.s32 $0x1BFF;
	s21 =	sshll.u32 s6, $0x1;
	s3 =	sadd.s32 s4, s19  }
0x9c: {  	s7 =	simm.s32 $0x0;
	s20 =	sshll.u32 s5, $0x1;
	s5 =	sadd.s32 s21, s3  }
0x9d: {  	[timem:s7], [sflag:s22] =	dma.local [hbm:s5], s20  }
0x9e: {  	_ =	swait.ge [sflag:s22], s20  }
0x9f: {  	s4 =	ssub.s32 $0x0, s20;
	[sflag:s22] =	ssyncset.done $0x0  }
0xa0: {  	[sflag:s22] =	ssyncadd.s32 s4;
	_ =	sdelay $0x1  }
0xa1: {  	s23 =	simm.s32 $0x1B8B  }
0xa2: {  	_ =	swait.ge [sflag:s23], $0x1  }
0xa3: {  	[sflag:s23] =	ssyncset.done $0x0  }
0xa4: {  	s25 =	simm.s32 $0x1B8E;
	s24 =	sld [smem:$0x3FFE];
	[sflag:s23] =	ssyncadd.s32 $0xFFFFFFFF  }
0xa5: {  	s26 =	simm.s32 $execute0_lowered;
	[smem:$0x3FD2] =	sst s25  }
0xa6: {  	s5 =	sshll.u32 s26, $0x1;
	_ =	strace $0x80000049;
	[dreg:$0x1] =	wrdreg $0xFFFFFFFF  }
0xa7: {  	s28 =	simm.s32 $_size_execute0_lowered;
	s3 =	sadd.s32 s3, s5;
	[dreg:$0x0] =	wrdreg $0x0  }
0xa8: {  	s5 =	sshll.u32 s28, $0x1;
	[dreg:$0x2] =	wrdreg s3  }
0xa9: {  	[dreg:$0x3] =	wrdreg s5  }
0xaa: {  	[dreg:$0x4] =	wrdreg $0xC0  }
0xab: {  	_ =	task [dreg:s7], $0x5FFFF  }
0xac: {  	[dreg:$0x1] =	wrdreg $0xFFFFFFFF  }
0xad: {  	[dreg:$0x0] =	wrdreg $0x60  }
0xae: {  	[dreg:$0x2] =	wrdreg s2  }
0xaf: {  	[dreg:$0x3] =	wrdreg s24  }
0xb0: {  	[dreg:$0x4] =	wrdreg $0x9  }
0xb1: {  	_ =	task.clear_ibuf [dreg:s7], $0x5FFFF;
	_ =	strace $0x90000049  }
0xb2: {  	s29 =	simm.s32 $0x9;
	_ =	strace $0x8000004B  }
0xb3: {  	_ =	swait.ge [sflag:s29], $0x1  }
0xb4: {  	[sflag:s29] =	ssyncadd.s32 $0xFFFFFFFF  }
0xb5: {  	_ =	strace $0x9000004B  }
0xb6: {  	_ =	sfence  }
0xb7: {  	s30 =	sld [smem:$0x0];
	_ =	sdelay $0x2  }
0xb8: {  	s31 =	sshll.u32 s1, $0xD;
	s1 =	sshrl.u32 s1, $0x2  }
0xb9: {  	s3 =	sand.u32 $0x4000, s31;
	s1 =	sadd.s32 s1, s30  }
0xba: {  	s0 =	sor.u32 s3, s0;
	s1 =	sshll.u32 s1, $0x11  }
0xbb: {  	s0 =	sor.u32 s1, s0  }
0xbc: {  	s0 =	sadd.s32 $0x8F2B, s0  }
0xbd: {  	[sflag:s0] =	ssyncadd.remote.s32 $0x1  }
0xbe: {  	_ =	sfence.sel $0xFFFF  }
0xbf: {  	[dreg:$0x0] =	wrdreg $0xFFFFFFFF;
	(pc) =	sbr.abs _section_cstart, $3  }
0xc0: {  	[dreg:$0x1] =	wrdreg $0xFFFFFFFF  }
0xc1: {  	_ =	task.clear_ibuf [dreg:s7], $0x2FFFF;
	_ =	strace $0x9FFFFFFF  }
0xc2: {  	(tm) =	ssettm $0x7FFFFFFF  }
0xc3: {  	_ =	shalt  }
tec
execute0_lowered:
.L_overlay_start_1:
0x0: {  	(tag) =	ssettag $0x1  }
0x1: {  	s0 =	rddreg [dreg:$0x0]  }
0x2: {  	s1 =	rddreg [dreg:$0x1];
	s9 =	stileid.u32;
	s3 =	simm.s32 $0x0  }
0x3: {  	s15 =	simm.s32 $0x0;
	s5 =	srdreg.scid;
	s16 =	simm.s32 $0x8000  }
0x4: {  	s2 =	sshrl.u32 s9, $0x1;
	[smem:$0x7FF] =	sst s3;
	s5 =	sand.u32 $0x1, s5  }
0x5: {  	s9 =	sshll.u32 s9, $0x1;
	s10 =	sadd.s32 $0xC600, s1;
	s17 =	smul.u32 $0x600, s2  }
0x6: {  	s4 =	smul.u32 $0x180, s2;
	_ =	strace $0x8000004A;
	s6 =	sshll.u32 s2, $0xC  }
0x7: {  	s7 =	ssub.s32 $0x2, s5;
	s19 =	sand.u32 $0x2, s9;
	s20 =	smul.u32 $0x83, s2  }
0x8: {  	s21 =	sshll.u32 s2, $0x10;
	s22 =	smul.u32 $0x418000, s2;
	[dreg:$0x3] =	wrdreg s10  }
0x9: {  	s6 =	sadd.s32 s6, s1;
	s8 =	sshrl.u32 s7, $0x1;
	s0 =	sadd.s32 s0, s21  }
0xa: {  	s5 =	sor.u32 s5, s19;
	s6 =	sadd.s32 $0x4600, s6;
	[dreg:$0x6] =	wrdreg s0  }
0xb: {  	s18 =	ssub.s32 s7, s8;
	s7 =	sshll.u32 s5, $0x5;
	[dreg:$0x4] =	wrdreg s6  }
0xc: {  	s24 =	smul.u32 $0x83000, s2;
	s23 =	sadd.s32 $0x3, s20;
	[dreg:$0x5] =	wrdreg s7  }
0xd: {  	s3 =	sadd.s32 s17, s1;
	s25 =	sadd.s32 $0x4, s20;
	[dreg:$0x7] =	wrdreg s23  }
0xe: {  	s4 =	sadd.s32 s4, s1;
	s0 =	sadd.s32 s10, s24;
	[dreg:$0x8] =	wrdreg s25  }
0xf: {  	v0 =	vlaneseq.u32;
	s28 =	sshrl.u32 s22, $0x3;
	s26 =	sadd.s32 $0x1600, s3;
	[dreg:$0xb] =	wrdreg s0  }
.Ltmp0:
0x10: {  	v0 =	vmul.u32 $0x21, v0;
	s29 =	sadd.s32 $0xA00, s4;
	[dreg:$0x9] =	wrdreg s26;
	(pc) =	sbr.rel .LBB2_1-.Ltmp0, $4  }
0x11: {  	s30 =	sadd.s32 s10, s28;
	s31 =	smax.u32 s18, $0x1;
	[dreg:$0xa] =	wrdreg s29  }
0x12: {  	v1 =	vadd.s32 $0x210, v0;
	s17 =	simm.s32 $0x1A000;
	s2 =	sadd.s32 $0x1000, s30;
	[dreg:$0xe] =	wrdreg s31  }
0x13: {  	v2 =	vadd.s32 $0x420, v0;
	v3 =	vadd.s32 $0x630, v0;
	v4 =	vadd.s32 $0x840, v0;
	p0 =	sne.s32 s5, $0x0;
	s0 =	sadd.s32 $0x2000, s30;
	[dreg:$0xc] =	wrdreg s2  }
0x14: {  	v5 =	vadd.s32 $0xA50, v0;
	v6 =	vadd.s32 $0xC60, v0;
	v7 =	vadd.s32 $0xE70, v0;
	s1 =	simm.s32 $0x0;
	s3 =	simm.s32 $0x1;
	[dreg:$0xd] =	wrdreg s0  }
.LBB2_38:
0x15: {  	s0 =	rddreg [dreg:$0xd];
	s1 =	simm.s32 $0xA000;
	s3 =	simm.s32 $0x1  }
0x16: {  	[hbm4b:s0+s15] =	stream.linear.scatter [tilespmem:s1], [sflag:$0x1], $0x8000, $0x38;
	[tilespmem:$0x1EC80] =	vst v63  }
0x17: {  	_ =	swait.ge [sflag:s3], $0x8000  }
0x18: {  	[sflag:s3] =	ssyncset.done $0x0  }
0x19: {  	s1 =	rddreg [dreg:$0xf];
	[sflag:s3] =	ssyncadd.s32 $0xFFFF8000  }
.LBB2_39:
0x1a: {  	s1 =	sadd.s32 $0x1, s1;
	s0 =	rddreg [dreg:$0xe]  }
0x1b: {  	p1 =	sne.s32 s1, s0  }
.Ltmp1:
0x1c: {  	_ = 	snop;
	(pc) =	sbr.rel @!p1 .LBB2_40-.Ltmp1, $1  }
0x1d: {  	_ =	sdelay $0x3  }
.LBB2_1:
0x1e: {  	[dreg:$0xf] =	wrdreg s1  }
0x1f: {  	s0 =	rddreg [dreg:$0x4]  }
0x20: {  	[tilespmem:s15], [sflag:$0x1] =	stream.linear.gather [hbm4b:s0+s15], $0x8000, $0x38;
	[tilespmem:$0x1EC80] =	vst v63  }
0x21: {  	_ =	swait.ge [sflag:s3], $0x8000  }
0x22: {  	[sflag:s3] =	ssyncset.done $0x0  }
0x23: {  	s0 =	simm.s32 $0x0;
	[sflag:s3] =	ssyncadd.s32 $0xFFFF8000  }
.LBB2_2:
0x24: {  	[dreg:$0x10] =	wrdreg s0  }
0x25: {  	s30 =	sshll.u32 s0, $0x1;
	s1 =	rddreg [dreg:$0x5]  }
0x26: {  	s31 =	rddreg [dreg:$0x6];
	s0 =	sadd.s32 s1, s30  }
0x27: {  	[dreg:$0x11] =	wrdreg s0;
	s0 =	sshll.u32 s0, $0x9  }
0x28: {  	s12 =	simm.s32 $0x0;
	s0 =	sadd.s32 s0, s31  }
0x29: {  	[tilespmem:s16], [sflag:$0x1] =	stream.linear.gather [hbm4b:s0+s12], $0x2000, $0x38;
	[tilespmem:$0x1EC80] =	vst v63  }
0x2a: {  	s4 =	simm.s32 $0x20;
	_ =	swait.ge [sflag:s3], $0x2000  }
0x2b: {  	p1 =	por $0x0, $0x0;
	s11 =	simm.s32 $0x1000;
	[sflag:s3] =	ssyncset.done $0x0  }
0x2c: {  	s2 =	simm.s32 $0x0;
	s1 =	simm.s32 $0x400;
	[sflag:s3] =	ssyncadd.s32 $0xFFFFE000  }
.LBB2_3:
0x2d: {  	[dreg:$0x14] =	wrdreg s1  }
0x2e: {  	[dreg:$0x16] =	wrdreg s2  }
0x2f: {  	v8 =	vld [tilespmem:s4+$0x0];
	_ =	sdelay $0x3  }
0x30: {  	v9 =	vld [tilespmem:s4+$0xFFFFFFE0];
	_ =	sdelay $0x3  }
0x31: {  	s0 =	simm.s32 $0x1;
	s5 =	sadd.s32 $0x40, s4;
	v10 =	vld.idx.msk [tilespmem:v8+s16+$0x0], $0xffff  }
0x32: {  	s31 =	sshll.u32 s1, $0x2;
	s0 =	simm.s32 @!p1 $0x0;
	v11 =	vld [tilespmem:s5+$0x0];
	v8 =	vadd.s32 $0x1000, v8  }
0x33: {  	s1 =	sand.u32 $0xFFFFFE00, s31;
	s0 =	sshll.u32 s0, $0x8  }
0x34: {  	s0 =	sor.u32 s0, s1  }
0x35: {  	s1 =	sor.u32 $0x80, s0;
	s0 =	sshll.u32 s2, $0x6;
	s2 =	simm.s32 $0x1A871;
	v12 =	vld.idx.msk [tilespmem:v9+s16+$0x0], $0xffff  }
0x36: {  	v9 =	vadd.s32 $0x1000, v9;
	[tilespmem:s2+$0xFFFFF7B0] =	vst v10  }
0x37: {  	v8 =	vld.idx.msk [tilespmem:v8+s16+$0x0], $0xffff  }
0x38: {  	s8 =	sadd.s32 $0x40, s5;
	v10 =	vld [tilespmem:s5+$0xFFFFFFE0]  }
0x39: {  	v15 =	vld [tilespmem:s8+$0xFFFFFFE0]  }
0x3a: {  	v13 =	vld.idx.msk [tilespmem:v11+s16+$0x0], $0xffff;
	[tilespmem:s2+$0xFFFFF78F] =	vst v12  }
0x3b: {  	v9 =	vld.idx.msk [tilespmem:v9+s16+$0x0], $0xffff  }
0x3c: {  	[tilespmem:s2+$0xFFFFFFF0] =	vst v8;
	v8 =	vadd.s32 $0x1000, v11  }
0x3d: {  	v12 =	vld [tilespmem:s8+$0x0]  }
0x3e: {  	s3 =	simm.s32 $0x1A8B3;
	v11 =	vld [tilespmem:s4+$0x10]  }
0x3f: {  	[tilespmem:s3+$0xFFFFF7B0] =	vst v13  }
0x40: {  	[tilespmem:s2+$0xFFFFFFCF] =	vst v9;
	v14 =	vld.idx.msk [tilespmem:v10+s16+$0x0], $0xffff  }
0x41: {  	v8 =	vld.idx.msk [tilespmem:v8+s16+$0x0], $0xffff;
	[dreg:$0x13] =	wrdreg s4  }
0x42: {  	v10 =	vadd.s32 $0x1000, v10;
	v9 =	vld [tilespmem:s4+$0xFFFFFFF0]  }
0x43: {  	s6 =	sadd.s32 $0x40, s8;
	v16 =	vld.idx.msk [tilespmem:v15+s16+$0x0], $0xffff  }
0x44: {  	v17 =	vld [tilespmem:s6+$0x0]  }
0x45: {  	[tilespmem:s3+$0xFFFFF78F] =	vst v14;
	v14 =	vld.idx.msk [tilespmem:v12+s16+$0x0], $0xffff  }
0x46: {  	v13 =	vld.idx.msk [tilespmem:v11+s16+$0x0], $0xffff  }
0x47: {  	v10 =	vld.idx.msk [tilespmem:v10+s16+$0x0], $0xffff;
	[tilespmem:s3+$0xFFFFFFF0] =	vst v8;
	v8 =	vadd.s32 $0x1000, v12  }
0x48: {  	s7 =	sadd.s32 $0x40, s6;
	v12 =	vld [tilespmem:s5+$0x10]  }
0x49: {  	s4 =	simm.s32 $0x1A8F5;
	v20 =	vld [tilespmem:s7+$0x0]  }
0x4a: {  	v22 =	vld [tilespmem:s7+$0xFFFFFFE0];
	[tilespmem:s4+$0xFFFFF7B0] =	vst v14  }
0x4b: {  	[tilespmem:s2+$0xFFFFF7C0] =	vst v13;
	v13 =	vadd.s32 $0x1000, v15;
	v15 =	vld [tilespmem:s6+$0xFFFFFFE0]  }
0x4c: {  	v11 =	vadd.s32 $0x1000, v11;
	[tilespmem:s3+$0xFFFFFFCF] =	vst v10;
	v8 =	vld.idx.msk [tilespmem:v8+s16+$0x0], $0xffff  }
0x4d: {  	v18 =	vld [tilespmem:s5+$0xFFFFFFF0]  }
0x4e: {  	v19 =	vld.idx.msk [tilespmem:v9+s16+$0x0], $0xffff  }
0x4f: {  	v14 =	vld.idx.msk [tilespmem:v17+s16+$0x0], $0xffff  }
0x50: {  	v10 =	vld.idx.msk [tilespmem:v12+s16+$0x0], $0xffff  }
0x51: {  	v11 =	vld.idx.msk [tilespmem:v11+s16+$0x0], $0xffff;
	v12 =	vadd.s32 $0x1000, v12;
	[tilespmem:s4+$0xFFFFFFF0] =	vst v8  }
0x52: {  	[tilespmem:s4+$0xFFFFF78F] =	vst v16;
	v8 =	vadd.s32 $0x1000, v17;
	v17 =	vld [tilespmem:s8+$0x10]  }
0x53: {  	v9 =	vadd.s32 $0x1000, v9;
	v13 =	vld.idx.msk [tilespmem:v13+s16+$0x0], $0xffff  }
0x54: {  	v16 =	vld.idx.msk [tilespmem:v15+s16+$0x0], $0xffff  }
0x55: {  	s5 =	simm.s32 $0x1A937;
	v23 =	vld.idx.msk [tilespmem:v18+s16+$0x0], $0xffff;
	[tilespmem:s3+$0xFFFFF7C0] =	vst v10  }
0x56: {  	[tilespmem:s5+$0xFFFFF7B0] =	vst v14;
	v21 =	vld.idx.msk [tilespmem:v12+s16+$0x0], $0xffff;
	v12 =	vadd.s32 $0x1000, v15  }
0x57: {  	[tilespmem:s2+$0xFFFFF79F] =	vst v19;
	v8 =	vld.idx.msk [tilespmem:v8+s16+$0x0], $0xffff  }
0x58: {  	[tilespmem:s4+$0xFFFFFFCF] =	vst v13;
	v13 =	vld.idx.msk [tilespmem:v9+s16+$0x0], $0xffff  }
0x59: {  	v10 =	vld [tilespmem:s8+$0xFFFFFFF0]  }
0x5a: {  	[tilespmem:s5+$0xFFFFF78F] =	vst v16;
	v14 =	vld.idx.msk [tilespmem:v17+s16+$0x0], $0xffff  }
0x5b: {  	[tilespmem:s2+$0x0] =	vst v11;
	v17 =	vadd.s32 $0x1000, v17;
	v15 =	vld.idx.msk [tilespmem:v12+s16+$0x0], $0xffff  }
0x5c: {  	v16 =	vld.idx.msk [tilespmem:v20+s16+$0x0], $0xffff;
	[tilespmem:s5+$0xFFFFFFF0] =	vst v8  }
0x5d: {  	v19 =	vadd.s32 $0x1000, v20;
	[tilespmem:s3+$0xFFFFF79F] =	vst v23;
	v11 =	vld [tilespmem:s6+$0x10]  }
0x5e: {  	s10 =	simm.s32 $0x1A937;
	s9 =	sadd.s32 $0x40, s7;
	s8 =	simm.s32 $0x8;
	v8 =	vadd.s32 $0x1000, v18;
	v12 =	vadd.s32 $0x1000, v22;
	[tilespmem:s3+$0x0] =	vst v21;
	v9 =	vadd.s32 $0x1000, v10;
	v18 =	vld.idx.msk [tilespmem:v22+s16+$0x0], $0xffff  }
.LBB2_4:
0x5f: {  	v20 =	vld [tilespmem:s9+$0x0];
	s8 =	sadd.s32 $0x2, s8;
	[tilespmem:s4+$0xFFFFF7C0] =	vst v14  }
0x60: {  	s10 =	sadd.s32 $0x42, s10;
	p2 =	slt.u32 s8, $0x3E;
	[tilespmem:s5+$0xFFFFFFCF] =	vst v15;
	v17 =	vld.idx.msk [tilespmem:v17+s16+$0x0], $0xffff  }
0x61: {  	v21 =	vld [tilespmem:s9+$0xFFFFFFE0];
	[tilespmem:s10+$0xFFFFF7B0] =	vst v16  }
0x62: {  	v19 =	vld.idx.msk [tilespmem:v19+s16+$0x0], $0xffff;
	[tilespmem:s2+$0xFFFFFFDF] =	vst v13;
	s2 =	smov.u32 s3;
	s3 =	smov.u32 s4;
	s4 =	smov.u32 s5  }
0x63: {  	s5 =	smov.u32 s10;
	v22 =	vld [tilespmem:s6+$0xFFFFFFF0];
	s6 =	smov.u32 s7;
	s7 =	smov.u32 s9  }
0x64: {  	[tilespmem:s10+$0xFFFFF78F] =	vst v18;
	v23 =	vld.idx.msk [tilespmem:v10+s16+$0x0], $0xffff  }
0x65: {  	v14 =	vld.idx.msk [tilespmem:v11+s16+$0x0], $0xffff  }
.Ltmp2:
0x66: {  	v15 =	vld.idx.msk [tilespmem:v12+s16+$0x0], $0xffff;
	v12 =	vadd.s32 $0x1000, v21;
	[tilespmem:s3+$0x0] =	vst v17;
	(pc) =	sbr.rel @p2 .LBB2_4-.Ltmp2, $4  }
0x67: {  	v17 =	vadd.s32 $0x1000, v11;
	v16 =	vld.idx.msk [tilespmem:v20+s16+$0x0], $0xffff  }
0x68: {  	[tilespmem:s10+$0xFFFFFFF0] =	vst v19;
	v13 =	vld.idx.msk [tilespmem:v8+s16+$0x0], $0xffff;
	v10 =	vmov v22;
	v8 =	vmov v9;
	v9 =	vadd.s32 $0x1000, v22  }
0x69: {  	v19 =	vadd.s32 $0x1000, v20;
	v11 =	vld [tilespmem:s6+$0x10]  }
0x6a: {  	s9 =	sadd.s32 $0x40, s9;
	v18 =	vld.idx.msk [tilespmem:v21+s16+$0x0], $0xffff;
	[tilespmem:s3+$0xFFFFF79F] =	vst v23  }
0x6b: {  	_ =	sdelay $0x1  }
0x6c: {  	s8 =	sadd.s32 $0x42, s10  }
0x6d: {  	[tilespmem:s8+$0xFFFFF7B0] =	vst v16  }
0x6e: {  	v16 =	vld.idx.msk [tilespmem:v19+s16+$0x0], $0xffff;
	[tilespmem:s8+$0xFFFFF78F] =	vst v18  }
0x6f: {  	v12 =	vld.idx.msk [tilespmem:v12+s16+$0x0], $0xffff;
	_ =	sdelay $0x2  }
0x70: {  	[tilespmem:s5+$0xFFFFFFCF] =	vst v15  }
0x71: {  	[tilespmem:s8+$0xFFFFFFF0] =	vst v16;
	v16 =	vld [tilespmem:s6+$0xFFFFFFF0]  }
0x72: {  	v15 =	vld [tilespmem:s7+$0x10];
	[tilespmem:s8+$0xFFFFFFCF] =	vst v12  }
0x73: {  	v12 =	vld [tilespmem:s7+$0xFFFFFFF0]  }
0x74: {  	[tilespmem:s4+$0xFFFFF7C0] =	vst v14  }
0x75: {  	v14 =	vld.idx.msk [tilespmem:v17+s16+$0x0], $0xffff;
	_ =	sdelay $0x1  }
0x76: {  	v10 =	vld.idx.msk [tilespmem:v10+s16+$0x0], $0xffff  }
0x77: {  	v17 =	vld.idx.msk [tilespmem:v11+s16+$0x0], $0xffff  }
0x78: {  	[tilespmem:s2+$0xFFFFFFDF] =	vst v13;
	v11 =	vadd.s32 $0x1000, v11;
	v13 =	vld.idx.msk [tilespmem:v16+s16+$0x0], $0xffff  }
0x79: {  	[tilespmem:s4+$0x0] =	vst v14;
	v14 =	vadd.s32 $0x1000, v16;
	v18 =	vld.idx.msk [tilespmem:v15+s16+$0x0], $0xffff  }
0x7a: {  	v15 =	vadd.s32 $0x1000, v15;
	v16 =	vld.idx.msk [tilespmem:v12+s16+$0x0], $0xffff  }
0x7b: {  	v8 =	vld.idx.msk [tilespmem:v8+s16+$0x0], $0xffff;
	[tilespmem:s4+$0xFFFFF79F] =	vst v10;
	v12 =	vadd.s32 $0x1000, v12  }
0x7c: {  	v9 =	vld.idx.msk [tilespmem:v9+s16+$0x0], $0xffff;
	[tilespmem:s5+$0xFFFFF7C0] =	vst v17  }
0x7d: {  	v10 =	vld.idx.msk [tilespmem:v11+s16+$0x0], $0xffff;
	[tilespmem:s5+$0xFFFFF79F] =	vst v13  }
0x7e: {  	[tilespmem:s8+$0xFFFFF7C0] =	vst v18;
	v13 =	vld.idx.msk [tilespmem:v14+s16+$0x0], $0xffff  }
0x7f: {  	v11 =	vld.idx.msk [tilespmem:v15+s16+$0x0], $0xffff;
	[tilespmem:s8+$0xFFFFF79F] =	vst v16  }
0x80: {  	s26 =	simm.s32 $0x1;
	[tilespmem:s3+$0xFFFFFFDF] =	vst v8;
	v8 =	vld.idx.msk [tilespmem:v12+s16+$0x0], $0xffff  }
0x81: {  	[tilespmem:s4+$0xFFFFFFDF] =	vst v9;
	v9 =	vadd.s32 s26, v0  }
0x82: {  	[tilespmem:s5+$0x0] =	vst v10  }
0x83: {  	[tilespmem:s5+$0xFFFFFFDF] =	vst v13  }
0x84: {  	[tilespmem:s8+$0x0] =	vst v11  }
0x85: {  	[tilespmem:s8+$0xFFFFFFDF] =	vst v8  }
0x86: {  	v9 =	vld.idx.msk [tilespmem:v9+s17+$0x0], $0xffff  }
0x87: {  	s30 =	simm.s32 $0x0;
	v10 =	vadd.s32 s26, v1  }
0x88: {  	v11 =	vadd.s32 s30, v0  }
0x89: {  	s29 =	sshra.s32 s11, $0x2  }
0x8a: {  	s21 =	sadd.s32 $0xA000, s29;
	[dreg:$0x15] =	wrdreg s11  }
0x8b: {  	s1 =	sshra.s32 s1, $0x2;
	[tilespmem:s21+$0x0] =	vst v9  }
0x8c: {  	v8 =	vmov s1;
	v9 =	vld.idx.msk [tilespmem:v10+s17+$0x0], $0xffff  }
0x8d: {  	v10 =	vld.idx.msk [tilespmem:v11+s17+$0x0], $0xffff;
	v11 =	vadd.s32 s26, v2  }
0x8e: {  	s22 =	simm.s32 $0x3;
	v12 =	vadd.s32 s30, v1  }
0x8f: {  	v13 =	vadd.s32 s22, v0  }
0x90: {  	s25 =	simm.s32 $0xA000  }
0x91: {  	s11 =	simm.s32 $0x2;
	[tilespmem:v8+s25+$0xFFFFFFF0 ss:$0x1] =	vst.idx.msk $0xffff, v9  }
0x92: {  	v9 =	vadd.s32 s11, v0;
	[tilespmem:s21+$0xFFFFFC00] =	vst v10;
	v10 =	vld.idx.msk [tilespmem:v11+s17+$0x0], $0xffff  }
0x93: {  	v11 =	vld.idx.msk [tilespmem:v12+s17+$0x0], $0xffff;
	v12 =	vadd.s32 s26, v3  }
0x94: {  	v14 =	vadd.s32 s30, v2;
	v13 =	vld.idx.msk [tilespmem:v13+s17+$0x0], $0xffff  }
0x95: {  	s0 =	sand.u32 $0x40, s0  }
0x96: {  	s23 =	sand.u32 $0x7B80, s12;
	s13 =	sor.u32 $0x10, s0;
	v15 =	vadd.s32 s22, v1  }
0x97: {  	s15 =	sor.u32 s13, s23;
	v9 =	vld.idx.msk [tilespmem:v9+s17+$0x0], $0xffff;
	[tilespmem:v8+s25+$0x0 ss:$0x1] =	vst.idx.msk $0xffff, v10  }
0x98: {  	s24 =	sadd.s32 $0xA800, s29;
	[tilespmem:s15+$0xA000] =	vst v11;
	v10 =	vadd.s32 s11, v1;
	v11 =	vld.idx.msk [tilespmem:v12+s17+$0x0], $0xffff  }
0x99: {  	[tilespmem:s24+$0x0] =	vst v13;
	v13 =	vadd.s32 s26, v4;
	v12 =	vld.idx.msk [tilespmem:v14+s17+$0x0], $0xffff  }
0x9a: {  	v14 =	vadd.s32 s30, v3  }
0x9b: {  	v15 =	vld.idx.msk [tilespmem:v15+s17+$0x0], $0xffff  }
0x9c: {  	s9 =	sor.u32 $0x20, s0;
	v16 =	vadd.s32 s22, v2;
	s1 =	simm.s32 $0x5;
	[tilespmem:s24+$0xFFFFFC00] =	vst v9  }
0x9d: {  	s10 =	simm.s32 $0x4;
	s6 =	sor.u32 s9, s23;
	v9 =	vadd.s32 s1, v0;
	v10 =	vld.idx.msk [tilespmem:v10+s17+$0x0], $0xffff;
	[tilespmem:v8+s25+$0x10 ss:$0x1] =	vst.idx.msk $0xffff, v11  }
0x9e: {  	v17 =	vadd.s32 s10, v0;
	[tilespmem:s6+$0xA000] =	vst v12;
	v11 =	vld.idx.msk [tilespmem:v13+s17+$0x0], $0xffff  }
0x9f: {  	s14 =	simm.s32 $0xA800;
	v12 =	vadd.s32 s11, v2;
	v13 =	vld.idx.msk [tilespmem:v14+s17+$0x0], $0xffff;
	[dreg:$0x12] =	wrdreg s12  }
0xa0: {  	s18 =	sadd.s32 $0x800, s12;
	v14 =	vadd.s32 s26, v5;
	[tilespmem:v8+s14+$0xFFFFFFF0 ss:$0x1] =	vst.idx.msk $0xffff, v15  }
0xa1: {  	s20 =	sand.u32 $0x7B80, s18;
	v15 =	vld.idx.msk [tilespmem:v16+s17+$0x0], $0xffff;
	v16 =	vadd.s32 s30, v4  }
0xa2: {  	s7 =	sor.u32 s13, s20;
	v18 =	vadd.s32 s22, v3;
	v9 =	vld.idx.msk [tilespmem:v9+s17+$0x0], $0xffff  }
0xa3: {  	s0 =	sor.u32 $0x30, s0;
	s21 =	sadd.s32 $0x12000, s29;
	s12 =	simm.s32 $0x6;
	v17 =	vld.idx.msk [tilespmem:v17+s17+$0x0], $0xffff;
	[tilespmem:s7+$0xA000] =	vst v10;
	v10 =	vadd.s32 s1, v1  }
0xa4: {  	s8 =	sor.u32 s0, s23;
	v12 =	vld.idx.msk [tilespmem:v12+s17+$0x0], $0xffff;
	[tilespmem:s21+$0x0] =	vst v11;
	v11 =	vadd.s32 s12, v0  }
0xa5: {  	[tilespmem:s8+$0xA000] =	vst v13;
	v13 =	vld.idx.msk [tilespmem:v14+s17+$0x0], $0xffff;
	v14 =	vadd.s32 s10, v1  }
0xa6: {  	s25 =	sadd.s32 $0xB000, s29;
	[tilespmem:v8+s14+$0x0 ss:$0x1] =	vst.idx.msk $0xffff, v15;
	v15 =	vld.idx.msk [tilespmem:v16+s17+$0x0], $0xffff;
	v16 =	vadd.s32 s26, v6  }
0xa7: {  	[tilespmem:s25+$0x0] =	vst v9;
	v9 =	vadd.s32 s11, v3;
	v18 =	vld.idx.msk [tilespmem:v18+s17+$0x0], $0xffff  }
0xa8: {  	s19 =	sor.u32 s9, s20;
	[tilespmem:s25+$0xFFFFFC00] =	vst v17;
	v17 =	vadd.s32 s30, v5;
	v10 =	vld.idx.msk [tilespmem:v10+s17+$0x0], $0xffff  }
0xa9: {  	v19 =	vadd.s32 s22, v4;
	s3 =	simm.s32 $0x12000;
	[tilespmem:s19+$0xA000] =	vst v12;
	v11 =	vld.idx.msk [tilespmem:v11+s17+$0x0], $0xffff  }
0xaa: {  	s4 =	simm.s32 $0x7;
	v20 =	vadd.s32 s1, v2;
	v14 =	vld.idx.msk [tilespmem:v14+s17+$0x0], $0xffff;
	[tilespmem:v8+s3+$0xFFFFFFF0 ss:$0x1] =	vst.idx.msk $0xffff, v13  }
0xab: {  	v13 =	vadd.s32 s4, v0;
	v12 =	vld.idx.msk [tilespmem:v16+s17+$0x0], $0xffff;
	[tilespmem:s21+$0xFFFFFC00] =	vst v15  }
0xac: {  	s28 =	simm.s32 $0xB000;
	v9 =	vld.idx.msk [tilespmem:v9+s17+$0x0], $0xffff;
	v16 =	vadd.s32 s26, v7;
	[tilespmem:v8+s14+$0x10 ss:$0x1] =	vst.idx.msk $0xffff, v18  }
0xad: {  	v24 =	vadd.s32 s12, v1;
	[tilespmem:v8+s28+$0xFFFFFFF0 ss:$0x1] =	vst.idx.msk $0xffff, v10;
	v10 =	vld.idx.msk [tilespmem:v17+s17+$0x0], $0xffff  }
0xae: {  	s24 =	sadd.s32 $0x800, s18;
	v15 =	vadd.s32 s10, v2;
	s26 =	sadd.s32 $0xB800, s29;
	v18 =	vld.idx.msk [tilespmem:v19+s17+$0x0], $0xffff  }
0xaf: {  	s2 =	sand.u32 $0x7B80, s24;
	v17 =	vadd.s32 s22, v5;
	v19 =	vld.idx.msk [tilespmem:v20+s17+$0x0], $0xffff;
	[tilespmem:s26+$0xFFFFFC00] =	vst v11  }
0xb0: {  	s5 =	sor.u32 s13, s2;
	v20 =	vadd.s32 s11, v4;
	v13 =	vld.idx.msk [tilespmem:v13+s17+$0x0], $0xffff;
	[tilespmem:v8+s3+$0x0 ss:$0x1] =	vst.idx.msk $0xffff, v12  }
0xb1: {  	v21 =	vadd.s32 s1, v3;
	s18 =	sor.u32 s0, s20;
	[tilespmem:s5+$0xA000] =	vst v14;
	v16 =	vld.idx.msk [tilespmem:v16+s17+$0x0], $0xffff  }
0xb2: {  	s21 =	sadd.s32 $0x12800, s29;
	v11 =	vld.idx.msk [tilespmem:v24+s17+$0x0], $0xffff;
	v12 =	vadd.s32 s30, v6;
	[tilespmem:s18+$0xA000] =	vst v9  }
0xb3: {  	v22 =	vadd.s32 s4, v1;
	s14 =	simm.s32 $0x8;
	v23 =	vld.idx.msk [tilespmem:v15+s17+$0x0], $0xffff;
	[tilespmem:s21+$0x0] =	vst v18  }
0xb4: {  	v9 =	vadd.s32 s14, v0;
	[tilespmem:s15+$0x12000] =	vst v10;
	v18 =	vld.idx.msk [tilespmem:v17+s17+$0x0], $0xffff  }
0xb5: {  	[tilespmem:v8+s28+$0x0 ss:$0x1] =	vst.idx.msk $0xffff, v19;
	v14 =	vld.idx.msk [tilespmem:v20+s17+$0x0], $0xffff;
	v20 =	vadd.s32 s22, v6  }
0xb6: {  	v17 =	vld.idx.msk [tilespmem:v21+s17+$0x0], $0xffff;
	[tilespmem:v8+s3+$0x10 ss:$0x1] =	vst.idx.msk $0xffff, v16;
	v16 =	vadd.s32 s10, v3  }
0xb7: {  	v10 =	vadd.s32 s1, v4;
	[tilespmem:s26+$0x0] =	vst v13;
	v12 =	vld.idx.msk [tilespmem:v12+s17+$0x0], $0xffff  }
0xb8: {  	s23 =	simm.s32 $0x12800;
	v19 =	vadd.s32 s11, v5;
	v15 =	vld.idx.msk [tilespmem:v22+s17+$0x0], $0xffff  }
0xb9: {  	s31 =	smov.u32 s29;
	s25 =	simm.s32 $0x9;
	v9 =	vld.idx.msk [tilespmem:v9+s17+$0x0], $0xffff;
	s3 =	sor.u32 s9, s2;
	[tilespmem:v8+s23+$0xFFFFFFF0 ss:$0x1] =	vst.idx.msk $0xffff, v18;
	v18 =	vadd.s32 s4, v2  }
0xba: {  	s15 =	simm.s32 $0xB800;
	s26 =	simm.s32 $0xA;
	[tilespmem:s3+$0xA000] =	vst v23;
	v13 =	vld.idx.msk [tilespmem:v20+s17+$0x0], $0xffff;
	v20 =	vadd.s32 s30, v7;
	s30 =	simm.s32 $0x12800  }
.LBB2_6:
0xbb: {  	p2 =	slt.u32 s26, $0x1E;
	v21 =	vadd.s32 s25, v0;
	v16 =	vld.idx.msk [tilespmem:v16+s17+$0x0], $0xffff;
	[tilespmem:v8+s28+$0x10 ss:$0x1] =	vst.idx.msk $0xffff, v17;
	s28 =	smov.u32 s15;
	s20 =	smov.u32 s10  }
0xbc: {  	s24 =	sadd.s32 $0x800, s24;
	v10 =	vld.idx.msk [tilespmem:v10+s17+$0x0], $0xffff;
	[tilespmem:s21+$0xFFFFFC00] =	vst v14;
	v14 =	vadd.s32 s22, v7;
	s22 =	smov.u32 s1;
	s1 =	smov.u32 s4  }
0xbd: {  	v17 =	vadd.s32 s12, v2;
	s10 =	smov.u32 s12;
	s21 =	sand.u32 $0x7B80, s24;
	s4 =	smov.u32 s25;
	[tilespmem:v8+s15+$0xFFFFFFF0 ss:$0x1] =	vst.idx.msk $0xffff, v15;
	v15 =	vld.idx.msk [tilespmem:v19+s17+$0x0], $0xffff  }
0xbe: {  	s25 =	sor.u32 s13, s21;
	v19 =	vadd.s32 s22, v5;
	v18 =	vld.idx.msk [tilespmem:v18+s17+$0x0], $0xffff;
	[tilespmem:s6+$0x12000] =	vst v12;
	s6 =	smov.u32 s19;
	s19 =	smov.u32 s3  }
0xbf: {  	s12 =	smov.u32 s14;
	s14 =	smov.u32 s26;
	[tilespmem:s25+$0xA000] =	vst v11;
	v11 =	vadd.s32 s20, v4;
	v12 =	vld.idx.msk [tilespmem:v20+s17+$0x0], $0xffff  }
0xc0: {  	s30 =	sadd.s32 $0x800, s30;
	s3 =	sor.u32 s0, s2;
	s2 =	smov.u32 s21;
	v20 =	vld.idx.msk [tilespmem:v21+s17+$0x0], $0xffff;
	v21 =	vadd.s32 s1, v3;
	[tilespmem:v8+s23+$0x0 ss:$0x1] =	vst.idx.msk $0xffff, v13  }
0xc1: {  	s21 =	sadd.s32 s31, s30;
	s31 =	smov.u32 s29;
	v13 =	vadd.s32 s11, v6;
	[tilespmem:s3+$0xA000] =	vst v16;
	v22 =	vld.idx.msk [tilespmem:v14+s17+$0x0], $0xffff  }
0xc2: {  	v23 =	vadd.s32 s4, v1;
	v24 =	vld.idx.msk [tilespmem:v17+s17+$0x0], $0xffff;
	[tilespmem:s21+$0x0] =	vst v10  }
0xc3: {  	v25 =	vadd.s32 s26, v0;
	v26 =	vld.idx.msk [tilespmem:v19+s17+$0x0], $0xffff;
	[tilespmem:s7+$0x12000] =	vst v15;
	s7 =	smov.u32 s5;
	s5 =	smov.u32 s25  }
0xc4: {  	v27 =	vadd.s32 s12, v1;
	s15 =	sadd.s32 $0x800, s15;
	[tilespmem:v8+s28+$0x0 ss:$0x1] =	vst.idx.msk $0xffff, v18;
	v14 =	vld.idx.msk [tilespmem:v11+s17+$0x0], $0xffff  }
0xc5: {  	s25 =	sadd.s32 s29, s15;
	v17 =	vld.idx.msk [tilespmem:v21+s17+$0x0], $0xffff;
	v21 =	vadd.s32 s22, v6;
	[tilespmem:s8+$0x12000] =	vst v12;
	s8 =	smov.u32 s18;
	s18 =	smov.u32 s3  }
.Ltmp3:
0xc6: {  	v16 =	vadd.s32 s10, v3;
	[tilespmem:s25+$0x0] =	vst v20;
	v12 =	vld.idx.msk [tilespmem:v13+s17+$0x0], $0xffff;
	(pc) =	sbr.rel @p2 .LBB2_6-.Ltmp3, $4  }
0xc7: {  	v10 =	vadd.s32 s1, v4;
	v15 =	vld.idx.msk [tilespmem:v23+s17+$0x0], $0xffff;
	[tilespmem:v8+s23+$0x10 ss:$0x1] =	vst.idx.msk $0xffff, v22;
	s23 =	smov.u32 s30  }
0xc8: {  	v19 =	vadd.s32 s20, v5;
	[tilespmem:s25+$0xFFFFFC00] =	vst v9;
	v9 =	vld.idx.msk [tilespmem:v25+s17+$0x0], $0xffff  }
0xc9: {  	v18 =	vadd.s32 s4, v2;
	s3 =	sor.u32 s9, s2;
	v11 =	vld.idx.msk [tilespmem:v27+s17+$0x0], $0xffff;
	[tilespmem:v8+s30+$0xFFFFFFF0 ss:$0x1] =	vst.idx.msk $0xffff, v26  }
0xca: {  	s26 =	sadd.s32 $0x2, s26;
	v20 =	vadd.s32 s11, v7;
	s11 =	smov.u32 s20;
	s25 =	sadd.s32 $0x1, s14;
	[tilespmem:s3+$0xA000] =	vst v24;
	v13 =	vld.idx.msk [tilespmem:v21+s17+$0x0], $0xffff  }
0xcb: {  	v21 =	vadd.s32 s25, v0;
	_ =	sdelay $0x3  }
0xcc: {  	[tilespmem:s21+$0xFFFFFC00] =	vst v14  }
0xcd: {  	[tilespmem:s6+$0x12000] =	vst v12;
	v21 =	vld.idx.msk [tilespmem:v21+s17+$0x0], $0xffff  }
0xce: {  	v61 =	vadd.s32 s25, v1;
	s20 =	sadd.s32 $0x800, s15;
	[tilespmem:v8+s28+$0x10 ss:$0x1] =	vst.idx.msk $0xffff, v17;
	s24 =	sadd.s32 $0x800, s24  }
0xcf: {  	v62 =	vadd.s32 s14, v1;
	v16 =	vld.idx.msk [tilespmem:v16+s17+$0x0], $0xffff;
	s21 =	sadd.s32 s29, s20;
	[tilespmem:v8+s15+$0xFFFFFFF0 ss:$0x1] =	vst.idx.msk $0xffff, v15;
	s26 =	sand.u32 $0x7B80, s24  }
0xd0: {  	v24 =	vadd.s32 s22, v7;
	v19 =	vld.idx.msk [tilespmem:v19+s17+$0x0], $0xffff;
	[tilespmem:s21+$0xFFFFFC00] =	vst v9;
	s6 =	sor.u32 s13, s26  }
0xd1: {  	v25 =	vadd.s32 s12, v2;
	v63 =	vld.idx.msk [tilespmem:v20+s17+$0x0], $0xffff;
	[tilespmem:s6+$0xA000] =	vst v11  }
0xd2: {  	v35 =	vadd.s32 s11, v6;
	v18 =	vld.idx.msk [tilespmem:v18+s17+$0x0], $0xffff;
	[tilespmem:s21+$0x0] =	vst v21  }
0xd3: {  	v28 =	vadd.s32 s4, v3;
	s2 =	sor.u32 s0, s2;
	[tilespmem:v8+s23+$0x0 ss:$0x1] =	vst.idx.msk $0xffff, v13;
	v14 =	vld.idx.msk [tilespmem:v61+s17+$0x0], $0xffff  }
0xd4: {  	v26 =	vadd.s32 s25, v2;
	v12 =	vld.idx.msk [tilespmem:v62+s17+$0x0], $0xffff;
	[tilespmem:s2+$0xA000] =	vst v16  }
0xd5: {  	v27 =	vadd.s32 s14, v2;
	v29 =	vld.idx.msk [tilespmem:v24+s17+$0x0], $0xffff;
	[tilespmem:s7+$0x12000] =	vst v19  }
0xd6: {  	s28 =	sadd.s32 $0x800, s24;
	v9 =	vld.idx.msk [tilespmem:v25+s17+$0x0], $0xffff;
	[tilespmem:s8+$0x12000] =	vst v63  }
0xd7: {  	v31 =	vadd.s32 s12, v3;
	[tilespmem:v8+s15+$0x0 ss:$0x1] =	vst.idx.msk $0xffff, v18;
	v41 =	vld.idx.msk [tilespmem:v35+s17+$0x0], $0xffff;
	s21 =	sand.u32 $0x7B80, s28  }
0xd8: {  	v30 =	vadd.s32 s10, v4;
	v33 =	vld.idx.msk [tilespmem:v28+s17+$0x0], $0xffff;
	s7 =	sor.u32 s13, s21;
	[tilespmem:v8+s20+$0xFFFFFFF0 ss:$0x1] =	vst.idx.msk $0xffff, v14  }
0xd9: {  	v44 =	vadd.s32 s11, v7;
	[tilespmem:s7+$0xA000] =	vst v12;
	v15 =	vld.idx.msk [tilespmem:v26+s17+$0x0], $0xffff  }
0xda: {  	v32 =	vadd.s32 s25, v3;
	s8 =	sor.u32 s9, s26;
	[tilespmem:v8+s23+$0x10 ss:$0x1] =	vst.idx.msk $0xffff, v29;
	v17 =	vld.idx.msk [tilespmem:v27+s17+$0x0], $0xffff  }
0xdb: {  	v34 =	vadd.s32 s14, v3;
	v10 =	vld.idx.msk [tilespmem:v10+s17+$0x0], $0xffff;
	[tilespmem:s8+$0xA000] =	vst v9  }
0xdc: {  	v37 =	vadd.s32 s4, v4;
	[tilespmem:s19+$0x12000] =	vst v41;
	v14 =	vld.idx.msk [tilespmem:v31+s17+$0x0], $0xffff  }
0xdd: {  	v39 =	vadd.s32 s12, v4;
	v36 =	vld.idx.msk [tilespmem:v30+s17+$0x0], $0xffff;
	[tilespmem:v8+s15+$0x10 ss:$0x1] =	vst.idx.msk $0xffff, v33  }
0xde: {  	v43 =	vadd.s32 s1, v5;
	s13 =	sor.u32 s9, s21;
	s9 =	sadd.s32 $0x800, s30;
	v19 =	vld.idx.msk [tilespmem:v44+s17+$0x0], $0xffff;
	[tilespmem:v8+s20+$0x0 ss:$0x1] =	vst.idx.msk $0xffff, v15  }
0xdf: {  	v38 =	vadd.s32 s10, v5;
	s30 =	sadd.s32 s31, s9;
	[tilespmem:s13+$0xA000] =	vst v17;
	v12 =	vld.idx.msk [tilespmem:v32+s17+$0x0], $0xffff  }
0xe0: {  	v40 =	vadd.s32 s25, v4;
	s31 =	sor.u32 s0, s26;
	[tilespmem:s30+$0x0] =	vst v10;
	v17 =	vld.idx.msk [tilespmem:v34+s17+$0x0], $0xffff  }
0xe1: {  	v42 =	vadd.s32 s14, v4;
	v13 =	vld.idx.msk [tilespmem:v37+s17+$0x0], $0xffff;
	[tilespmem:s31+$0xA000] =	vst v14  }
0xe2: {  	v45 =	vadd.s32 s4, v5;
	[tilespmem:s30+$0xFFFFFC00] =	vst v36;
	v14 =	vld.idx.msk [tilespmem:v39+s17+$0x0], $0xffff  }
0xe3: {  	v46 =	vadd.s32 s12, v5;
	v11 =	vld.idx.msk [tilespmem:v43+s17+$0x0], $0xffff;
	[tilespmem:s18+$0x12000] =	vst v19  }
0xe4: {  	v49 =	vadd.s32 s1, v6;
	s22 =	sor.u32 s0, s21;
	s23 =	sadd.s32 $0x800, s9;
	v9 =	vld.idx.msk [tilespmem:v38+s17+$0x0], $0xffff;
	[tilespmem:v8+s20+$0x10 ss:$0x1] =	vst.idx.msk $0xffff, v12  }
0xe5: {  	v50 =	vadd.s32 s10, v6;
	s24 =	sadd.s32 s29, s23;
	[tilespmem:s22+$0xA000] =	vst v17;
	v16 =	vld.idx.msk [tilespmem:v40+s17+$0x0], $0xffff  }
0xe6: {  	v47 =	vadd.s32 s25, v5;
	[tilespmem:s24+$0x0] =	vst v13;
	v17 =	vld.idx.msk [tilespmem:v42+s17+$0x0], $0xffff  }
0xe7: {  	v48 =	vadd.s32 s14, v5;
	[tilespmem:s24+$0xFFFFFC00] =	vst v14;
	v12 =	vld.idx.msk [tilespmem:v45+s17+$0x0], $0xffff  }
0xe8: {  	v51 =	vadd.s32 s4, v6;
	s26 =	sadd.s32 $0x800, s23;
	[tilespmem:v8+s9+$0xFFFFFFF0 ss:$0x1] =	vst.idx.msk $0xffff, v11;
	v15 =	vld.idx.msk [tilespmem:v46+s17+$0x0], $0xffff  }
0xe9: {  	v52 =	vadd.s32 s12, v6;
	s28 =	sadd.s32 s29, s26;
	[tilespmem:s5+$0x12000] =	vst v9;
	v54 =	vld.idx.msk [tilespmem:v49+s17+$0x0], $0xffff  }
0xea: {  	v56 =	vadd.s32 s1, v7;
	v9 =	vld.idx.msk [tilespmem:v50+s17+$0x0], $0xffff;
	[tilespmem:s28+$0x0] =	vst v16  }
0xeb: {  	v57 =	vadd.s32 s10, v7;
	[tilespmem:s28+$0xFFFFFC00] =	vst v17;
	v10 =	vld.idx.msk [tilespmem:v47+s17+$0x0], $0xffff  }
0xec: {  	v53 =	vadd.s32 s25, v6;
	v13 =	vld.idx.msk [tilespmem:v48+s17+$0x0], $0xffff;
	[tilespmem:v8+s23+$0xFFFFFFF0 ss:$0x1] =	vst.idx.msk $0xffff, v12  }
0xed: {  	v55 =	vadd.s32 s14, v6;
	[tilespmem:s6+$0x12000] =	vst v15;
	v14 =	vld.idx.msk [tilespmem:v51+s17+$0x0], $0xffff  }
0xee: {  	v58 =	vadd.s32 s4, v7;
	[tilespmem:v8+s9+$0x0 ss:$0x1] =	vst.idx.msk $0xffff, v54;
	v16 =	vld.idx.msk [tilespmem:v52+s17+$0x0], $0xffff  }
0xef: {  	v59 =	vadd.s32 s12, v7;
	[tilespmem:s3+$0x12000] =	vst v9;
	v63 =	vld.idx.msk [tilespmem:v56+s17+$0x0], $0xffff  }
0xf0: {  	v12 =	vld.idx.msk [tilespmem:v57+s17+$0x0], $0xffff;
	[tilespmem:v8+s26+$0xFFFFFFF0 ss:$0x1] =	vst.idx.msk $0xffff, v10  }
0xf1: {  	[tilespmem:s7+$0x12000] =	vst v13;
	v11 =	vld.idx.msk [tilespmem:v53+s17+$0x0], $0xffff  }
0xf2: {  	v60 =	vadd.s32 s25, v7;
	v61 =	vld.idx.msk [tilespmem:v55+s17+$0x0], $0xffff;
	[tilespmem:v8+s23+$0x0 ss:$0x1] =	vst.idx.msk $0xffff, v14  }
0xf3: {  	[tilespmem:s8+$0x12000] =	vst v16;
	v14 =	vld.idx.msk [tilespmem:v58+s17+$0x0], $0xffff  }
0xf4: {  	v62 =	vadd.s32 s14, v7;
	[tilespmem:v8+s9+$0x10 ss:$0x1] =	vst.idx.msk $0xffff, v63;
	v10 =	vld.idx.msk [tilespmem:v59+s17+$0x0], $0xffff  }
0xf5: {  	[tilespmem:s2+$0x12000] =	vst v12  }
0xf6: {  	[tilespmem:v8+s26+$0x0 ss:$0x1] =	vst.idx.msk $0xffff, v11  }
0xf7: {  	[tilespmem:s13+$0x12000] =	vst v61;
	v11 =	vld.idx.msk [tilespmem:v60+s17+$0x0], $0xffff  }
0xf8: {  	[tilespmem:v8+s23+$0x10 ss:$0x1] =	vst.idx.msk $0xffff, v14  }
0xf9: {  	v9 =	vld.idx.msk [tilespmem:v62+s17+$0x0], $0xffff;
	[tilespmem:s31+$0x12000] =	vst v10  }
0xfa: {  	s2 =	rddreg [dreg:$0x16]  }
0xfb: {  	s2 =	sadd.s32 $0x1, s2  }
0xfc: {  	p2 =	sne.s32 s2, $0x10;
	[tilespmem:v8+s26+$0x10 ss:$0x1] =	vst.idx.msk $0xffff, v11  }
.Ltmp4:
0xfd: {  	s29 =	rddreg [dreg:$0x13];
	(pc) =	sbr.rel @p2 .LBB2_3-.Ltmp4, $4  }
0xfe: {  	s30 =	rddreg [dreg:$0x12];
	[tilespmem:s22+$0x12000] =	vst v9  }
0xff: {  	p1 =	por !p1, !p1;
	s31 =	rddreg [dreg:$0x14]  }
0x100: {  	s18 =	simm.s32 $0x1E080;
	s4 =	sadd.s32 $0x800, s29;
	s11 =	rddreg [dreg:$0x15]  }
0x101: {  	s12 =	sadd.s32 $0x40, s30;
	s1 =	sadd.s32 $0x40, s31;
	s11 =	sadd.s32 $0x100, s11  }
0x102: {  	s0 =	rddreg [dreg:$0x7]  }
0x103: {  	s4 =	rddreg [dreg:$0x11]  }
0x104: {  	s0 =	sadd.s32 s4, s0  }
0x105: {  	s0 =	sshll.u32 s0, $0xC  }
0x106: {  	s2 =	rddreg [dreg:$0x3];
	s1 =	simm.s32 $0x0;
	s0 =	sand.u32 $0x1FFFF000, s0  }
0x107: {  	s3 =	simm.s32 $0xA000;
	s29 =	rddreg [dreg:$0x8];
	s0 =	sadd.s32 s2, s0  }
0x108: {  	[hbm4b:s0+s1] =	stream.linear.scatter [tilespmem:s3], [sflag:$0x1], $0x8000, $0x38;
	[tilespmem:$0x1EC80] =	vst v63  }
0x109: {  	s0 =	sadd.s32 s4, s29;
	s3 =	simm.s32 $0x1  }
0x10a: {  	_ =	swait.ge [sflag:s3], $0x8000;
	s0 =	sshll.u32 s0, $0xC  }
0x10b: {  	[sflag:s3] =	ssyncset.done $0x0;
	s0 =	sand.u32 $0x1FFFF000, s0  }
0x10c: {  	s30 =	simm.s32 $0x12000;
	[sflag:s3] =	ssyncadd.s32 $0xFFFF8000;
	s0 =	sadd.s32 s2, s0  }
0x10d: {  	[hbm4b:s0+s1] =	stream.linear.scatter [tilespmem:s30], [sflag:$0x1], $0x8000, $0x38;
	[tilespmem:$0x1EC80] =	vst v63  }
0x10e: {  	_ =	swait.ge [sflag:s3], $0x8000  }
0x10f: {  	s31 =	rddreg [dreg:$0x10]  }
0x110: {  	s0 =	sadd.s32 $0x1, s31  }
0x111: {  	p1 =	sne.s32 s0, $0x10  }
.Ltmp5:
0x112: {  	_ = 	snop;
	(pc) =	sbr.rel @p1 .LBB2_2-.Ltmp5, $3  }
0x113: {  	_ =	sdelay $0x1  }
0x114: {  	[sflag:s3] =	ssyncset.done $0x0  }
0x115: {  	s15 =	simm.s32 $0x0;
	[sflag:s3] =	ssyncadd.s32 $0xFFFF8000  }
.Ltmp6:
0x116: {  	(pc) =	sbr.rel @p0 .LBB2_39-.Ltmp6, $2  }
0x117: {  	_ =	sdelay $0x2  }
0x118: {  	s10 =	simm.s32 $0x1B080;
	s1 =	rddreg [dreg:$0xf]  }
0x119: {  	s23 =	simm.s32 $0x0;
	s0 =	rddreg [dreg:$0x9]  }
0x11a: {  	[tilespmem:s10], [sflag:$0x1] =	stream.linear.gather [hbm4b:s0+s23], $0x3000, $0x38;
	[tilespmem:$0x1EC80] =	vst v63  }
0x11b: {  	_ =	swait.ge [sflag:s3], $0x3000  }
0x11c: {  	[sflag:s3] =	ssyncset.done $0x0  }
0x11d: {  	s31 =	rddreg [dreg:$0xa];
	[sflag:s3] =	ssyncadd.s32 $0xFFFFD000  }
0x11e: {  	[tilespmem:s18], [sflag:$0x1] =	stream.linear.gather [hbm4b:s31+s23], $0xC00, $0x38;
	[tilespmem:$0x1EC80] =	vst v63  }
0x11f: {  	_ =	swait.ge [sflag:s3], $0xC00  }
0x120: {  	s24 =	simm.s32 $0x20;
	p1 =	por $0x0, $0x0;
	[sflag:s3] =	ssyncset.done $0x0  }
0x121: {  	s25 =	simm.s32 $0x0;
	s26 =	simm.s32 $0x0;
	[sflag:s3] =	ssyncadd.s32 $0xFFFFF400  }
.LBB2_11:
0x122: {  	v8 =	vld [tilespmem:s24+$0x0];
	_ =	sdelay $0x2  }
0x123: {  	v9 =	vld [tilespmem:s24+$0xFFFFFFE0]  }
0x124: {  	s0 =	sadd.s32 $0x3, s25  }
0x125: {  	s5 =	sadd.s32 $0x40, s24;
	v10 =	vmov s0;
	v11 =	vmul.u32 $0x3, v8  }
0x126: {  	v12 =	vld [tilespmem:s5+$0x0]  }
0x127: {  	v8 =	vmov s25  }
0x128: {  	v9 =	vmul.u32 $0x3, v9;
	v8 =	vand.u32 $0xFFFFFFFE, v8  }
0x129: {  	v13 =	vbroadcast v8, $0x0  }
0x12a: {  	v8 =	vld.idx.msk [tilespmem:v10+s18+$0x0], $0xffff  }
0x12b: {  	s29 =	sadd.s32 $0x6, s25;
	s2 =	sadd.s32 $0x40, s5;
	v12 =	vmul.u32 $0x3, v12;
	v10 =	vld.idx.msk [tilespmem:v11+s10+$0x0], $0xffff  }
0x12c: {  	s1 =	sadd.s32 $0x3, s29;
	v16 =	vld [tilespmem:s2+$0x0]  }
0x12d: {  	v14 =	vmov s1;
	v11 =	vld [tilespmem:s5+$0xFFFFFFE0]  }
0x12e: {  	v15 =	vld.idx.msk [tilespmem:v9+s10+$0x0], $0xffff  }
0x12f: {  	v9 =	vld.idx.msk [tilespmem:v13+s18+$0x0], $0xffff  }
0x130: {  	v13 =	vsub.f32 v10, v8  }
0x131: {  	s1 =	simm.s32 $0x1A031;
	v12 =	vld.idx.msk [tilespmem:v12+s10+$0x0], $0xffff;
	v10 =	vmov s29  }
0x132: {  	v11 =	vmul.u32 $0x3, v11;
	v17 =	vand.u32 $0xFFFFFFFE, v10;
	v10 =	vld.idx.msk [tilespmem:v14+s18+$0x0], $0xffff;
	[tilespmem:s1+$0xFFFFFFF0] =	vst v13  }
0x133: {  	s0 =	sadd.s32 $0x6, s29;
	v13 =	vbroadcast v17, $0x0;
	v14 =	vld [tilespmem:s24+$0x10]  }
0x134: {  	s3 =	sadd.s32 $0x3, s0;
	v16 =	vmul.u32 $0x3, v16;
	v15 =	vsub.f32 v15, v9;
	v17 =	vld [tilespmem:s2+$0xFFFFFFE0]  }
0x135: {  	v18 =	vmov s3;
	s3 =	sadd.s32 $0x40, s2  }
0x136: {  	v21 =	vld [tilespmem:s3+$0x0];
	[tilespmem:s1+$0xFFFFFFCF] =	vst v15  }
0x137: {  	v19 =	vld [tilespmem:s24+$0xFFFFFFF0]  }
0x138: {  	v20 =	vmov s0;
	v15 =	vld.idx.msk [tilespmem:v11+s10+$0x0], $0xffff;
	v14 =	vmul.u32 $0x3, v14  }
0x139: {  	v17 =	vmul.u32 $0x3, v17;
	v11 =	vld.idx.msk [tilespmem:v13+s18+$0x0], $0xffff;
	v13 =	vand.u32 $0xFFFFFFFE, v20;
	v20 =	vsub.f32 v12, v10  }
0x13a: {  	s4 =	simm.s32 $0x1A073;
	s6 =	simm.s32 $0x1;
	v16 =	vld.idx.msk [tilespmem:v16+s10+$0x0], $0xffff;
	v13 =	vbroadcast v13, $0x0  }
0x13b: {  	s7 =	sshll.u32 s23, $0x2;
	s6 =	simm.s32 @!p1 $0x0;
	v12 =	vld.idx.msk [tilespmem:v18+s18+$0x0], $0xffff;
	[tilespmem:s4+$0xFFFFFFF0] =	vst v20  }
0x13c: {  	s7 =	sand.u32 $0xFFFFFE00, s7;
	s6 =	sshll.u32 s6, $0x8;
	v24 =	vmul.u32 $0x3, v19;
	v23 =	vld [tilespmem:s5+$0x10]  }
0x13d: {  	s7 =	sor.u32 s6, s7;
	s6 =	sadd.s32 $0x6, s0;
	v20 =	vld [tilespmem:s3+$0xFFFFFFE0]  }
0x13e: {  	s31 =	sadd.s32 $0x3, s6;
	v15 =	vsub.f32 v15, v11;
	v14 =	vld.idx.msk [tilespmem:v14+s10+$0x0], $0xffff  }
0x13f: {  	v22 =	vmov s31;
	v21 =	vmul.u32 $0x3, v21;
	v18 =	vld.idx.msk [tilespmem:v17+s10+$0x0], $0xffff  }
0x140: {  	v17 =	vmov s6;
	[tilespmem:s4+$0xFFFFFFCF] =	vst v15;
	v13 =	vld.idx.msk [tilespmem:v13+s18+$0x0], $0xffff  }
0x141: {  	s30 =	sshrl.u32 s7, $0x2;
	s7 =	simm.s32 $0x6;
	v15 =	vand.u32 $0xFFFFFFFE, v17;
	v19 =	vld [tilespmem:s5+$0xFFFFFFF0];
	v17 =	vmul.u32 $0x3, v23  }
0x142: {  	s8 =	sadd.s32 $0x40, s3;
	s0 =	sadd.s32 $0xA400, s30;
	v15 =	vbroadcast v15, $0x0;
	v23 =	vsub.f32 v16, v12;
	v16 =	vld.idx.msk [tilespmem:v24+s10+$0x0], $0xffff;
	s5 =	simm.s32 $0x1A073  }
.LBB2_12:
0x143: {  	v24 =	vld [tilespmem:s8+$0x0];
	v25 =	vmul.u32 $0x3, v20;
	s4 =	sadd.s32 $0x42, s4;
	v14 =	vsub.f32 v14, v8;
	v8 =	vmovc v10;
	v10 =	vmov v12  }
0x144: {  	v12 =	vld.idx.msk [tilespmem:v22+s18+$0x0], $0xffff;
	[tilespmem:s4+$0xFFFFFFF0] =	vst v23  }
0x145: {  	v23 =	vld.idx.msk [tilespmem:v21+s10+$0x0], $0xffff;
	[tilespmem:s1+$0x0] =	vst v14  }
0x146: {  	s7 =	sadd.s32 $0x2, s7;
	v18 =	vsub.f32 v18, v13;
	v26 =	vld [tilespmem:s2+$0x10];
	v27 =	vmul.u32 $0x3, v19  }
0x147: {  	s6 =	sadd.s32 $0x6, s6;
	p2 =	slt.u32 s7, $0x3E;
	v14 =	vld.idx.msk [tilespmem:v17+s10+$0x0], $0xffff  }
.Ltmp7:
0x148: {  	s9 =	sadd.s32 $0x3, s6;
	v17 =	vmov s6;
	v16 =	vsub.f32 v16, v9;
	v9 =	vmovc v11;
	v11 =	vmov v13;
	v20 =	vld [tilespmem:s8+$0xFFFFFFE0];
	[tilespmem:s4+$0xFFFFFFCF] =	vst v18;
	(pc) =	sbr.rel @p2 .LBB2_12-.Ltmp7, $4  }
0x149: {  	v22 =	vmov s9;
	v17 =	vand.u32 $0xFFFFFFFE, v17;
	v21 =	vmul.u32 $0x3, v24;
	v18 =	vld.idx.msk [tilespmem:v25+s10+$0x0], $0xffff  }
0x14a: {  	v13 =	vld.idx.msk [tilespmem:v15+s18+$0x0], $0xffff;
	v15 =	vbroadcast v17, $0x0;
	[tilespmem:s1+$0xFFFFFFDF] =	vst v16;
	s1 =	smov.u32 s5;
	s5 =	smov.u32 s4  }
0x14b: {  	v19 =	vld [tilespmem:s2+$0xFFFFFFF0];
	v17 =	vmul.u32 $0x3, v26;
	s2 =	smov.u32 s3;
	s3 =	smov.u32 s8  }
0x14c: {  	v23 =	vsub.f32 v23, v12;
	s8 =	sadd.s32 $0x40, s8;
	v16 =	vld.idx.msk [tilespmem:v27+s10+$0x0], $0xffff  }
0x14d: {  	_ = 	snop  }
0x14e: {  	v20 =	vmul.u32 $0x3, v20;
	_ =	sdelay $0x2  }
0x14f: {  	v22 =	vld.idx.msk [tilespmem:v22+s18+$0x0], $0xffff  }
0x150: {  	v21 =	vld.idx.msk [tilespmem:v21+s10+$0x0], $0xffff  }
0x151: {  	v15 =	vld.idx.msk [tilespmem:v15+s18+$0x0], $0xffff  }
0x152: {  	v20 =	vld.idx.msk [tilespmem:v20+s10+$0x0], $0xffff;
	_ =	sdelay $0x2  }
0x153: {  	s4 =	sadd.s32 $0x42, s4;
	v18 =	vsub.f32 v18, v13  }
0x154: {  	[tilespmem:s4+$0xFFFFFFF0] =	vst v23;
	v21 =	vsub.f32 v21, v22  }
0x155: {  	s6 =	sadd.s32 $0x42, s4;
	v23 =	vld [tilespmem:s2+$0x10];
	[tilespmem:s4+$0xFFFFFFCF] =	vst v18;
	v18 =	vsub.f32 v20, v15  }
0x156: {  	[tilespmem:s6+$0xFFFFFFF0] =	vst v21;
	v20 =	vld [tilespmem:s2+$0xFFFFFFF0]  }
0x157: {  	v21 =	vld [tilespmem:s3+$0x10];
	[tilespmem:s6+$0xFFFFFFCF] =	vst v18  }
0x158: {  	v18 =	vld [tilespmem:s3+$0xFFFFFFF0]  }
0x159: {  	v19 =	vmul.u32 $0x3, v19  }
0x15a: {  	v23 =	vmul.u32 $0x3, v23  }
0x15b: {  	v20 =	vmul.u32 $0x3, v20  }
0x15c: {  	v21 =	vmul.u32 $0x3, v21  }
0x15d: {  	v18 =	vmul.u32 $0x3, v18  }
0x15e: {  	v17 =	vld.idx.msk [tilespmem:v17+s10+$0x0], $0xffff  }
0x15f: {  	v19 =	vld.idx.msk [tilespmem:v19+s10+$0x0], $0xffff  }
0x160: {  	v23 =	vld.idx.msk [tilespmem:v23+s10+$0x0], $0xffff  }
0x161: {  	v8 =	vsub.f32 v14, v8;
	v14 =	vld.idx.msk [tilespmem:v20+s10+$0x0], $0xffff  }
0x162: {  	v9 =	vsub.f32 v16, v9;
	v16 =	vld.idx.msk [tilespmem:v21+s10+$0x0], $0xffff  }
0x163: {  	[tilespmem:s1+$0x0] =	vst v8;
	v8 =	vsub.f32 v17, v10;
	v10 =	vld.idx.msk [tilespmem:v18+s10+$0x0], $0xffff  }
0x164: {  	[tilespmem:s1+$0xFFFFFFDF] =	vst v9;
	v9 =	vsub.f32 v19, v11  }
0x165: {  	s7 =	simm.s32 $0x1;
	[tilespmem:s5+$0x0] =	vst v8;
	v8 =	vsub.f32 v23, v12  }
0x166: {  	v11 =	vadd.s32 s7, v0;
	[tilespmem:s5+$0xFFFFFFDF] =	vst v9;
	v9 =	vsub.f32 v14, v13  }
0x167: {  	[tilespmem:s4+$0x0] =	vst v8;
	v8 =	vsub.f32 v16, v22  }
0x168: {  	[tilespmem:s4+$0xFFFFFFDF] =	vst v9;
	v9 =	vsub.f32 v10, v15  }
0x169: {  	s9 =	simm.s32 $0x0;
	[tilespmem:s6+$0x0] =	vst v8  }
0x16a: {  	v8 =	vadd.s32 s9, v0;
	[tilespmem:s6+$0xFFFFFFDF] =	vst v9  }
0x16b: {  	v9 =	vld.idx.msk [tilespmem:v11+s17+$0x0], $0xffff  }
0x16c: {  	s31 =	simm.s32 $0x3;
	v10 =	vadd.s32 s7, v1  }
0x16d: {  	v11 =	vadd.s32 s31, v0  }
0x16e: {  	s6 =	simm.s32 $0x2  }
0x16f: {  	v8 =	vld.idx.msk [tilespmem:v8+s17+$0x0], $0xffff;
	v12 =	vadd.s32 s6, v0  }
0x170: {  	s1 =	simm.s32 $0x4;
	v13 =	vadd.s32 s9, v1;
	[tilespmem:s0+$0x0] =	vst v9  }
0x171: {  	v9 =	vadd.s32 s1, v0;
	v10 =	vld.idx.msk [tilespmem:v10+s17+$0x0], $0xffff  }
0x172: {  	v14 =	vadd.s32 s7, v2;
	v11 =	vld.idx.msk [tilespmem:v11+s17+$0x0], $0xffff  }
0x173: {  	s3 =	simm.s32 $0x5;
	v15 =	vadd.s32 s31, v1  }
0x174: {  	v12 =	vld.idx.msk [tilespmem:v12+s17+$0x0], $0xffff;
	[tilespmem:s0+$0xFFFFFC00] =	vst v8;
	v8 =	vadd.s32 s3, v0  }
0x175: {  	v16 =	vadd.s32 s6, v1;
	v13 =	vld.idx.msk [tilespmem:v13+s17+$0x0], $0xffff  }
0x176: {  	s2 =	sadd.s32 $0x800, s0;
	s4 =	simm.s32 $0x6;
	v17 =	vld.idx.msk [tilespmem:v9+s17+$0x0], $0xffff;
	v9 =	vadd.s32 s9, v2;
	[tilespmem:s0+$0x10] =	vst v10  }
0x177: {  	[tilespmem:s2+$0x0] =	vst v11;
	v11 =	vadd.s32 s4, v0;
	v10 =	vld.idx.msk [tilespmem:v14+s17+$0x0], $0xffff  }
0x178: {  	v14 =	vld.idx.msk [tilespmem:v15+s17+$0x0], $0xffff;
	v15 =	vadd.s32 s7, v3  }
0x179: {  	v18 =	vadd.s32 s31, v2;
	[tilespmem:s2+$0xFFFFFC00] =	vst v12;
	v8 =	vld.idx.msk [tilespmem:v8+s17+$0x0], $0xffff;
	s7 =	simm.s32 $0x7  }
0x17a: {  	[tilespmem:s0+$0xFFFFFC10] =	vst v13;
	v20 =	vld.idx.msk [tilespmem:v16+s17+$0x0], $0xffff;
	v16 =	vadd.s32 s7, v0  }
0x17b: {  	v13 =	vadd.s32 s3, v1;
	v62 =	vld.idx.msk [tilespmem:v9+s17+$0x0], $0xffff  }
0x17c: {  	v63 =	vadd.s32 s1, v1;
	v9 =	vld.idx.msk [tilespmem:v11+s17+$0x0], $0xffff;
	[tilespmem:s0+$0x20] =	vst v10  }
0x17d: {  	v10 =	vadd.s32 s6, v2;
	[tilespmem:s2+$0x10] =	vst v14;
	v12 =	vld.idx.msk [tilespmem:v15+s17+$0x0], $0xffff  }
0x17e: {  	s8 =	simm.s32 $0x8;
	v19 =	vadd.s32 s9, v3;
	s5 =	sadd.s32 $0x800, s2;
	v11 =	vld.idx.msk [tilespmem:v18+s17+$0x0], $0xffff  }
0x17f: {  	[tilespmem:s5+$0x0] =	vst v8;
	v14 =	vld.idx.msk [tilespmem:v16+s17+$0x0], $0xffff;
	v16 =	vadd.s32 s8, v0  }
0x180: {  	[tilespmem:s5+$0xFFFFFC00] =	vst v17;
	v17 =	vadd.s32 s31, v3;
	v13 =	vld.idx.msk [tilespmem:v13+s17+$0x0], $0xffff  }
0x181: {  	[tilespmem:s2+$0xFFFFFC10] =	vst v20;
	v8 =	vld.idx.msk [tilespmem:v63+s17+$0x0], $0xffff;
	v18 =	vadd.s32 s3, v2  }
0x182: {  	s10 =	simm.s32 $0xA;
	s9 =	simm.s32 $0x9;
	v15 =	vadd.s32 s7, v1;
	[tilespmem:s0+$0xFFFFFC20] =	vst v62;
	v10 =	vld.idx.msk [tilespmem:v10+s17+$0x0], $0xffff  }
.LBB2_14:
0x183: {  	p2 =	slt.u32 s10, $0x1E;
	v20 =	vadd.s32 s9, v0;
	v21 =	vld.idx.msk [tilespmem:v19+s17+$0x0], $0xffff;
	[tilespmem:s0+$0x30] =	vst v12;
	s11 =	smov.u32 s2;
	s2 =	smov.u32 s5  }
0x184: {  	v23 =	vadd.s32 s4, v1;
	v22 =	vld.idx.msk [tilespmem:v16+s17+$0x0], $0xffff;
	[tilespmem:s11+$0x20] =	vst v11  }
0x185: {  	v24 =	vadd.s32 s1, v2;
	s5 =	sadd.s32 $0x800, s5;
	[tilespmem:s2+$0x10] =	vst v13;
	v12 =	vld.idx.msk [tilespmem:v17+s17+$0x0], $0xffff  }
.Ltmp8:
0x186: {  	v19 =	vadd.s32 s6, v3;
	s6 =	smov.u32 s1;
	s1 =	smov.u32 s4;
	[tilespmem:s5+$0x0] =	vst v14;
	v11 =	vld.idx.msk [tilespmem:v18+s17+$0x0], $0xffff;
	(pc) =	sbr.rel @p2 .LBB2_14-.Ltmp8, $4  }
0x187: {  	s4 =	smov.u32 s8;
	s8 =	smov.u32 s10;
	v16 =	vadd.s32 s10, v0;
	[tilespmem:s5+$0xFFFFFC00] =	vst v9;
	v13 =	vld.idx.msk [tilespmem:v15+s17+$0x0], $0xffff  }
0x188: {  	v17 =	vadd.s32 s3, v3;
	s3 =	smov.u32 s7;
	s7 =	smov.u32 s9;
	v14 =	vld.idx.msk [tilespmem:v20+s17+$0x0], $0xffff;
	[tilespmem:s2+$0xFFFFFC10] =	vst v8  }
0x189: {  	v18 =	vadd.s32 s3, v2;
	v8 =	vld.idx.msk [tilespmem:v23+s17+$0x0], $0xffff;
	[tilespmem:s11+$0xFFFFFC20] =	vst v10  }
0x18a: {  	s10 =	sadd.s32 $0x2, s10;
	s9 =	sadd.s32 $0x1, s8;
	v15 =	vadd.s32 s7, v1;
	v9 =	vmov v22;
	v10 =	vld.idx.msk [tilespmem:v24+s17+$0x0], $0xffff;
	[tilespmem:s0+$0xFFFFFC30] =	vst v21;
	s0 =	smov.u32 s11  }
0x18b: {  	_ = 	snop  }
0x18c: {  	v20 =	vadd.s32 s9, v0  }
0x18d: {  	[tilespmem:s0+$0x30] =	vst v12  }
0x18e: {  	[tilespmem:s2+$0x20] =	vst v11  }
0x18f: {  	v41 =	vld.idx.msk [tilespmem:v19+s17+$0x0], $0xffff;
	s10 =	sadd.s32 $0x800, s5;
	[tilespmem:s5+$0x10] =	vst v13  }
0x190: {  	v42 =	vadd.s32 s4, v1;
	v44 =	vld.idx.msk [tilespmem:v16+s17+$0x0], $0xffff;
	[tilespmem:s10+$0xFFFFFC00] =	vst v9  }
0x191: {  	[tilespmem:s5+$0xFFFFFC10] =	vst v8;
	v8 =	vadd.s32 s8, v1;
	v43 =	vld.idx.msk [tilespmem:v20+s17+$0x0], $0xffff  }
0x192: {  	v45 =	vadd.s32 s9, v1;
	v46 =	vld.idx.msk [tilespmem:v17+s17+$0x0], $0xffff;
	[tilespmem:s10+$0x0] =	vst v14  }
0x193: {  	v47 =	vadd.s32 s1, v2;
	v18 =	vld.idx.msk [tilespmem:v18+s17+$0x0], $0xffff;
	[tilespmem:s2+$0xFFFFFC20] =	vst v10  }
0x194: {  	v48 =	vadd.s32 s6, v3;
	s31 =	sadd.s32 $0x800, s10;
	v15 =	vld.idx.msk [tilespmem:v15+s17+$0x0], $0xffff;
	[tilespmem:s0+$0xFFFFFC30] =	vst v41  }
0x195: {  	v50 =	vadd.s32 s7, v2;
	v49 =	vld.idx.msk [tilespmem:v42+s17+$0x0], $0xffff;
	[tilespmem:s31+$0xFFFFFC00] =	vst v44  }
0x196: {  	v51 =	vadd.s32 s4, v2;
	v8 =	vld.idx.msk [tilespmem:v8+s17+$0x0], $0xffff;
	[tilespmem:s31+$0x0] =	vst v43  }
0x197: {  	v54 =	vadd.s32 s8, v2;
	[tilespmem:s2+$0x30] =	vst v46;
	v9 =	vld.idx.msk [tilespmem:v45+s17+$0x0], $0xffff  }
0x198: {  	v52 =	vadd.s32 s9, v2;
	v53 =	vld.idx.msk [tilespmem:v47+s17+$0x0], $0xffff;
	[tilespmem:s5+$0x20] =	vst v18  }
0x199: {  	v55 =	vadd.s32 s3, v3;
	v10 =	vld.idx.msk [tilespmem:v48+s17+$0x0], $0xffff;
	[tilespmem:s10+$0x10] =	vst v15  }
0x19a: {  	v56 =	vadd.s32 s1, v3;
	v12 =	vld.idx.msk [tilespmem:v50+s17+$0x0], $0xffff;
	[tilespmem:s10+$0xFFFFFC10] =	vst v49  }
0x19b: {  	v57 =	vadd.s32 s7, v3;
	v13 =	vld.idx.msk [tilespmem:v51+s17+$0x0], $0xffff;
	[tilespmem:s31+$0xFFFFFC10] =	vst v8  }
0x19c: {  	v58 =	vadd.s32 s4, v3;
	v59 =	vld.idx.msk [tilespmem:v54+s17+$0x0], $0xffff;
	[tilespmem:s31+$0x10] =	vst v9  }
0x19d: {  	v61 =	vadd.s32 s8, v3;
	[tilespmem:s5+$0xFFFFFC20] =	vst v53;
	v9 =	vld.idx.msk [tilespmem:v52+s17+$0x0], $0xffff  }
0x19e: {  	v60 =	vld.idx.msk [tilespmem:v55+s17+$0x0], $0xffff;
	[tilespmem:s2+$0xFFFFFC30] =	vst v10;
	v8 =	vadd.s32 s9, v3  }
0x19f: {  	v15 =	vld.idx.msk [tilespmem:v56+s17+$0x0], $0xffff;
	[tilespmem:s10+$0x20] =	vst v12  }
0x1a0: {  	v11 =	vld.idx.msk [tilespmem:v57+s17+$0x0], $0xffff;
	[tilespmem:s10+$0xFFFFFC20] =	vst v13  }
0x1a1: {  	v62 =	vld.idx.msk [tilespmem:v58+s17+$0x0], $0xffff;
	[tilespmem:s31+$0xFFFFFC20] =	vst v59  }
0x1a2: {  	s26 =	sadd.s32 $0x1, s26;
	v63 =	vld.idx.msk [tilespmem:v61+s17+$0x0], $0xffff;
	[tilespmem:s31+$0x20] =	vst v9  }
0x1a3: {  	p2 =	sne.s32 s26, $0x10;
	[tilespmem:s5+$0x30] =	vst v60;
	v8 =	vld.idx.msk [tilespmem:v8+s17+$0x0], $0xffff  }
.Ltmp9:
0x1a4: {  	[tilespmem:s5+$0xFFFFFC30] =	vst v15;
	(pc) =	sbr.rel @p2 .LBB2_11-.Ltmp9, $4  }
0x1a5: {  	[tilespmem:s10+$0x30] =	vst v11  }
0x1a6: {  	[tilespmem:s10+$0xFFFFFC30] =	vst v62  }
0x1a7: {  	s25 =	sadd.s32 $0xC0, s25;
	s24 =	sadd.s32 $0x800, s24;
	[tilespmem:s31+$0xFFFFFC30] =	vst v63  }
0x1a8: {  	s23 =	sadd.s32 $0x40, s23;
	p1 =	por !p1, !p1;
	s10 =	simm.s32 $0x1B080;
	[tilespmem:s31+$0x30] =	vst v8  }
0x1a9: {  	s23 =	simm.s32 $0x0  }
0x1aa: {  	s0 =	rddreg [dreg:$0xb];
	s1 =	simm.s32 $0xA000;
	s31 =	simm.s32 $0x1  }
0x1ab: {  	[hbm4b:s0+s23] =	stream.linear.scatter [tilespmem:s1], [sflag:$0x1], $0x8000, $0x38;
	[tilespmem:$0x1EC80] =	vst v63  }
0x1ac: {  	_ =	swait.ge [sflag:s31], $0x8000  }
0x1ad: {  	s24 =	simm.s32 $0x4;
	s25 =	simm.s32 $0x20;
	[sflag:s31] =	ssyncset.done $0x0  }
0x1ae: {  	p1 =	por $0x0, $0x0;
	s26 =	simm.s32 $0x0;
	[sflag:s31] =	ssyncadd.s32 $0xFFFF8000  }
.LBB2_17:
0x1af: {  	v8 =	vld [tilespmem:s25+$0x0];
	_ =	sdelay $0x2  }
0x1b0: {  	v9 =	vmov s24;
	v10 =	vld [tilespmem:s25+$0xFFFFFFE0]  }
0x1b1: {  	v9 =	vand.u32 $0xFFFFFFFE, v9  }
0x1b2: {  	v9 =	vbroadcast v9, $0x0;
	v8 =	vmul.u32 $0x3, v8;
	_ =	sdelay $0x1  }
0x1b3: {  	s1 =	sadd.s32 $0xFFFFFFFD, s24;
	v11 =	vadd.s32 $0x1, v8  }
0x1b4: {  	s0 =	sadd.s32 $0x40, s25;
	v12 =	vmov s1;
	v10 =	vmul.u32 $0x3, v10  }
0x1b5: {  	v13 =	vld [tilespmem:s0+$0x0]  }
0x1b6: {  	s3 =	sadd.s32 $0x6, s24;
	v15 =	vld [tilespmem:s0+$0xFFFFFFE0];
	v10 =	vadd.s32 $0x1, v10  }
0x1b7: {  	v8 =	vld.idx.msk [tilespmem:v9+s18+$0x0], $0xffff;
	v9 =	vmov s3  }
0x1b8: {  	v14 =	vand.u32 $0xFFFFFFFE, v9;
	v11 =	vld.idx.msk [tilespmem:v11+s10+$0x0], $0xffff  }
0x1b9: {  	v9 =	vld.idx.msk [tilespmem:v12+s18+$0x0], $0xffff;
	v12 =	vbroadcast v14, $0x0;
	_ =	sdelay $0x1  }
0x1ba: {  	v13 =	vmul.u32 $0x3, v13;
	v14 =	vld.idx.msk [tilespmem:v10+s10+$0x0], $0xffff;
	_ =	sdelay $0x1  }
0x1bb: {  	s2 =	sadd.s32 $0x40, s0;
	v13 =	vadd.s32 $0x1, v13;
	v10 =	vsub.f32 v11, v8  }
0x1bc: {  	s1 =	simm.s32 $0x1A031;
	s4 =	sadd.s32 $0xFFFFFFFD, s3;
	v15 =	vmul.u32 $0x3, v15;
	v11 =	vld [tilespmem:s2+$0x0]  }
0x1bd: {  	v16 =	vmov s4;
	[tilespmem:s1+$0xFFFFFFF0] =	vst v10;
	v10 =	vld.idx.msk [tilespmem:v12+s18+$0x0], $0xffff  }
0x1be: {  	s29 =	sadd.s32 $0x6, s3;
	v14 =	vsub.f32 v14, v9;
	v12 =	vadd.s32 $0x1, v15;
	v17 =	vld [tilespmem:s25+$0x10]  }
0x1bf: {  	v19 =	vld [tilespmem:s2+$0xFFFFFFE0];
	v15 =	vmov s29  }
0x1c0: {  	s3 =	sadd.s32 $0xFFFFFFFD, s29;
	v13 =	vld.idx.msk [tilespmem:v13+s10+$0x0], $0xffff;
	[tilespmem:s1+$0xFFFFFFCF] =	vst v14;
	v15 =	vand.u32 $0xFFFFFFFE, v15  }
0x1c1: {  	v18 =	vmov s3;
	v20 =	vld [tilespmem:s25+$0xFFFFFFF0];
	v15 =	vbroadcast v15, $0x0;
	v14 =	vmul.u32 $0x3, v11  }
0x1c2: {  	v11 =	vld.idx.msk [tilespmem:v16+s18+$0x0], $0xffff  }
0x1c3: {  	v14 =	vadd.s32 $0x1, v14;
	v16 =	vmul.u32 $0x3, v17;
	v17 =	vld.idx.msk [tilespmem:v12+s10+$0x0], $0xffff  }
0x1c4: {  	s3 =	sadd.s32 $0x40, s2  }
0x1c5: {  	v21 =	vld [tilespmem:s3+$0x0]  }
0x1c6: {  	v12 =	vld.idx.msk [tilespmem:v18+s18+$0x0], $0xffff;
	v18 =	vsub.f32 v13, v10  }
0x1c7: {  	s5 =	simm.s32 $0x1A073;
	v19 =	vmul.u32 $0x3, v19;
	v16 =	vadd.s32 $0x1, v16;
	v13 =	vld.idx.msk [tilespmem:v15+s18+$0x0], $0xffff  }
0x1c8: {  	[tilespmem:s5+$0xFFFFFFF0] =	vst v18;
	v15 =	vmul.u32 $0x3, v20;
	v23 =	vld.idx.msk [tilespmem:v14+s10+$0x0], $0xffff;
	v14 =	vsub.f32 v17, v11  }
0x1c9: {  	s6 =	sadd.s32 $0x6, s29;
	v18 =	vadd.s32 $0x1, v19;
	v22 =	vld [tilespmem:s0+$0x10]  }
0x1ca: {  	s7 =	sadd.s32 $0xFFFFFFFD, s6;
	v24 =	vadd.s32 $0x1, v15;
	[tilespmem:s5+$0xFFFFFFCF] =	vst v14;
	v14 =	vmov s6  }
0x1cb: {  	s4 =	simm.s32 $0x1;
	v25 =	vmov s7;
	v20 =	vld [tilespmem:s3+$0xFFFFFFE0];
	v14 =	vand.u32 $0xFFFFFFFE, v14  }
0x1cc: {  	s8 =	sshll.u32 s23, $0x2;
	s4 =	simm.s32 @!p1 $0x0;
	v26 =	vmul.u32 $0x3, v21;
	v15 =	vld.idx.msk [tilespmem:v16+s10+$0x0], $0xffff;
	v21 =	vbroadcast v14, $0x0  }
0x1cd: {  	s30 =	sand.u32 $0xFFFFFE00, s8;
	s4 =	sshll.u32 s4, $0x8;
	v17 =	vld [tilespmem:s0+$0xFFFFFFF0]  }
0x1ce: {  	s4 =	sor.u32 s4, s30;
	v19 =	vld.idx.msk [tilespmem:v18+s10+$0x0], $0xffff;
	v18 =	vmul.u32 $0x3, v22  }
0x1cf: {  	s7 =	simm.s32 $0x6;
	s31 =	sshrl.u32 s4, $0x2;
	v22 =	vadd.s32 $0x1, v26;
	v16 =	vld.idx.msk [tilespmem:v24+s10+$0x0], $0xffff  }
0x1d0: {  	s4 =	simm.s32 $0x1A073;
	s8 =	sadd.s32 $0x40, s3;
	s0 =	sadd.s32 $0xA400, s31;
	v14 =	vld.idx.msk [tilespmem:v25+s18+$0x0], $0xffff;
	v23 =	vsub.f32 v23, v13;
	v18 =	vadd.s32 $0x1, v18  }
.LBB2_18:
0x1d1: {  	v24 =	vld [tilespmem:s8+$0x0];
	v20 =	vmul.u32 $0x3, v20;
	s5 =	sadd.s32 $0x42, s5;
	v15 =	vsub.f32 v15, v8;
	v8 =	vmovc v10;
	v10 =	vmov v13  }
0x1d2: {  	s7 =	sadd.s32 $0x2, s7;
	v13 =	vld.idx.msk [tilespmem:v21+s18+$0x0], $0xffff;
	[tilespmem:s5+$0xFFFFFFF0] =	vst v23;
	v17 =	vmul.u32 $0x3, v17  }
0x1d3: {  	s6 =	sadd.s32 $0x6, s6;
	p2 =	slt.u32 s7, $0x3E;
	v23 =	vadd.s32 $0x1, v20;
	v25 =	vld [tilespmem:s2+$0x10];
	[tilespmem:s1+$0x0] =	vst v15  }
0x1d4: {  	s9 =	sadd.s32 $0xFFFFFFFD, s6;
	v15 =	vmov s6;
	v19 =	vsub.f32 v19, v12;
	v26 =	vld.idx.msk [tilespmem:v22+s10+$0x0], $0xffff;
	v27 =	vadd.s32 $0x1, v17  }
0x1d5: {  	v28 =	vmov s9;
	v17 =	vand.u32 $0xFFFFFFFE, v15;
	v16 =	vsub.f32 v16, v9;
	v9 =	vmovc v11;
	v11 =	vmovc v12;
	v15 =	vld.idx.msk [tilespmem:v18+s10+$0x0], $0xffff  }
.Ltmp10:
0x1d6: {  	v21 =	vbroadcast v17, $0x0;
	v12 =	vmov v14;
	v20 =	vld [tilespmem:s8+$0xFFFFFFE0];
	[tilespmem:s5+$0xFFFFFFCF] =	vst v19;
	(pc) =	sbr.rel @p2 .LBB2_18-.Ltmp10, $4  }
0x1d7: {  	v14 =	vmul.u32 $0x3, v24;
	v17 =	vld [tilespmem:s2+$0xFFFFFFF0];
	[tilespmem:s1+$0xFFFFFFDF] =	vst v16;
	s1 =	smov.u32 s4;
	s4 =	smov.u32 s5;
	s2 =	smov.u32 s3  }
0x1d8: {  	s3 =	smov.u32 s8;
	v19 =	vld.idx.msk [tilespmem:v23+s10+$0x0], $0xffff;
	v18 =	vmul.u32 $0x3, v25  }
0x1d9: {  	v22 =	vadd.s32 $0x1, v14;
	v16 =	vld.idx.msk [tilespmem:v27+s10+$0x0], $0xffff  }
0x1da: {  	s8 =	sadd.s32 $0x40, s8;
	v23 =	vsub.f32 v26, v13;
	v14 =	vld.idx.msk [tilespmem:v28+s18+$0x0], $0xffff;
	v18 =	vadd.s32 $0x1, v18  }
0x1db: {  	v20 =	vmul.u32 $0x3, v20;
	_ =	sdelay $0x1  }
0x1dc: {  	v20 =	vadd.s32 $0x1, v20;
	_ =	sdelay $0x2  }
0x1dd: {  	v21 =	vld.idx.msk [tilespmem:v21+s18+$0x0], $0xffff  }
0x1de: {  	v22 =	vld.idx.msk [tilespmem:v22+s10+$0x0], $0xffff  }
0x1df: {  	v20 =	vld.idx.msk [tilespmem:v20+s10+$0x0], $0xffff;
	_ =	sdelay $0x2  }
0x1e0: {  	s5 =	sadd.s32 $0x42, s5;
	v19 =	vsub.f32 v19, v12  }
0x1e1: {  	[tilespmem:s5+$0xFFFFFFF0] =	vst v23;
	v22 =	vsub.f32 v22, v21  }
0x1e2: {  	s6 =	sadd.s32 $0x42, s5;
	v23 =	vld [tilespmem:s2+$0x10];
	[tilespmem:s5+$0xFFFFFFCF] =	vst v19;
	v19 =	vsub.f32 v20, v14  }
0x1e3: {  	[tilespmem:s6+$0xFFFFFFF0] =	vst v22;
	v20 =	vld [tilespmem:s2+$0xFFFFFFF0]  }
0x1e4: {  	v22 =	vld [tilespmem:s3+$0x10];
	[tilespmem:s6+$0xFFFFFFCF] =	vst v19  }
0x1e5: {  	v19 =	vld [tilespmem:s3+$0xFFFFFFF0]  }
0x1e6: {  	v17 =	vmul.u32 $0x3, v17  }
0x1e7: {  	v23 =	vmul.u32 $0x3, v23  }
0x1e8: {  	v17 =	vadd.s32 $0x1, v17;
	v20 =	vmul.u32 $0x3, v20  }
0x1e9: {  	v23 =	vadd.s32 $0x1, v23;
	v22 =	vmul.u32 $0x3, v22  }
0x1ea: {  	v20 =	vadd.s32 $0x1, v20;
	v19 =	vmul.u32 $0x3, v19  }
0x1eb: {  	v22 =	vadd.s32 $0x1, v22  }
0x1ec: {  	v18 =	vld.idx.msk [tilespmem:v18+s10+$0x0], $0xffff;
	v19 =	vadd.s32 $0x1, v19  }
0x1ed: {  	v17 =	vld.idx.msk [tilespmem:v17+s10+$0x0], $0xffff  }
0x1ee: {  	v23 =	vld.idx.msk [tilespmem:v23+s10+$0x0], $0xffff  }
0x1ef: {  	v8 =	vsub.f32 v15, v8;
	v15 =	vld.idx.msk [tilespmem:v20+s10+$0x0], $0xffff  }
0x1f0: {  	v9 =	vsub.f32 v16, v9;
	v16 =	vld.idx.msk [tilespmem:v22+s10+$0x0], $0xffff  }
0x1f1: {  	[tilespmem:s1+$0x0] =	vst v8;
	v8 =	vsub.f32 v18, v10;
	v10 =	vld.idx.msk [tilespmem:v19+s10+$0x0], $0xffff  }
0x1f2: {  	[tilespmem:s1+$0xFFFFFFDF] =	vst v9;
	v9 =	vsub.f32 v17, v11  }
0x1f3: {  	s7 =	simm.s32 $0x1;
	[tilespmem:s4+$0x0] =	vst v8;
	v8 =	vsub.f32 v23, v13  }
0x1f4: {  	v11 =	vadd.s32 s7, v0;
	[tilespmem:s4+$0xFFFFFFDF] =	vst v9;
	v9 =	vsub.f32 v15, v12  }
0x1f5: {  	[tilespmem:s5+$0x0] =	vst v8;
	v8 =	vsub.f32 v16, v21  }
0x1f6: {  	[tilespmem:s5+$0xFFFFFFDF] =	vst v9;
	v9 =	vsub.f32 v10, v14  }
0x1f7: {  	s9 =	simm.s32 $0x0;
	[tilespmem:s6+$0x0] =	vst v8  }
0x1f8: {  	v8 =	vadd.s32 s9, v0;
	[tilespmem:s6+$0xFFFFFFDF] =	vst v9  }
0x1f9: {  	v9 =	vld.idx.msk [tilespmem:v11+s17+$0x0], $0xffff  }
0x1fa: {  	s31 =	simm.s32 $0x3;
	v10 =	vadd.s32 s7, v1  }
0x1fb: {  	v11 =	vadd.s32 s31, v0  }
0x1fc: {  	s6 =	simm.s32 $0x2  }
0x1fd: {  	v8 =	vld.idx.msk [tilespmem:v8+s17+$0x0], $0xffff;
	v12 =	vadd.s32 s6, v0  }
0x1fe: {  	s1 =	simm.s32 $0x4;
	v13 =	vadd.s32 s9, v1;
	[tilespmem:s0+$0x0] =	vst v9  }
0x1ff: {  	v9 =	vadd.s32 s1, v0;
	v10 =	vld.idx.msk [tilespmem:v10+s17+$0x0], $0xffff  }
0x200: {  	v14 =	vadd.s32 s7, v2;
	v11 =	vld.idx.msk [tilespmem:v11+s17+$0x0], $0xffff  }
0x201: {  	s3 =	simm.s32 $0x5;
	v15 =	vadd.s32 s31, v1  }
0x202: {  	v12 =	vld.idx.msk [tilespmem:v12+s17+$0x0], $0xffff;
	[tilespmem:s0+$0xFFFFFC00] =	vst v8;
	v8 =	vadd.s32 s3, v0  }
0x203: {  	v16 =	vadd.s32 s6, v1;
	v13 =	vld.idx.msk [tilespmem:v13+s17+$0x0], $0xffff  }
0x204: {  	s2 =	sadd.s32 $0x800, s0;
	s4 =	simm.s32 $0x6;
	v17 =	vld.idx.msk [tilespmem:v9+s17+$0x0], $0xffff;
	v9 =	vadd.s32 s9, v2;
	[tilespmem:s0+$0x10] =	vst v10  }
0x205: {  	[tilespmem:s2+$0x0] =	vst v11;
	v11 =	vadd.s32 s4, v0;
	v10 =	vld.idx.msk [tilespmem:v14+s17+$0x0], $0xffff  }
0x206: {  	v14 =	vld.idx.msk [tilespmem:v15+s17+$0x0], $0xffff;
	v15 =	vadd.s32 s7, v3  }
0x207: {  	v18 =	vadd.s32 s31, v2;
	[tilespmem:s2+$0xFFFFFC00] =	vst v12;
	v8 =	vld.idx.msk [tilespmem:v8+s17+$0x0], $0xffff;
	s7 =	simm.s32 $0x7  }
0x208: {  	[tilespmem:s0+$0xFFFFFC10] =	vst v13;
	v20 =	vld.idx.msk [tilespmem:v16+s17+$0x0], $0xffff;
	v16 =	vadd.s32 s7, v0  }
0x209: {  	v13 =	vadd.s32 s3, v1;
	v62 =	vld.idx.msk [tilespmem:v9+s17+$0x0], $0xffff  }
0x20a: {  	v63 =	vadd.s32 s1, v1;
	v9 =	vld.idx.msk [tilespmem:v11+s17+$0x0], $0xffff;
	[tilespmem:s0+$0x20] =	vst v10  }
0x20b: {  	v10 =	vadd.s32 s6, v2;
	[tilespmem:s2+$0x10] =	vst v14;
	v12 =	vld.idx.msk [tilespmem:v15+s17+$0x0], $0xffff  }
0x20c: {  	s8 =	simm.s32 $0x8;
	v19 =	vadd.s32 s9, v3;
	s5 =	sadd.s32 $0x800, s2;
	v11 =	vld.idx.msk [tilespmem:v18+s17+$0x0], $0xffff  }
0x20d: {  	[tilespmem:s5+$0x0] =	vst v8;
	v14 =	vld.idx.msk [tilespmem:v16+s17+$0x0], $0xffff;
	v16 =	vadd.s32 s8, v0  }
0x20e: {  	[tilespmem:s5+$0xFFFFFC00] =	vst v17;
	v17 =	vadd.s32 s31, v3;
	v13 =	vld.idx.msk [tilespmem:v13+s17+$0x0], $0xffff  }
0x20f: {  	[tilespmem:s2+$0xFFFFFC10] =	vst v20;
	v8 =	vld.idx.msk [tilespmem:v63+s17+$0x0], $0xffff;
	v18 =	vadd.s32 s3, v2  }
0x210: {  	s10 =	simm.s32 $0xA;
	s9 =	simm.s32 $0x9;
	v15 =	vadd.s32 s7, v1;
	[tilespmem:s0+$0xFFFFFC20] =	vst v62;
	v10 =	vld.idx.msk [tilespmem:v10+s17+$0x0], $0xffff  }
.LBB2_20:
0x211: {  	p2 =	slt.u32 s10, $0x1E;
	v20 =	vadd.s32 s9, v0;
	v21 =	vld.idx.msk [tilespmem:v19+s17+$0x0], $0xffff;
	[tilespmem:s0+$0x30] =	vst v12;
	s11 =	smov.u32 s2;
	s2 =	smov.u32 s5  }
0x212: {  	v23 =	vadd.s32 s4, v1;
	v22 =	vld.idx.msk [tilespmem:v16+s17+$0x0], $0xffff;
	[tilespmem:s11+$0x20] =	vst v11  }
0x213: {  	v24 =	vadd.s32 s1, v2;
	s5 =	sadd.s32 $0x800, s5;
	[tilespmem:s2+$0x10] =	vst v13;
	v12 =	vld.idx.msk [tilespmem:v17+s17+$0x0], $0xffff  }
.Ltmp11:
0x214: {  	v19 =	vadd.s32 s6, v3;
	s6 =	smov.u32 s1;
	s1 =	smov.u32 s4;
	[tilespmem:s5+$0x0] =	vst v14;
	v11 =	vld.idx.msk [tilespmem:v18+s17+$0x0], $0xffff;
	(pc) =	sbr.rel @p2 .LBB2_20-.Ltmp11, $4  }
0x215: {  	s4 =	smov.u32 s8;
	s8 =	smov.u32 s10;
	v16 =	vadd.s32 s10, v0;
	[tilespmem:s5+$0xFFFFFC00] =	vst v9;
	v13 =	vld.idx.msk [tilespmem:v15+s17+$0x0], $0xffff  }
0x216: {  	v17 =	vadd.s32 s3, v3;
	s3 =	smov.u32 s7;
	s7 =	smov.u32 s9;
	v14 =	vld.idx.msk [tilespmem:v20+s17+$0x0], $0xffff;
	[tilespmem:s2+$0xFFFFFC10] =	vst v8  }
0x217: {  	v18 =	vadd.s32 s3, v2;
	v8 =	vld.idx.msk [tilespmem:v23+s17+$0x0], $0xffff;
	[tilespmem:s11+$0xFFFFFC20] =	vst v10  }
0x218: {  	s10 =	sadd.s32 $0x2, s10;
	s9 =	sadd.s32 $0x1, s8;
	v15 =	vadd.s32 s7, v1;
	v9 =	vmov v22;
	v10 =	vld.idx.msk [tilespmem:v24+s17+$0x0], $0xffff;
	[tilespmem:s0+$0xFFFFFC30] =	vst v21;
	s0 =	smov.u32 s11  }
0x219: {  	_ = 	snop  }
0x21a: {  	v20 =	vadd.s32 s9, v0  }
0x21b: {  	[tilespmem:s0+$0x30] =	vst v12  }
0x21c: {  	[tilespmem:s2+$0x20] =	vst v11  }
0x21d: {  	v41 =	vld.idx.msk [tilespmem:v19+s17+$0x0], $0xffff;
	s10 =	sadd.s32 $0x800, s5;
	[tilespmem:s5+$0x10] =	vst v13  }
0x21e: {  	v42 =	vadd.s32 s4, v1;
	v44 =	vld.idx.msk [tilespmem:v16+s17+$0x0], $0xffff;
	[tilespmem:s10+$0xFFFFFC00] =	vst v9  }
0x21f: {  	[tilespmem:s5+$0xFFFFFC10] =	vst v8;
	v8 =	vadd.s32 s8, v1;
	v43 =	vld.idx.msk [tilespmem:v20+s17+$0x0], $0xffff  }
0x220: {  	v45 =	vadd.s32 s9, v1;
	v46 =	vld.idx.msk [tilespmem:v17+s17+$0x0], $0xffff;
	[tilespmem:s10+$0x0] =	vst v14  }
0x221: {  	v47 =	vadd.s32 s1, v2;
	v18 =	vld.idx.msk [tilespmem:v18+s17+$0x0], $0xffff;
	[tilespmem:s2+$0xFFFFFC20] =	vst v10  }
0x222: {  	v48 =	vadd.s32 s6, v3;
	s31 =	sadd.s32 $0x800, s10;
	v15 =	vld.idx.msk [tilespmem:v15+s17+$0x0], $0xffff;
	[tilespmem:s0+$0xFFFFFC30] =	vst v41  }
0x223: {  	v50 =	vadd.s32 s7, v2;
	v49 =	vld.idx.msk [tilespmem:v42+s17+$0x0], $0xffff;
	[tilespmem:s31+$0xFFFFFC00] =	vst v44  }
0x224: {  	v51 =	vadd.s32 s4, v2;
	v8 =	vld.idx.msk [tilespmem:v8+s17+$0x0], $0xffff;
	[tilespmem:s31+$0x0] =	vst v43  }
0x225: {  	v54 =	vadd.s32 s8, v2;
	[tilespmem:s2+$0x30] =	vst v46;
	v9 =	vld.idx.msk [tilespmem:v45+s17+$0x0], $0xffff  }
0x226: {  	v52 =	vadd.s32 s9, v2;
	v53 =	vld.idx.msk [tilespmem:v47+s17+$0x0], $0xffff;
	[tilespmem:s5+$0x20] =	vst v18  }
0x227: {  	v55 =	vadd.s32 s3, v3;
	v10 =	vld.idx.msk [tilespmem:v48+s17+$0x0], $0xffff;
	[tilespmem:s10+$0x10] =	vst v15  }
0x228: {  	v56 =	vadd.s32 s1, v3;
	v12 =	vld.idx.msk [tilespmem:v50+s17+$0x0], $0xffff;
	[tilespmem:s10+$0xFFFFFC10] =	vst v49  }
0x229: {  	v57 =	vadd.s32 s7, v3;
	v13 =	vld.idx.msk [tilespmem:v51+s17+$0x0], $0xffff;
	[tilespmem:s31+$0xFFFFFC10] =	vst v8  }
0x22a: {  	v58 =	vadd.s32 s4, v3;
	v59 =	vld.idx.msk [tilespmem:v54+s17+$0x0], $0xffff;
	[tilespmem:s31+$0x10] =	vst v9  }
0x22b: {  	v61 =	vadd.s32 s8, v3;
	[tilespmem:s5+$0xFFFFFC20] =	vst v53;
	v9 =	vld.idx.msk [tilespmem:v52+s17+$0x0], $0xffff  }
0x22c: {  	v60 =	vld.idx.msk [tilespmem:v55+s17+$0x0], $0xffff;
	[tilespmem:s2+$0xFFFFFC30] =	vst v10;
	v8 =	vadd.s32 s9, v3  }
0x22d: {  	v15 =	vld.idx.msk [tilespmem:v56+s17+$0x0], $0xffff;
	[tilespmem:s10+$0x20] =	vst v12  }
0x22e: {  	v11 =	vld.idx.msk [tilespmem:v57+s17+$0x0], $0xffff;
	[tilespmem:s10+$0xFFFFFC20] =	vst v13  }
0x22f: {  	v62 =	vld.idx.msk [tilespmem:v58+s17+$0x0], $0xffff;
	[tilespmem:s31+$0xFFFFFC20] =	vst v59  }
0x230: {  	s26 =	sadd.s32 $0x1, s26;
	v63 =	vld.idx.msk [tilespmem:v61+s17+$0x0], $0xffff;
	[tilespmem:s31+$0x20] =	vst v9  }
0x231: {  	p2 =	sne.s32 s26, $0x10;
	[tilespmem:s5+$0x30] =	vst v60;
	v8 =	vld.idx.msk [tilespmem:v8+s17+$0x0], $0xffff  }
.Ltmp12:
0x232: {  	[tilespmem:s5+$0xFFFFFC30] =	vst v15;
	(pc) =	sbr.rel @p2 .LBB2_17-.Ltmp12, $4  }
0x233: {  	[tilespmem:s10+$0x30] =	vst v11  }
0x234: {  	[tilespmem:s10+$0xFFFFFC30] =	vst v62  }
0x235: {  	s24 =	sadd.s32 $0xC0, s24;
	s25 =	sadd.s32 $0x800, s25;
	[tilespmem:s31+$0xFFFFFC30] =	vst v63  }
0x236: {  	s23 =	sadd.s32 $0x40, s23;
	p1 =	por !p1, !p1;
	s10 =	simm.s32 $0x1B080;
	[tilespmem:s31+$0x30] =	vst v8  }
0x237: {  	s23 =	simm.s32 $0x0  }
0x238: {  	s0 =	rddreg [dreg:$0xc];
	s1 =	simm.s32 $0xA000;
	s31 =	simm.s32 $0x1  }
0x239: {  	[hbm4b:s0+s23] =	stream.linear.scatter [tilespmem:s1], [sflag:$0x1], $0x8000, $0x38;
	[tilespmem:$0x1EC80] =	vst v63  }
0x23a: {  	_ =	swait.ge [sflag:s31], $0x8000  }
0x23b: {  	s24 =	simm.s32 $0x2;
	s25 =	simm.s32 $0x20;
	[sflag:s31] =	ssyncset.done $0x0  }
0x23c: {  	p1 =	por $0x0, $0x0;
	s26 =	simm.s32 $0x0;
	[sflag:s31] =	ssyncadd.s32 $0xFFFF8000  }
.LBB2_23:
0x23d: {  	v8 =	vld [tilespmem:s25+$0x0];
	_ =	sdelay $0x4  }
0x23e: {  	v9 =	vld [tilespmem:s25+$0xFFFFFFE0];
	s0 =	sadd.s32 $0x3, s24;
	v8 =	vmul.u32 $0x3, v8  }
0x23f: {  	v10 =	vmov s0  }
0x240: {  	v8 =	vadd.s32 $0x2, v8  }
0x241: {  	v11 =	vmov s24;
	s3 =	sadd.s32 $0x40, s25  }
0x242: {  	v11 =	vand.u32 $0xFFFFFFFE, v11;
	v12 =	vld [tilespmem:s3+$0x0]  }
0x243: {  	v11 =	vbroadcast v11, $0x0;
	v9 =	vmul.u32 $0x3, v9  }
0x244: {  	v14 =	vld.idx.msk [tilespmem:v10+s18+$0x0], $0xffff  }
0x245: {  	s1 =	sadd.s32 $0x6, s24;
	v9 =	vadd.s32 $0x2, v9;
	v10 =	vld.idx.msk [tilespmem:v8+s10+$0x0], $0xffff  }
0x246: {  	s30 =	sadd.s32 $0x3, s1;
	v13 =	vld [tilespmem:s3+$0xFFFFFFE0]  }
0x247: {  	s4 =	sadd.s32 $0x40, s3;
	v15 =	vmov s30;
	v12 =	vmul.u32 $0x3, v12  }
0x248: {  	v18 =	vld [tilespmem:s4+$0xFFFFFFE0]  }
0x249: {  	v8 =	vld.idx.msk [tilespmem:v11+s18+$0x0], $0xffff;
	v11 =	vadd.s32 $0x2, v12  }
0x24a: {  	v12 =	vmov s1;
	v16 =	vld.idx.msk [tilespmem:v9+s10+$0x0], $0xffff;
	v10 =	vsub.f32 v10, v14  }
0x24b: {  	s0 =	simm.s32 $0x1A031;
	v13 =	vmul.u32 $0x3, v13;
	v9 =	vand.u32 $0xFFFFFFFE, v12;
	v12 =	vld [tilespmem:s4+$0x0]  }
0x24c: {  	v17 =	vbroadcast v9, $0x0;
	v9 =	vld.idx.msk [tilespmem:v15+s18+$0x0], $0xffff;
	[tilespmem:s0+$0xFFFFFFF0] =	vst v10  }
0x24d: {  	v13 =	vadd.s32 $0x2, v13;
	v15 =	vld [tilespmem:s25+$0x10]  }
0x24e: {  	s5 =	sadd.s32 $0x6, s1;
	v11 =	vld.idx.msk [tilespmem:v11+s10+$0x0], $0xffff  }
0x24f: {  	s1 =	sadd.s32 $0x3, s5  }
0x250: {  	s2 =	sadd.s32 $0x40, s4;
	v20 =	vmov s1;
	v12 =	vmul.u32 $0x3, v12  }
0x251: {  	v22 =	vld [tilespmem:s2+$0xFFFFFFE0];
	v18 =	vmul.u32 $0x3, v18;
	v16 =	vsub.f32 v16, v8  }
0x252: {  	v19 =	vmov s5;
	v13 =	vld.idx.msk [tilespmem:v13+s10+$0x0], $0xffff;
	v12 =	vadd.s32 $0x2, v12;
	v15 =	vmul.u32 $0x3, v15  }
0x253: {  	v18 =	vadd.s32 $0x2, v18;
	[tilespmem:s0+$0xFFFFFFCF] =	vst v16;
	v16 =	vand.u32 $0xFFFFFFFE, v19;
	v19 =	vld [tilespmem:s2+$0x0];
	v11 =	vsub.f32 v11, v9  }
0x254: {  	s1 =	simm.s32 $0x1A073;
	v10 =	vld.idx.msk [tilespmem:v17+s18+$0x0], $0xffff;
	v15 =	vadd.s32 $0x2, v15  }
0x255: {  	v16 =	vbroadcast v16, $0x0;
	[tilespmem:s1+$0xFFFFFFF0] =	vst v11;
	v11 =	vld.idx.msk [tilespmem:v20+s18+$0x0], $0xffff  }
0x256: {  	v21 =	vld [tilespmem:s3+$0x10]  }
0x257: {  	s6 =	sadd.s32 $0x6, s5;
	v20 =	vld.idx.msk [tilespmem:v12+s10+$0x0], $0xffff  }
0x258: {  	s5 =	sadd.s32 $0x3, s6;
	v18 =	vld.idx.msk [tilespmem:v18+s10+$0x0], $0xffff  }
0x259: {  	v19 =	vmul.u32 $0x3, v19;
	v13 =	vsub.f32 v13, v10;
	v23 =	vld.idx.msk [tilespmem:v15+s10+$0x0], $0xffff;
	v15 =	vmov s5  }
0x25a: {  	v17 =	vld [tilespmem:s25+$0xFFFFFFF0]  }
0x25b: {  	v12 =	vld.idx.msk [tilespmem:v16+s18+$0x0], $0xffff;
	v19 =	vadd.s32 $0x2, v19;
	[tilespmem:s1+$0xFFFFFFCF] =	vst v13;
	v16 =	vmul.u32 $0x3, v21;
	v21 =	vmov s6  }
0x25c: {  	v20 =	vsub.f32 v20, v11;
	v13 =	vand.u32 $0xFFFFFFFE, v21;
	v21 =	vld [tilespmem:s3+$0xFFFFFFF0];
	s3 =	sadd.s32 $0x40, s2  }
0x25d: {  	v22 =	vmul.u32 $0x3, v22;
	v16 =	vadd.s32 $0x2, v16;
	v24 =	vbroadcast v13, $0x0;
	v25 =	vld [tilespmem:s3+$0x0];
	s5 =	simm.s32 $0x1A0B5  }
0x25e: {  	[tilespmem:s5+$0xFFFFFFF0] =	vst v20;
	v13 =	vld.idx.msk [tilespmem:v15+s18+$0x0], $0xffff  }
0x25f: {  	v15 =	vmul.u32 $0x3, v17;
	v17 =	vadd.s32 $0x2, v22;
	v22 =	vld [tilespmem:s4+$0x10]  }
0x260: {  	s7 =	simm.s32 $0x1;
	v26 =	vld.idx.msk [tilespmem:v19+s10+$0x0], $0xffff  }
0x261: {  	s8 =	sshll.u32 s23, $0x2;
	s7 =	simm.s32 @!p1 $0x0;
	s6 =	sadd.s32 $0x6, s6;
	v19 =	vld [tilespmem:s3+$0xFFFFFFE0];
	v27 =	vadd.s32 $0x2, v15  }
0x262: {  	s8 =	sand.u32 $0xFFFFFE00, s8;
	s7 =	sshll.u32 s7, $0x8;
	s31 =	sadd.s32 $0x3, s6;
	v20 =	vmov s6;
	v21 =	vmul.u32 $0x3, v21;
	v15 =	vld.idx.msk [tilespmem:v16+s10+$0x0], $0xffff;
	v16 =	vsub.f32 v18, v12  }
0x263: {  	s7 =	sor.u32 s7, s8;
	v25 =	vmul.u32 $0x3, v25;
	v18 =	vsub.f32 v23, v14;
	v14 =	vld.idx.msk [tilespmem:v24+s18+$0x0], $0xffff;
	v23 =	vmov s31  }
0x264: {  	s7 =	sshrl.u32 s7, $0x2;
	v24 =	vand.u32 $0xFFFFFFFE, v20;
	[tilespmem:s5+$0xFFFFFFCF] =	vst v16;
	v20 =	vld.idx.msk [tilespmem:v17+s10+$0x0], $0xffff;
	v22 =	vmul.u32 $0x3, v22  }
0x265: {  	s28 =	sadd.s32 $0xA400, s7;
	v16 =	vadd.s32 $0x2, v21;
	v17 =	vbroadcast v24, $0x0;
	v21 =	vld [tilespmem:s4+$0xFFFFFFF0];
	v24 =	vadd.s32 $0x2, v25  }
0x266: {  	s7 =	simm.s32 $0x8;
	s8 =	sadd.s32 $0x40, s3;
	[tilespmem:s0+$0x0] =	vst v18;
	v25 =	vsub.f32 v26, v13;
	s4 =	simm.s32 $0x1A0B5;
	v22 =	vadd.s32 $0x2, v22;
	v18 =	vld.idx.msk [tilespmem:v27+s10+$0x0], $0xffff  }
.LBB2_24:
0x267: {  	v26 =	vld [tilespmem:s8+$0x0];
	v19 =	vmul.u32 $0x3, v19;
	s5 =	sadd.s32 $0x42, s5;
	v15 =	vsub.f32 v15, v9;
	v9 =	vmovc v11;
	v11 =	vmov v13  }
0x268: {  	s7 =	sadd.s32 $0x2, s7;
	v13 =	vld.idx.msk [tilespmem:v23+s18+$0x0], $0xffff;
	[tilespmem:s5+$0xFFFFFFF0] =	vst v25  }
0x269: {  	p2 =	slt.u32 s7, $0x3E;
	v25 =	vadd.s32 $0x2, v19;
	v27 =	vld [tilespmem:s2+$0x10];
	[tilespmem:s1+$0x0] =	vst v15  }
0x26a: {  	v20 =	vsub.f32 v20, v14;
	v28 =	vld.idx.msk [tilespmem:v24+s10+$0x0], $0xffff;
	v21 =	vmul.u32 $0x3, v21  }
0x26b: {  	s6 =	sadd.s32 $0x6, s6;
	v15 =	vld.idx.msk [tilespmem:v22+s10+$0x0], $0xffff  }
.Ltmp13:
0x26c: {  	s9 =	sadd.s32 $0x3, s6;
	v22 =	vmov s6;
	v18 =	vsub.f32 v18, v8;
	v8 =	vmovc v10;
	v10 =	vmovc v12;
	v19 =	vld [tilespmem:s8+$0xFFFFFFE0];
	[tilespmem:s5+$0xFFFFFFCF] =	vst v20;
	v29 =	vadd.s32 $0x2, v21;
	(pc) =	sbr.rel @p2 .LBB2_24-.Ltmp13, $4  }
0x26d: {  	v23 =	vmov s9;
	v12 =	vmovc v14;
	v20 =	vand.u32 $0xFFFFFFFE, v22;
	v21 =	vmul.u32 $0x3, v26;
	v14 =	vld.idx.msk [tilespmem:v17+s18+$0x0], $0xffff  }
0x26e: {  	v17 =	vbroadcast v20, $0x0;
	v20 =	vld.idx.msk [tilespmem:v25+s10+$0x0], $0xffff;
	v22 =	vmul.u32 $0x3, v27;
	[tilespmem:s0+$0xFFFFFFDF] =	vst v18;
	s0 =	smov.u32 s1;
	s1 =	smov.u32 s4;
	s4 =	smov.u32 s5  }
0x26f: {  	v24 =	vadd.s32 $0x2, v21;
	v21 =	vld [tilespmem:s2+$0xFFFFFFF0];
	s2 =	smov.u32 s3;
	s3 =	smov.u32 s8  }
0x270: {  	s8 =	sadd.s32 $0x40, s8;
	v25 =	vsub.f32 v28, v13;
	v22 =	vadd.s32 $0x2, v22;
	v18 =	vld.idx.msk [tilespmem:v16+s10+$0x0], $0xffff;
	v16 =	vmov v29  }
0x271: {  	v19 =	vmul.u32 $0x3, v19;
	_ =	sdelay $0x1  }
0x272: {  	v19 =	vadd.s32 $0x2, v19;
	_ =	sdelay $0x1  }
0x273: {  	v23 =	vld.idx.msk [tilespmem:v23+s18+$0x0], $0xffff  }
0x274: {  	v24 =	vld.idx.msk [tilespmem:v24+s10+$0x0], $0xffff  }
0x275: {  	v17 =	vld.idx.msk [tilespmem:v17+s18+$0x0], $0xffff  }
0x276: {  	v19 =	vld.idx.msk [tilespmem:v19+s10+$0x0], $0xffff;
	_ =	sdelay $0x1  }
0x277: {  	s5 =	sadd.s32 $0x42, s5  }
0x278: {  	[tilespmem:s5+$0xFFFFFFF0] =	vst v25;
	v24 =	vsub.f32 v24, v23  }
0x279: {  	s6 =	sadd.s32 $0x42, s5;
	v25 =	vld [tilespmem:s2+$0x10];
	v20 =	vsub.f32 v20, v14  }
0x27a: {  	[tilespmem:s6+$0xFFFFFFF0] =	vst v24;
	v19 =	vsub.f32 v19, v17  }
0x27b: {  	[tilespmem:s5+$0xFFFFFFCF] =	vst v20;
	v60 =	vld [tilespmem:s3+$0x10]  }
0x27c: {  	v61 =	vld [tilespmem:s2+$0xFFFFFFF0];
	[tilespmem:s6+$0xFFFFFFCF] =	vst v19  }
0x27d: {  	v19 =	vld [tilespmem:s3+$0xFFFFFFF0]  }
0x27e: {  	v25 =	vmul.u32 $0x3, v25  }
0x27f: {  	v21 =	vmul.u32 $0x3, v21  }
0x280: {  	v25 =	vadd.s32 $0x2, v25;
	v20 =	vmul.u32 $0x3, v60  }
0x281: {  	v21 =	vadd.s32 $0x2, v21;
	v24 =	vmul.u32 $0x3, v61  }
0x282: {  	v20 =	vadd.s32 $0x2, v20;
	v19 =	vmul.u32 $0x3, v19  }
0x283: {  	v22 =	vld.idx.msk [tilespmem:v22+s10+$0x0], $0xffff;
	v24 =	vadd.s32 $0x2, v24  }
0x284: {  	v16 =	vld.idx.msk [tilespmem:v16+s10+$0x0], $0xffff;
	v19 =	vadd.s32 $0x2, v19  }
0x285: {  	v25 =	vld.idx.msk [tilespmem:v25+s10+$0x0], $0xffff  }
0x286: {  	v9 =	vsub.f32 v15, v9;
	v62 =	vld.idx.msk [tilespmem:v21+s10+$0x0], $0xffff  }
0x287: {  	v8 =	vsub.f32 v18, v8;
	v63 =	vld.idx.msk [tilespmem:v20+s10+$0x0], $0xffff  }
0x288: {  	[tilespmem:s1+$0x0] =	vst v9;
	v9 =	vsub.f32 v22, v11;
	v11 =	vld.idx.msk [tilespmem:v24+s10+$0x0], $0xffff  }
0x289: {  	[tilespmem:s0+$0xFFFFFFDF] =	vst v8;
	v8 =	vsub.f32 v16, v10;
	v10 =	vld.idx.msk [tilespmem:v19+s10+$0x0], $0xffff  }
0x28a: {  	[tilespmem:s4+$0x0] =	vst v9;
	v9 =	vsub.f32 v25, v13  }
0x28b: {  	p6 =	por $0x1, $0x1;
	[tilespmem:s1+$0xFFFFFFDF] =	vst v8;
	v8 =	vsub.f32 v62, v12  }
.Ltmp14:
0x28c: {  	[tilespmem:s5+$0x0] =	vst v9;
	v9 =	vsub.f32 v63, v23;
	(pc) =	sbr.rel @!p6 .LBB2_26-.Ltmp14, $4  }
0x28d: {  	[tilespmem:s4+$0xFFFFFFDF] =	vst v8;
	v8 =	vsub.f32 v11, v14  }
0x28e: {  	s11 =	simm.s32 $0x1;
	[tilespmem:s6+$0x0] =	vst v9;
	v9 =	vsub.f32 v10, v17  }
0x28f: {  	p2 =	por $0x0, $0x0;
	p3 =	por $0x0, $0x0;
	s4 =	simm.s32 $0x0;
	[tilespmem:s5+$0xFFFFFFDF] =	vst v8  }
0x290: {  	p4 =	por $0x0, $0x0;
	p5 =	por $0x0, $0x0;
	s1 =	simm.s32 $0x2;
	v10 =	vadd.s32 s4, v0;
	[tilespmem:s6+$0xFFFFFFDF] =	vst v9  }
0x291: {  	v8 =	vadd.s32 s11, v0;
	p6 =	por $0x1, $0x1  }
.Ltmp15:
0x292: {  	_ = 	snop;
	(pc) =	sbr.rel @!p6 .LBB2_28-.Ltmp15, $3  }
0x293: {  	_ =	sdelay $0x1  }
0x294: {  	v23 =	vld.idx.msk [tilespmem:v10+s17+$0x0], $0xffff  }
0x295: {  	v10 =	vadd.s32 s1, v0;
	s5 =	simm.s32 $0x3;
	s0 =	simm.s32 $0x4;
	v12 =	vadd.s32 s11, v1;
	p2 =	por $0x1, $0x1;
	v8 =	vld.idx.msk [tilespmem:v8+s17+$0x0], $0xffff  }
0x296: {  	_ = 	snop  }
0x297: {  	v9 =	vadd.s32 s5, v0  }
0x298: {  	v13 =	vadd.s32 s4, v1;
	p6 =	por $0x1, $0x1  }
.Ltmp16:
0x299: {  	_ = 	snop;
	(pc) =	sbr.rel @!p6 .LBB2_30-.Ltmp16, $4  }
0x29a: {  	v11 =	vld.idx.msk [tilespmem:v10+s17+$0x0], $0xffff;
	[tilespmem:s28+$0x0] =	vst v8  }
0x29b: {  	v16 =	vld.idx.msk [tilespmem:v12+s17+$0x0], $0xffff  }
0x29c: {  	[tilespmem:s28+$0xFFFFFC00] =	vst v23;
	v8 =	vld.idx.msk [tilespmem:v9+s17+$0x0], $0xffff  }
0x29d: {  	v10 =	vadd.s32 s0, v0;
	v18 =	vadd.s32 s11, v2;
	s7 =	simm.s32 $0x5;
	s10 =	simm.s32 $0x6;
	p3 =	por $0x1, $0x1;
	v17 =	vld.idx.msk [tilespmem:v13+s17+$0x0], $0xffff;
	v12 =	vadd.s32 s5, v1  }
0x29e: {  	_ =	sdelay $0x1  }
0x29f: {  	v14 =	vadd.s32 s7, v0  }
0x2a0: {  	v19 =	vadd.s32 s1, v1  }
0x2a1: {  	v23 =	vld.idx.msk [tilespmem:v10+s17+$0x0], $0xffff;
	v20 =	vadd.s32 s4, v2;
	s6 =	sadd.s32 $0x800, s28;
	p6 =	por $0x1, $0x1;
	[tilespmem:s28+$0x10] =	vst v16  }
.Ltmp17:
0x2a2: {  	[tilespmem:s6+$0x0] =	vst v8;
	v9 =	vld.idx.msk [tilespmem:v18+s17+$0x0], $0xffff;
	(pc) =	sbr.rel @!p6 .LBB2_32-.Ltmp17, $4  }
0x2a3: {  	v13 =	vld.idx.msk [tilespmem:v12+s17+$0x0], $0xffff  }
0x2a4: {  	[tilespmem:s6+$0xFFFFFC00] =	vst v11;
	v8 =	vld.idx.msk [tilespmem:v14+s17+$0x0], $0xffff  }
0x2a5: {  	v15 =	vadd.s32 s11, v3;
	[tilespmem:s28+$0xFFFFFC10] =	vst v17;
	v14 =	vld.idx.msk [tilespmem:v19+s17+$0x0], $0xffff  }
0x2a6: {  	v10 =	vadd.s32 s10, v0;
	s11 =	simm.s32 $0x7;
	s13 =	simm.s32 $0x8;
	p4 =	por $0x1, $0x1;
	v12 =	vadd.s32 s7, v1;
	v19 =	vadd.s32 s5, v2;
	v11 =	vld.idx.msk [tilespmem:v20+s17+$0x0], $0xffff  }
0x2a7: {  	_ =	sdelay $0x2  }
0x2a8: {  	v17 =	vadd.s32 s11, v0  }
0x2a9: {  	v26 =	vld.idx.msk [tilespmem:v10+s17+$0x0], $0xffff;
	v18 =	vadd.s32 s0, v1;
	[tilespmem:s28+$0x20] =	vst v9  }
0x2aa: {  	v25 =	vadd.s32 s1, v2;
	s14 =	sadd.s32 $0x800, s6;
	p6 =	por $0x1, $0x1;
	[tilespmem:s6+$0x10] =	vst v13;
	v20 =	vld.idx.msk [tilespmem:v15+s17+$0x0], $0xffff  }
.Ltmp18:
0x2ab: {  	v21 =	vadd.s32 s4, v3;
	[tilespmem:s14+$0x0] =	vst v8;
	v22 =	vld.idx.msk [tilespmem:v19+s17+$0x0], $0xffff;
	(pc) =	sbr.rel @!p6 .LBB2_34-.Ltmp18, $4  }
0x2ac: {  	v10 =	vadd.s32 s13, v0;
	v16 =	vld.idx.msk [tilespmem:v12+s17+$0x0], $0xffff  }
0x2ad: {  	v24 =	vadd.s32 s5, v3;
	[tilespmem:s14+$0xFFFFFC00] =	vst v23;
	v8 =	vld.idx.msk [tilespmem:v17+s17+$0x0], $0xffff  }
0x2ae: {  	s9 =	simm.s32 $0x9;
	s8 =	simm.s32 $0xA;
	[tilespmem:s6+$0xFFFFFC10] =	vst v14;
	v17 =	vld.idx.msk [tilespmem:v18+s17+$0x0], $0xffff;
	v18 =	vadd.s32 s7, v2  }
0x2af: {  	p5 =	por $0x1, $0x1;
	s2 =	smov.u32 s28;
	s3 =	simm.s32 $0x2;
	v12 =	vadd.s32 s11, v1;
	[tilespmem:s28+$0xFFFFFC20] =	vst v11;
	v25 =	vld.idx.msk [tilespmem:v25+s17+$0x0], $0xffff  }
.LBB2_35:
0x2b0: {  	p6 =	slt.u32 s8, $0x1E;
	v23 =	vadd.s32 s9, v0;
	v27 =	vld.idx.msk [tilespmem:v21+s17+$0x0], $0xffff;
	[tilespmem:s2+$0x30] =	vst v20;
	s12 =	smov.u32 s6;
	s6 =	smov.u32 s14  }
0x2b1: {  	v29 =	vadd.s32 s10, v1;
	v28 =	vld.idx.msk [tilespmem:v10+s17+$0x0], $0xffff;
	[tilespmem:s12+$0x20] =	vst v22  }
0x2b2: {  	v30 =	vadd.s32 s0, v2;
	s14 =	sadd.s32 $0x800, s14;
	[tilespmem:s6+$0x10] =	vst v16;
	v20 =	vld.idx.msk [tilespmem:v24+s17+$0x0], $0xffff  }
.Ltmp19:
0x2b3: {  	v21 =	vadd.s32 s3, v3;
	s3 =	smov.u32 s0;
	s0 =	smov.u32 s10;
	[tilespmem:s14+$0x0] =	vst v8;
	v22 =	vld.idx.msk [tilespmem:v18+s17+$0x0], $0xffff;
	(pc) =	sbr.rel @p6 .LBB2_35-.Ltmp19, $4  }
0x2b4: {  	s10 =	smov.u32 s13;
	s13 =	smov.u32 s8;
	v10 =	vadd.s32 s8, v0;
	[tilespmem:s14+$0xFFFFFC00] =	vst v26;
	v16 =	vld.idx.msk [tilespmem:v12+s17+$0x0], $0xffff  }
0x2b5: {  	v24 =	vadd.s32 s7, v3;
	s7 =	smov.u32 s11;
	s11 =	smov.u32 s9;
	v8 =	vld.idx.msk [tilespmem:v23+s17+$0x0], $0xffff;
	[tilespmem:s6+$0xFFFFFC10] =	vst v17  }
0x2b6: {  	v18 =	vadd.s32 s7, v2;
	v17 =	vld.idx.msk [tilespmem:v29+s17+$0x0], $0xffff;
	[tilespmem:s12+$0xFFFFFC20] =	vst v25  }
0x2b7: {  	s8 =	sadd.s32 $0x2, s8;
	s9 =	sadd.s32 $0x1, s13;
	v12 =	vadd.s32 s11, v1;
	v26 =	vmov v28;
	v25 =	vld.idx.msk [tilespmem:v30+s17+$0x0], $0xffff;
	[tilespmem:s2+$0xFFFFFC30] =	vst v27;
	s2 =	smov.u32 s12  }
0x2b8: {  	s12 =	smov.u32 s6  }
0x2b9: {  	s8 =	smov.u32 s0;
	s6 =	smov.u32 s14;
	v23 =	vmov v26;
	s0 =	smov.u32 s13  }
.LBB2_37:
0x2ba: {  	_ = 	snop  }
0x2bb: {  	v26 =	vadd.s32 s9, v0;
	_ =	sdelay $0x1  }
0x2bc: {  	[tilespmem:s2+$0x30] =	vst @p5 v20  }
0x2bd: {  	v20 =	vld.idx.msk @p5 [tilespmem:v21+s17+$0x0], $0xffff;
	s13 =	smov.u32 @p3 s6;
	v21 =	vadd.s32 @p2 s10, v1;
	[tilespmem:s12+$0x20] =	vst @p4 v22;
	s6 =	sadd.s32 @p3 $0x800, s6;
	s14 =	smov.u32 s28  }
0x2be: {  	v10 =	vld.idx.msk [tilespmem:v10+s17+$0x0], $0xffff;
	[tilespmem:s13+$0x10] =	vst @p3 v16;
	s14 =	smov.u32 @p3 s6  }
0x2bf: {  	v16 =	vadd.s32 @p3 s8, v2;
	[tilespmem:s14+$0x0] =	vst @p2 v8;
	v8 =	vld.idx.msk [tilespmem:v26+s17+$0x0], $0xffff  }
0x2c0: {  	v55 =	vadd.s32 s9, v1;
	s6 =	smov.u32 @p2 s11;
	[tilespmem:s13+$0xFFFFFC10] =	vst @p3 v17;
	v12 =	vld.idx.msk @p2 [tilespmem:v12+s17+$0x0], $0xffff  }
0x2c1: {  	v56 =	vadd.s32 s0, v1;
	[tilespmem:s14+$0xFFFFFC00] =	vst @p2 v23;
	v23 =	vld.idx.msk @p4 [tilespmem:v24+s17+$0x0], $0xffff;
	v17 =	vadd.s32 @p2 s6, v2  }
0x2c2: {  	[tilespmem:s12+$0xFFFFFC20] =	vst @p4 v25;
	s11 =	sadd.s32 @p2 $0x800, s14;
	v17 =	vpsel p2, v17, v19;
	v26 =	vadd.s32 @p4 s3, v3;
	s3 =	smov.u32 @p2 s10;
	v21 =	vld.idx.msk @p2 [tilespmem:v21+s17+$0x0], $0xffff  }
0x2c3: {  	v18 =	vld.idx.msk @p3 [tilespmem:v18+s17+$0x0], $0xffff;
	s10 =	smov.u32 s28;
	[tilespmem:s2+$0xFFFFFC30] =	vst @p5 v20;
	s28 =	smov.u32 @p2 s11;
	s1 =	smov.u32 @p2 s3  }
0x2c4: {  	v20 =	vadd.s32 @p3 s7, v3;
	v16 =	vld.idx.msk @p3 [tilespmem:v16+s17+$0x0], $0xffff;
	v25 =	vadd.s32 @p2 s1, v2;
	[tilespmem:s28+$0x0] =	vst v8  }
0x2c5: {  	s2 =	smov.u32 @p3 s8;
	s7 =	smov.u32 @p2 s14;
	s3 =	smov.u32 @p4 s12;
	[tilespmem:s28+$0xFFFFFC00] =	vst v10;
	v8 =	vpsel p2, v12, v13;
	v12 =	vpsel p3, v20, v15;
	v57 =	vld.idx.msk [tilespmem:v55+s17+$0x0], $0xffff  }
0x2c6: {  	v58 =	vadd.s32 s9, v2;
	s4 =	smov.u32 @p3 s2;
	s3 =	smov.u32 @p4 s3;
	v13 =	vpsel p4, v23, v0;
	[tilespmem:s7+$0x10] =	vst @p2 v8;
	v8 =	vld.idx.msk [tilespmem:v56+s17+$0x0], $0xffff  }
0x2c7: {  	v59 =	vadd.s32 s0, v2;
	s5 =	smov.u32 @p2 s6;
	s10 =	smov.u32 @p3 s13;
	v14 =	vpsel p2, v21, v14;
	[tilespmem:s3+$0x30] =	vst @p4 v13;
	v13 =	vld.idx.msk @p2 [tilespmem:v17+s17+$0x0], $0xffff;
	v17 =	vadd.s32 @p3 s4, v3  }
0x2c8: {  	v9 =	vpsel p3, v18, v9;
	s2 =	smov.u32 @p3 s10;
	[tilespmem:s7+$0xFFFFFC10] =	vst @p2 v14;
	v14 =	vadd.s32 @p2 s5, v3;
	v17 =	vpsel p3, v17, v0  }
0x2c9: {  	s1 =	smov.u32 @p2 s1;
	[tilespmem:s2+$0x20] =	vst @p3 v9;
	v9 =	vld.idx.msk @p2 [tilespmem:v25+s17+$0x0], $0xffff;
	v14 =	vpsel p2, v14, v0  }
0x2ca: {  	v10 =	vadd.s32 @p2 s1, v3;
	v12 =	vld.idx.msk @p3 [tilespmem:v12+s17+$0x0], $0xffff;
	[tilespmem:s28+$0x10] =	vst v57  }
0x2cb: {  	v11 =	vpsel p3, v16, v11;
	[tilespmem:s28+$0xFFFFFC10] =	vst v8;
	v8 =	vpsel p2, v10, v0;
	v15 =	vld.idx.msk [tilespmem:v58+s17+$0x0], $0xffff  }
0x2cc: {  	s1 =	smov.u32 @p2 s7;
	[tilespmem:s2+$0xFFFFFC20] =	vst @p3 v11;
	v10 =	vpsel p2, v13, v0;
	v61 =	vld.idx.msk [tilespmem:v59+s17+$0x0], $0xffff  }
0x2cd: {  	v16 =	vld.idx.msk @p3 [tilespmem:v17+s17+$0x0], $0xffff;
	[tilespmem:s1+$0x20] =	vst @p2 v10  }
0x2ce: {  	v62 =	vadd.s32 s0, v3;
	v19 =	vpsel p4, v26, v0;
	s0 =	smov.u32 @p3 s2;
	v9 =	vpsel p2, v9, v0;
	v14 =	vld.idx.msk @p2 [tilespmem:v14+s17+$0x0], $0xffff  }
0x2cf: {  	v60 =	vadd.s32 s9, v3;
	s0 =	smov.u32 @p3 s0;
	[tilespmem:s1+$0xFFFFFC20] =	vst @p2 v9;
	v9 =	vpsel p3, v12, v0  }
0x2d0: {  	v8 =	vld.idx.msk @p2 [tilespmem:v8+s17+$0x0], $0xffff;
	[tilespmem:s0+$0x30] =	vst @p3 v9  }
0x2d1: {  	[tilespmem:s28+$0x20] =	vst v15  }
0x2d2: {  	[tilespmem:s28+$0xFFFFFC20] =	vst v61  }
0x2d3: {  	v18 =	vld.idx.msk @p4 [tilespmem:v19+s17+$0x0], $0xffff;
	[tilespmem:s0+$0xFFFFFC30] =	vst @p3 v16;
	s0 =	smov.u32 @p2 s1;
	v10 =	vpsel p2, v14, v0  }
0x2d4: {  	s26 =	sadd.s32 $0x1, s26;
	v11 =	vld.idx.msk [tilespmem:v60+s17+$0x0], $0xffff;
	[tilespmem:s0+$0x30] =	vst @p2 v10  }
0x2d5: {  	v63 =	vld.idx.msk [tilespmem:v62+s17+$0x0], $0xffff;
	[tilespmem:s0+$0xFFFFFC30] =	vst @p2 v8;
	p2 =	sne.s32 s26, $0x10  }
.Ltmp20:
0x2d6: {  	_ = 	snop;
	(pc) =	sbr.rel @p2 .LBB2_23-.Ltmp20, $4  }
.Ltmp21:
0x2d7: {  	_ = 	snop;
	(pc) =	sbr.rel @!p2 .LBB2_38-.Ltmp21, $4  }
0x2d8: {  	[tilespmem:s3+$0xFFFFFC30] =	vst @p4 v18  }
0x2d9: {  	s24 =	sadd.s32 $0xC0, s24;
	s25 =	sadd.s32 $0x800, s25;
	[tilespmem:s28+$0x30] =	vst v11  }
0x2da: {  	s23 =	sadd.s32 $0x40, s23;
	p1 =	por !p1, !p1;
	s10 =	simm.s32 $0x1B080;
	[tilespmem:s28+$0xFFFFFC30] =	vst v63  }
0x2db: {  	_ = 	snop  }
.LBB2_26:
.Ltmp22:
0x2dc: {  	(pc) =	sbr.rel .LBB2_37-.Ltmp22, $2  }
0x2dd: {  	_ =	sdelay $0x2  }
0x2de: {  	s9 =	simm.s32 $0x1;
	s6 =	smov.u32 s28;
	s0 =	simm.s32 $0x0  }
.LBB2_28:
.Ltmp23:
0x2df: {  	(pc) =	sbr.rel .LBB2_37-.Ltmp23, $3  }
0x2e0: {  	_ =	sdelay $0x1  }
0x2e1: {  	s9 =	simm.s32 $0x3  }
0x2e2: {  	s6 =	smov.u32 s28;
	s10 =	simm.s32 $0x0;
	s0 =	simm.s32 $0x2  }
.LBB2_30:
.Ltmp24:
0x2e3: {  	(pc) =	sbr.rel .LBB2_37-.Ltmp24, $3  }
0x2e4: {  	_ =	sdelay $0x1  }
0x2e5: {  	s9 =	simm.s32 $0x5;
	s10 =	simm.s32 $0x2;
	s6 =	smov.u32 s28  }
0x2e6: {  	s8 =	simm.s32 $0x0;
	s7 =	simm.s32 $0x1;
	s11 =	simm.s32 $0x3;
	v23 =	vmov v11  }
.LBB2_32:
.Ltmp25:
0x2e7: {  	_ = 	snop;
	(pc) =	sbr.rel .LBB2_37-.Ltmp25, $4  }
0x2e8: {  	_ = 	snop  }
0x2e9: {  	s9 =	simm.s32 $0x7;
	s10 =	simm.s32 $0x4  }
0x2ea: {  	s8 =	simm.s32 $0x2;
	s3 =	simm.s32 $0x0;
	s12 =	smov.u32 s28;
	v22 =	vmov v9  }
0x2eb: {  	v24 =	vmovc v15;
	v18 =	vmovc v19;
	s0 =	simm.s32 $0x6;
	s7 =	simm.s32 $0x3;
	s11 =	simm.s32 $0x5;
	v16 =	vmov v13;
	v17 =	vmov v14;
	v25 =	vmov v11  }
.LBB2_34:
.Ltmp26:
0x2ec: {  	(pc) =	sbr.rel .LBB2_37-.Ltmp26, $3  }
0x2ed: {  	_ =	sdelay $0x1  }
0x2ee: {  	s12 =	smov.u32 s6;
	s2 =	smov.u32 s28;
	s6 =	smov.u32 s14  }
0x2ef: {  	s8 =	simm.s32 $0x4;
	s3 =	simm.s32 $0x2;
	v23 =	vmov v26;
	s0 =	simm.s32 $0x8  }
.LBB2_40:
0x2f0: {  	_ =	sfence.sel $0x180000  }
0x2f1: {  	[bflag:$0x0] =	sbarrier.arrive $0xFFFF  }
0x2f2: {  	_ =	strace $0x9000004A  }
0x2f3: {  	s0 =	stileid.u32;
	[bflag:$0x2] =	sbarrier.arrive $0xFFFF  }
0x2f4: {  	p0 =	sne.s32 s0, $0x0;
	s0 =	rddreg [dreg:$0x2]  }
0x2f5: {  	s0 =	sadd.s32 @!p0 $0x100000, s0  }
0x2f6: {  	[sflag:s0] =	ssyncadd.tile.s32 @!p0 $0x1;
	_ =	shalt  }
.Lfunc_end2:
_tile_overlayer_lowered:
.L_overlay_start_2:
0x2f7: {  	(tag) =	ssettag $0x2  }
0x2f8: {  	s0 =	rddreg [dreg:$0x0];
	s2 =	stileid.u32  }
0x2f9: {  	s1 =	rddreg [dreg:$0x1];
	p0 =	sne.s32 s2, $0x0  }
0x2fa: {  	s3 =	rddreg [dreg:$0x2];
	[bflag:$0x3] =	sbarrier.arrive $0xFFFF;
	s2 =	simm.s32 @!p0 $0x1C01  }
0x2fb: {  	[timem:s3], [sflag:s2] =	dma.local @!p0 [hbm:s0], s1  }
0x2fc: {  	s0 =	simm.s32 @!p0 $0x1  }
0x2fd: {  	_ =	swait.ge @!p0 [sflag:s0], s1  }
0x2fe: {  	s1 =	ssub.s32 @!p0 $0x0, s1;
	[sflag:s0] =	ssyncset.done @!p0 $0x0  }
0x2ff: {  	[sflag:s0] =	ssyncadd.s32 @!p0 s1  }
0x300: {  	[bflag:$0x3] =	sbarrier.arrive $0xFFFF  }
0x301: {  	_ =	shalt  }

</sc_bundles>
